<compile_context>
chip_gen: v7x
topology: tpu7x:2x2x1
jax: 0.10.2.dev20260603
libtpu: 0.0.44.dev20260713+nightly
codegen_flags: <defaults>
</compile_context>

<pallas_src>
import functools

import jax
import jax.numpy as jnp
from jax import lax
from jax.experimental import pallas as pl
from jax.experimental.pallas import tpu as pltpu
from jax.experimental.pallas import tpu_sc as plsc

N_ROWS = 16384
N_COLS = 200
TOTAL = N_ROWS * N_COLS
TABLE = 1_000_000
NC = 2
NS = 16
NW = NC * NS
PER_W = TOTAL // NW
CHUNK = 12_800
NCHUNK = PER_W // CHUNK
T_SLICE = 65536
TAIL = TABLE - 15 * T_SLICE
PIECE = 16384


def _sigmoid_table(alpha):
    def sig_kernel(a_ref, o_ref):
        o_ref[...] = jax.nn.sigmoid(a_ref[...])

    return pl.pallas_call(
        sig_kernel,
        out_shape=jax.ShapeDtypeStruct((TABLE,), jnp.float32),
    )(alpha)


def _gather(sig, idx_flat):
    mesh = plsc.VectorSubcoreMesh(core_axis_name="c", subcore_axis_name="s")

    @functools.partial(
        pl.kernel,
        mesh=mesh,
        out_type=jax.ShapeDtypeStruct((TOTAL,), jnp.float32),
        scratch_types=[
            pltpu.VMEM_SHARED((TABLE,), jnp.float32),
            pltpu.VMEM((1024,), jnp.float32),
            pltpu.VMEM((CHUNK,), jnp.int32),
            pltpu.VMEM((CHUNK,), jnp.int32),
            pltpu.VMEM((CHUNK,), jnp.float32),
            pltpu.VMEM((CHUNK,), jnp.float32),
            pltpu.SemaphoreType.DMA,
            pltpu.SemaphoreType.DMA,
            pltpu.SemaphoreType.DMA,
            pltpu.SemaphoreType.DMA,
            pltpu.SemaphoreType.DMA,
            pltpu.SemaphoreType.DMA,
            pltpu.SemaphoreType.DMA,
            pltpu.SemaphoreType.DMA,
        ],
    )
    def k(sig_hbm, idx_hbm, out_hbm,
          table_s, stage_v, idx_0, idx_1, val_0, val_1,
          si0, si1, sg0, sg1, sg2, sg3, so0, so1):
        idx_v = [idx_0, idx_1]
        val_v = [val_0, val_1]
        s_i = [si0, si1]
        s_o = [so0, so1]

        cid = lax.axis_index("c")
        tid = lax.axis_index("s")
        wid = tid * NC + cid
        base = wid * PER_W

        def idx_copy(c):
            return pltpu.async_copy(
                idx_hbm.at[pl.ds(base + c * CHUNK, CHUNK)],
                idx_v[c % 2], s_i[c % 2])

        h_i = {}
        h_i[0] = idx_copy(0)
        h_i[1] = idx_copy(1)

        @pl.when(tid < NS - 1)
        def _():
            pltpu.sync_copy(sig_hbm.at[pl.ds(tid * T_SLICE, T_SLICE)],
                            table_s.at[pl.ds(tid * T_SLICE, T_SLICE)])

        @pl.when(tid == NS - 1)
        def _():
            t0 = (NS - 1) * T_SLICE
            pltpu.sync_copy(sig_hbm.at[pl.ds(t0, PIECE)],
                            table_s.at[pl.ds(t0, PIECE)])
            rem = TAIL - PIECE
            pltpu.sync_copy(sig_hbm.at[pl.ds(t0 + PIECE, rem)],
                            stage_v.at[pl.ds(0, rem)])
            pltpu.sync_copy(stage_v.at[pl.ds(0, rem)],
                            table_s.at[pl.ds(t0 + PIECE, rem)])

        plsc.subcore_barrier()

        QTR = CHUNK // 4
        s_g = [sg0, sg1, sg2, sg3]

        def gather(c):
            b = c % 2
            return [
                pltpu.async_copy(
                    table_s.at[idx_v[b].at[pl.ds(q * QTR, QTR)]],
                    val_v[b].at[pl.ds(q * QTR, QTR)], s_g[q])
                for q in range(4)
            ]

        def out_copy_q(c, q):
            return pltpu.async_copy(
                val_v[c % 2].at[pl.ds(q * QTR, QTR)],
                out_hbm.at[pl.ds(base + c * CHUNK + q * QTR, QTR)],
                s_o[c % 2])

        h_o = {}
        for c in range(NCHUNK):
            if c >= 2:
                for h in h_o[c - 2]:
                    h.wait()
            h_i[c].wait()
            g = gather(c)
            h_o[c] = []
            for q in range(4):
                g[q].wait()
                h_o[c].append(out_copy_q(c, q))
            if c + 2 < NCHUNK:
                h_i[c + 2] = idx_copy(c + 2)
        for c in (NCHUNK - 2, NCHUNK - 1):
            for h in h_o[c]:
                h.wait()

    return k(sig, idx_flat)


def kernel(idx, alpha):
    out_flat = _gather(_sigmoid_table(alpha), idx.reshape(-1))
    return out_flat.reshape(N_ROWS, N_COLS)

# --- scband reference (transcript-rebuilt; emitter-appended) ---
"""Pipeline reference for scband-attention-params-86835648791223 (READ-ONLY COPY).

The authoritative reference and input builder live on the scoring server;
editing this copy changes nothing except your own understanding.
"""

import jax, jax.numpy as jnp
import numpy as np

N = 1000000

def setup_inputs(seed: int = 0) -> dict:
    key = jax.random.key(seed)
    k1, _ = jax.random.split(key)
    idx = jax.random.randint(k1, (16384, 200), 0, N, dtype=jnp.int64 if jax.config.jax_enable_x64 else jnp.int32)
    alpha = jnp.ones((N,), dtype=jnp.float32)
    return {"idx": idx, "alpha": alpha}

def reference(idx, alpha):
    # gather per-index scalar parameter, then sigmoid
    probs = jax.nn.sigmoid(jnp.take(alpha, idx, axis=0))
    return probs

if __name__ == "__main__":
    import jax
    _d = setup_inputs()
    print(jax.jit(kernel)(*tuple(_d.values())))

</pallas_src>

<mosaic_0001>
#map = affine_map<(d0, d1) -> (0)>
module attributes {stable_mosaic.version = 14 : i64} {
  func.func @k(%arg0: i32, %arg1: i32, %arg2: memref<1000000xf32, #tpu.memory_space<hbm>>, %arg3: memref<3276800xi32, #tpu.memory_space<hbm>>, %arg4: memref<3276800xf32, #tpu.memory_space<hbm>>, %arg5: memref<1000000xf32, #tpu.memory_space<vmem_shared>>, %arg6: memref<1024xf32, #tpu.memory_space<vmem>>, %arg7: memref<12800xi32, #tpu.memory_space<vmem>>, %arg8: memref<12800xi32, #tpu.memory_space<vmem>>, %arg9: memref<12800xf32, #tpu.memory_space<vmem>>, %arg10: memref<12800xf32, #tpu.memory_space<vmem>>, %arg11: memref<!tpu.dma_semaphore, #tpu.memory_space<semaphore_mem>>, %arg12: memref<!tpu.dma_semaphore, #tpu.memory_space<semaphore_mem>>, %arg13: memref<!tpu.dma_semaphore, #tpu.memory_space<semaphore_mem>>, %arg14: memref<!tpu.dma_semaphore, #tpu.memory_space<semaphore_mem>>, %arg15: memref<!tpu.dma_semaphore, #tpu.memory_space<semaphore_mem>>, %arg16: memref<!tpu.dma_semaphore, #tpu.memory_space<semaphore_mem>>, %arg17: memref<!tpu.dma_semaphore, #tpu.memory_space<semaphore_mem>>, %arg18: memref<!tpu.dma_semaphore, #tpu.memory_space<semaphore_mem>>) attributes {dimension_semantics = [#tpu.dimension_semantics<core_parallel>, #tpu.dimension_semantics<subcore_parallel>], iteration_bounds = array<i64: 2, 16>, scalar_prefetch = 0 : i64, scratch_operands = 14 : i64, tpu.core_type = #tpu.core_type<sc_vector_subcore>, window_params = [{transform_indices = #map}, {transform_indices = #map}, {transform_indices = #map}]} {
    %mul3A = arith.constant 2 : i32
    %mul3A_0 = arith.muli %arg1, %mul3A : i32
    %add3A = arith.addi %mul3A_0, %arg0 : i32
    %mul3A_1 = arith.constant 102400 : i32
    %mul3A_2 = arith.muli %add3A, %mul3A_1 : i32
    %add3A_3 = arith.constant 0 : i32
    %add3A_4 = arith.addi %mul3A_2, %add3A_3 : i32
    %dma_start3A = tpu.memref_slice %arg3[%add3A_4] : memref<3276800xi32, #tpu.memory_space<hbm>> -> memref<12800xi32, #tpu.memory_space<hbm>>
    %dma_start3A_5 = tpu.memref_slice %arg3[%add3A_4] : memref<3276800xi32, #tpu.memory_space<hbm>> -> memref<12800xi32, #tpu.memory_space<hbm>>
    tpu.enqueue_dma source(%dma_start3A_5 : memref<12800xi32, #tpu.memory_space<hbm>>) target(%arg7 : memref<12800xi32, #tpu.memory_space<vmem>>) target_semaphore(%arg11 : memref<!tpu.dma_semaphore, #tpu.memory_space<semaphore_mem>>)
    %add3A_6 = arith.constant 12800 : i32
    %add3A_7 = arith.addi %mul3A_2, %add3A_6 : i32
    %dma_start3A_8 = tpu.memref_slice %arg3[%add3A_7] : memref<3276800xi32, #tpu.memory_space<hbm>> -> memref<12800xi32, #tpu.memory_space<hbm>>
    %dma_start3A_9 = tpu.memref_slice %arg3[%add3A_7] : memref<3276800xi32, #tpu.memory_space<hbm>> -> memref<12800xi32, #tpu.memory_space<hbm>>
    tpu.enqueue_dma source(%dma_start3A_9 : memref<12800xi32, #tpu.memory_space<hbm>>) target(%arg8 : memref<12800xi32, #tpu.memory_space<vmem>>) target_semaphore(%arg12 : memref<!tpu.dma_semaphore, #tpu.memory_space<semaphore_mem>>)
    %lt3A = arith.constant 15 : i32
    %lt3A_10 = arith.cmpi slt, %arg1, %lt3A : i32
    %convert_element_type3A = arith.extui %lt3A_10 : i1 to i32
    %cond3A = arith.constant 0 : i32
    %cond3A_11 = arith.cmpi ne, %convert_element_type3A, %cond3A : i32
    scf.if %cond3A_11 {
      %mul3A_951 = arith.constant 65536 : i32
      %mul3A_952 = arith.muli %arg1, %mul3A_951 : i32
      %mul3A_953 = arith.constant 65536 : i32
      %mul3A_954 = arith.muli %arg1, %mul3A_953 : i32
      "tpu.region"() ({
        %run_scoped3A = tpu.sem_alloc : memref<!tpu.dma_semaphore, #tpu.memory_space<semaphore_mem>>
        %dma_start3A_955 = tpu.memref_slice %arg5[%mul3A_954] : memref<1000000xf32, #tpu.memory_space<vmem_shared>> -> memref<65536xf32, #tpu.memory_space<vmem_shared>>
        %dma_start3A_956 = tpu.memref_slice %arg2[%mul3A_952] : memref<1000000xf32, #tpu.memory_space<hbm>> -> memref<65536xf32, #tpu.memory_space<hbm>>
        tpu.enqueue_dma source(%dma_start3A_956 : memref<65536xf32, #tpu.memory_space<hbm>>) target(%dma_start3A_955 : memref<65536xf32, #tpu.memory_space<vmem_shared>>) target_semaphore(%run_scoped3A : memref<!tpu.dma_semaphore, #tpu.memory_space<semaphore_mem>>)
        %dma_wait3A_957 = tpu.memref_slice %arg5[%mul3A_954] : memref<1000000xf32, #tpu.memory_space<vmem_shared>> -> memref<65536xf32, #tpu.memory_space<vmem_shared>>
        %dma_wait3A_958 = tpu.memref_slice %arg2[%mul3A_952] : memref<1000000xf32, #tpu.memory_space<hbm>> -> memref<65536xf32, #tpu.memory_space<hbm>>
        tpu.wait_dma2 semaphore(%run_scoped3A : memref<!tpu.dma_semaphore, #tpu.memory_space<semaphore_mem>>) src(%dma_wait3A_958 : memref<65536xf32, #tpu.memory_space<hbm>>) dst(%dma_wait3A_957 : memref<65536xf32, #tpu.memory_space<vmem_shared>>)
        tpu.yield
      }) : () -> ()
    } else {
    }
    %eq3A = arith.constant 15 : i32
    %eq3A_12 = arith.cmpi eq, %arg1, %eq3A : i32
    %convert_element_type3A_13 = arith.extui %eq3A_12 : i1 to i32
    %cond3A_14 = arith.constant 0 : i32
    %cond3A_15 = arith.cmpi ne, %convert_element_type3A_13, %cond3A_14 : i32
    scf.if %cond3A_15 {
      "tpu.region"() ({
        %run_scoped3A = tpu.sem_alloc : memref<!tpu.dma_semaphore, #tpu.memory_space<semaphore_mem>>
        %dma_start3A_951 = arith.constant 983040 : i32
        %dma_start3A_952 = tpu.memref_slice %arg5[%dma_start3A_951] : memref<1000000xf32, #tpu.memory_space<vmem_shared>> -> memref<16384xf32, #tpu.memory_space<vmem_shared>>
        %dma_start3A_953 = arith.constant 983040 : i32
        %dma_start3A_954 = tpu.memref_slice %arg2[%dma_start3A_953] : memref<1000000xf32, #tpu.memory_space<hbm>> -> memref<16384xf32, #tpu.memory_space<hbm>>
        tpu.enqueue_dma source(%dma_start3A_954 : memref<16384xf32, #tpu.memory_space<hbm>>) target(%dma_start3A_952 : memref<16384xf32, #tpu.memory_space<vmem_shared>>) target_semaphore(%run_scoped3A : memref<!tpu.dma_semaphore, #tpu.memory_space<semaphore_mem>>)
        %dma_wait3A_955 = arith.constant 983040 : i32
        %dma_wait3A_956 = tpu.memref_slice %arg5[%dma_wait3A_955] : memref<1000000xf32, #tpu.memory_space<vmem_shared>> -> memref<16384xf32, #tpu.memory_space<vmem_shared>>
        %dma_wait3A_957 = arith.constant 983040 : i32
        %dma_wait3A_958 = tpu.memref_slice %arg2[%dma_wait3A_957] : memref<1000000xf32, #tpu.memory_space<hbm>> -> memref<16384xf32, #tpu.memory_space<hbm>>
        tpu.wait_dma2 semaphore(%run_scoped3A : memref<!tpu.dma_semaphore, #tpu.memory_space<semaphore_mem>>) src(%dma_wait3A_958 : memref<16384xf32, #tpu.memory_space<hbm>>) dst(%dma_wait3A_956 : memref<16384xf32, #tpu.memory_space<vmem_shared>>)
        tpu.yield
      }) : () -> ()
      "tpu.region"() ({
        %run_scoped3A = tpu.sem_alloc : memref<!tpu.dma_semaphore, #tpu.memory_space<semaphore_mem>>
        %dma_start3A_951 = arith.constant 0 : i32
        %dma_start3A_952 = tpu.memref_slice %arg6[%dma_start3A_951] : memref<1024xf32, #tpu.memory_space<vmem>> -> memref<576xf32, #tpu.memory_space<vmem>>
        %dma_start3A_953 = arith.constant 999424 : i32
        %dma_start3A_954 = tpu.memref_slice %arg2[%dma_start3A_953] : memref<1000000xf32, #tpu.memory_space<hbm>> -> memref<576xf32, #tpu.memory_space<hbm>>
        %dma_start3A_955 = arith.constant 0 : i32
        %dma_start3A_956 = tpu.memref_slice %arg6[%dma_start3A_955] : memref<1024xf32, #tpu.memory_space<vmem>> -> memref<576xf32, #tpu.memory_space<vmem>>
        %dma_start3A_957 = arith.constant 999424 : i32
        %dma_start3A_958 = tpu.memref_slice %arg2[%dma_start3A_957] : memref<1000000xf32, #tpu.memory_space<hbm>> -> memref<576xf32, #tpu.memory_space<hbm>>
        tpu.enqueue_dma source(%dma_start3A_958 : memref<576xf32, #tpu.memory_space<hbm>>) target(%dma_start3A_956 : memref<576xf32, #tpu.memory_space<vmem>>) target_semaphore(%run_scoped3A : memref<!tpu.dma_semaphore, #tpu.memory_space<semaphore_mem>>)
        %dma_wait3A_959 = arith.constant 0 : i32
        %dma_wait3A_960 = tpu.memref_slice %arg6[%dma_wait3A_959] : memref<1024xf32, #tpu.memory_space<vmem>> -> memref<576xf32, #tpu.memory_space<vmem>>
        %dma_wait3A_961 = arith.constant 999424 : i32
        %dma_wait3A_962 = tpu.memref_slice %arg2[%dma_wait3A_961] : memref<1000000xf32, #tpu.memory_space<hbm>> -> memref<576xf32, #tpu.memory_space<hbm>>
        %dma_wait3A_963 = arith.constant 0 : i32
        %dma_wait3A_964 = tpu.memref_slice %arg6[%dma_wait3A_963] : memref<1024xf32, #tpu.memory_space<vmem>> -> memref<576xf32, #tpu.memory_space<vmem>>
        %dma_wait3A_965 = arith.constant 999424 : i32
        %dma_wait3A_966 = tpu.memref_slice %arg2[%dma_wait3A_965] : memref<1000000xf32, #tpu.memory_space<hbm>> -> memref<576xf32, #tpu.memory_space<hbm>>
        tpu.wait_dma2 semaphore(%run_scoped3A : memref<!tpu.dma_semaphore, #tpu.memory_space<semaphore_mem>>) src(%dma_wait3A_966 : memref<576xf32, #tpu.memory_space<hbm>>) dst(%dma_wait3A_964 : memref<576xf32, #tpu.memory_space<vmem>>)
        tpu.yield
      }) : () -> ()
      "tpu.region"() ({
        %run_scoped3A = tpu.sem_alloc : memref<!tpu.dma_semaphore, #tpu.memory_space<semaphore_mem>>
        %dma_start3A_951 = arith.constant 0 : i32
        %dma_start3A_952 = tpu.memref_slice %arg6[%dma_start3A_951] : memref<1024xf32, #tpu.memory_space<vmem>> -> memref<576xf32, #tpu.memory_space<vmem>>
        %dma_start3A_953 = arith.constant 999424 : i32
        %dma_start3A_954 = tpu.memref_slice %arg5[%dma_start3A_953] : memref<1000000xf32, #tpu.memory_space<vmem_shared>> -> memref<576xf32, #tpu.memory_space<vmem_shared>>
        %dma_start3A_955 = arith.constant 999424 : i32
        %dma_start3A_956 = tpu.memref_slice %arg5[%dma_start3A_955] : memref<1000000xf32, #tpu.memory_space<vmem_shared>> -> memref<576xf32, #tpu.memory_space<vmem_shared>>
        %dma_start3A_957 = arith.constant 0 : i32
        %dma_start3A_958 = tpu.memref_slice %arg6[%dma_start3A_957] : memref<1024xf32, #tpu.memory_space<vmem>> -> memref<576xf32, #tpu.memory_space<vmem>>
        tpu.enqueue_dma source(%dma_start3A_958 : memref<576xf32, #tpu.memory_space<vmem>>) target(%dma_start3A_956 : memref<576xf32, #tpu.memory_space<vmem_shared>>) target_semaphore(%run_scoped3A : memref<!tpu.dma_semaphore, #tpu.memory_space<semaphore_mem>>)
        %dma_wait3A_959 = arith.constant 0 : i32
        %dma_wait3A_960 = tpu.memref_slice %arg6[%dma_wait3A_959] : memref<1024xf32, #tpu.memory_space<vmem>> -> memref<576xf32, #tpu.memory_space<vmem>>
        %dma_wait3A_961 = arith.constant 999424 : i32
        %dma_wait3A_962 = tpu.memref_slice %arg5[%dma_wait3A_961] : memref<1000000xf32, #tpu.memory_space<vmem_shared>> -> memref<576xf32, #tpu.memory_space<vmem_shared>>
        %dma_wait3A_963 = arith.constant 999424 : i32
        %dma_wait3A_964 = tpu.memref_slice %arg5[%dma_wait3A_963] : memref<1000000xf32, #tpu.memory_space<vmem_shared>> -> memref<576xf32, #tpu.memory_space<vmem_shared>>
        %dma_wait3A_965 = arith.constant 0 : i32
        %dma_wait3A_966 = tpu.memref_slice %arg6[%dma_wait3A_965] : memref<1024xf32, #tpu.memory_space<vmem>> -> memref<576xf32, #tpu.memory_space<vmem>>
        tpu.wait_dma2 semaphore(%run_scoped3A : memref<!tpu.dma_semaphore, #tpu.memory_space<semaphore_mem>>) src(%dma_wait3A_966 : memref<576xf32, #tpu.memory_space<vmem>>) dst(%dma_wait3A_964 : memref<576xf32, #tpu.memory_space<vmem_shared>>)
        tpu.yield
      }) : () -> ()
    } else {
    }
    %barrier3A = arith.constant 0 : index
    tpu.barrier barrier_id(%barrier3A)
    %dma_wait3A = tpu.memref_slice %arg3[%add3A_4] : memref<3276800xi32, #tpu.memory_space<hbm>> -> memref<12800xi32, #tpu.memory_space<hbm>>
    %dma_wait3A_16 = tpu.memref_slice %arg3[%add3A_4] : memref<3276800xi32, #tpu.memory_space<hbm>> -> memref<12800xi32, #tpu.memory_space<hbm>>
    tpu.wait_dma2 semaphore(%arg11 : memref<!tpu.dma_semaphore, #tpu.memory_space<semaphore_mem>>) src(%dma_wait3A_16 : memref<12800xi32, #tpu.memory_space<hbm>>) dst(%arg7 : memref<12800xi32, #tpu.memory_space<vmem>>)
    %dma_start3A_17 = arith.constant 0 : i32
    %dma_start3A_18 = tpu.memref_slice %arg9[%dma_start3A_17] : memref<12800xf32, #tpu.memory_space<vmem>> -> memref<3200xf32, #tpu.memory_space<vmem>>
    %dma_start3A_19 = arith.constant 0 : i32
    %dma_start3A_20 = tpu.memref_slice %arg7[%dma_start3A_19] : memref<12800xi32, #tpu.memory_space<vmem>> -> memref<3200xi32, #tpu.memory_space<vmem>>
    %dma_start3A_21 = arith.constant 0 : i32
    %dma_start3A_22 = tpu.memref_slice %arg5[%dma_start3A_21] : memref<1000000xf32, #tpu.memory_space<vmem_shared>> -> memref<1000000xf32, #tpu.memory_space<vmem_shared>>
    tpu.enqueue_indirect_dma source(%dma_start3A_22 : memref<1000000xf32, #tpu.memory_space<vmem_shared>>) target(%dma_start3A_18 : memref<3200xf32, #tpu.memory_space<vmem>>) offsets(%dma_start3A_20 : memref<3200xi32, #tpu.memory_space<vmem>>) semaphore(%arg13 : memref<!tpu.dma_semaphore, #tpu.memory_space<semaphore_mem>>)
    %dma_start3A_23 = arith.constant 3200 : i32
    %dma_start3A_24 = tpu.memref_slice %arg9[%dma_start3A_23] : memref<12800xf32, #tpu.memory_space<vmem>> -> memref<3200xf32, #tpu.memory_space<vmem>>
    %dma_start3A_25 = arith.constant 3200 : i32
    %dma_start3A_26 = tpu.memref_slice %arg7[%dma_start3A_25] : memref<12800xi32, #tpu.memory_space<vmem>> -> memref<3200xi32, #tpu.memory_space<vmem>>
    %dma_start3A_27 = arith.constant 0 : i32
    %dma_start3A_28 = tpu.memref_slice %arg5[%dma_start3A_27] : memref<1000000xf32, #tpu.memory_space<vmem_shared>> -> memref<1000000xf32, #tpu.memory_space<vmem_shared>>
    tpu.enqueue_indirect_dma source(%dma_start3A_28 : memref<1000000xf32, #tpu.memory_space<vmem_shared>>) target(%dma_start3A_24 : memref<3200xf32, #tpu.memory_space<vmem>>) offsets(%dma_start3A_26 : memref<3200xi32, #tpu.memory_space<vmem>>) semaphore(%arg14 : memref<!tpu.dma_semaphore, #tpu.memory_space<semaphore_mem>>)
    %dma_start3A_29 = arith.constant 6400 : i32
    %dma_start3A_30 = tpu.memref_slice %arg9[%dma_start3A_29] : memref<12800xf32, #tpu.memory_space<vmem>> -> memref<3200xf32, #tpu.memory_space<vmem>>
    %dma_start3A_31 = arith.constant 6400 : i32
    %dma_start3A_32 = tpu.memref_slice %arg7[%dma_start3A_31] : memref<12800xi32, #tpu.memory_space<vmem>> -> memref<3200xi32, #tpu.memory_space<vmem>>
    %dma_start3A_33 = arith.constant 0 : i32
    %dma_start3A_34 = tpu.memref_slice %arg5[%dma_start3A_33] : memref<1000000xf32, #tpu.memory_space<vmem_shared>> -> memref<1000000xf32, #tpu.memory_space<vmem_shared>>
    tpu.enqueue_indirect_dma source(%dma_start3A_34 : memref<1000000xf32, #tpu.memory_space<vmem_shared>>) target(%dma_start3A_30 : memref<3200xf32, #tpu.memory_space<vmem>>) offsets(%dma_start3A_32 : memref<3200xi32, #tpu.memory_space<vmem>>) semaphore(%arg15 : memref<!tpu.dma_semaphore, #tpu.memory_space<semaphore_mem>>)
    %dma_start3A_35 = arith.constant 9600 : i32
    %dma_start3A_36 = tpu.memref_slice %arg9[%dma_start3A_35] : memref<12800xf32, #tpu.memory_space<vmem>> -> memref<3200xf32, #tpu.memory_space<vmem>>
    %dma_start3A_37 = arith.constant 9600 : i32
    %dma_start3A_38 = tpu.memref_slice %arg7[%dma_start3A_37] : memref<12800xi32, #tpu.memory_space<vmem>> -> memref<3200xi32, #tpu.memory_space<vmem>>
    %dma_start3A_39 = arith.constant 0 : i32
    %dma_start3A_40 = tpu.memref_slice %arg5[%dma_start3A_39] : memref<1000000xf32, #tpu.memory_space<vmem_shared>> -> memref<1000000xf32, #tpu.memory_space<vmem_shared>>
    tpu.enqueue_indirect_dma source(%dma_start3A_40 : memref<1000000xf32, #tpu.memory_space<vmem_shared>>) target(%dma_start3A_36 : memref<3200xf32, #tpu.memory_space<vmem>>) offsets(%dma_start3A_38 : memref<3200xi32, #tpu.memory_space<vmem>>) semaphore(%arg16 : memref<!tpu.dma_semaphore, #tpu.memory_space<semaphore_mem>>)
    %dma_wait3A_41 = arith.constant 0 : i32
    %dma_wait3A_42 = tpu.memref_slice %arg9[%dma_wait3A_41] : memref<12800xf32, #tpu.memory_space<vmem>> -> memref<3200xf32, #tpu.memory_space<vmem>>
    %dma_wait3A_43 = arith.constant 0 : i32
    %dma_wait3A_44 = tpu.memref_slice %arg7[%dma_wait3A_43] : memref<12800xi32, #tpu.memory_space<vmem>> -> memref<3200xi32, #tpu.memory_space<vmem>>
    %dma_wait3A_45 = arith.constant 0 : i32
    %dma_wait3A_46 = tpu.memref_slice %arg5[%dma_wait3A_45] : memref<1000000xf32, #tpu.memory_space<vmem_shared>> -> memref<1000000xf32, #tpu.memory_space<vmem_shared>>
    tpu.wait_indirect_dma semaphore(%arg13 : memref<!tpu.dma_semaphore, #tpu.memory_space<semaphore_mem>>) src(%dma_wait3A_46 : memref<1000000xf32, #tpu.memory_space<vmem_shared>>) dst(%dma_wait3A_42 : memref<3200xf32, #tpu.memory_space<vmem>>)
    %add3A_47 = arith.constant 0 : i32
    %add3A_48 = arith.addi %mul3A_2, %add3A_47 : i32
    %add3A_49 = arith.constant 0 : i32
    %add3A_50 = arith.addi %add3A_48, %add3A_49 : i32
    %dma_start3A_51 = arith.constant 0 : i32
    %dma_start3A_52 = tpu.memref_slice %arg9[%dma_start3A_51] : memref<12800xf32, #tpu.memory_space<vmem>> -> memref<3200xf32, #tpu.memory_space<vmem>>
    %dma_start3A_53 = tpu.memref_slice %arg4[%add3A_50] : memref<3276800xf32, #tpu.memory_space<hbm>> -> memref<3200xf32, #tpu.memory_space<hbm>>
    %dma_start3A_54 = tpu.memref_slice %arg4[%add3A_50] : memref<3276800xf32, #tpu.memory_space<hbm>> -> memref<3200xf32, #tpu.memory_space<hbm>>
    %dma_start3A_55 = arith.constant 0 : i32
    %dma_start3A_56 = tpu.memref_slice %arg9[%dma_start3A_55] : memref<12800xf32, #tpu.memory_space<vmem>> -> memref<3200xf32, #tpu.memory_space<vmem>>
    tpu.enqueue_dma source(%dma_start3A_56 : memref<3200xf32, #tpu.memory_space<vmem>>) target(%dma_start3A_54 : memref<3200xf32, #tpu.memory_space<hbm>>) target_semaphore(%arg17 : memref<!tpu.dma_semaphore, #tpu.memory_space<semaphore_mem>>)
    %dma_wait3A_57 = arith.constant 3200 : i32
    %dma_wait3A_58 = tpu.memref_slice %arg9[%dma_wait3A_57] : memref<12800xf32, #tpu.memory_space<vmem>> -> memref<3200xf32, #tpu.memory_space<vmem>>
    %dma_wait3A_59 = arith.constant 3200 : i32
    %dma_wait3A_60 = tpu.memref_slice %arg7[%dma_wait3A_59] : memref<12800xi32, #tpu.memory_space<vmem>> -> memref<3200xi32, #tpu.memory_space<vmem>>
    %dma_wait3A_61 = arith.constant 0 : i32
    %dma_wait3A_62 = tpu.memref_slice %arg5[%dma_wait3A_61] : memref<1000000xf32, #tpu.memory_space<vmem_shared>> -> memref<1000000xf32, #tpu.memory_space<vmem_shared>>
    tpu.wait_indirect_dma semaphore(%arg14 : memref<!tpu.dma_semaphore, #tpu.memory_space<semaphore_mem>>) src(%dma_wait3A_62 : memref<1000000xf32, #tpu.memory_space<vmem_shared>>) dst(%dma_wait3A_58 : memref<3200xf32, #tpu.memory_space<vmem>>)
    %add3A_63 = arith.constant 0 : i32
    %add3A_64 = arith.addi %mul3A_2, %add3A_63 : i32
    %add3A_65 = arith.constant 3200 : i32
    %add3A_66 = arith.addi %add3A_64, %add3A_65 : i32
    %dma_start3A_67 = arith.constant 3200 : i32
    %dma_start3A_68 = tpu.memref_slice %arg9[%dma_start3A_67] : memref<12800xf32, #tpu.memory_space<vmem>> -> memref<3200xf32, #tpu.memory_space<vmem>>
    %dma_start3A_69 = tpu.memref_slice %arg4[%add3A_66] : memref<3276800xf32, #tpu.memory_space<hbm>> -> memref<3200xf32, #tpu.memory_space<hbm>>
    %dma_start3A_70 = tpu.memref_slice %arg4[%add3A_66] : memref<3276800xf32, #tpu.memory_space<hbm>> -> memref<3200xf32, #tpu.memory_space<hbm>>
    %dma_start3A_71 = arith.constant 3200 : i32
    %dma_start3A_72 = tpu.memref_slice %arg9[%dma_start3A_71] : memref<12800xf32, #tpu.memory_space<vmem>> -> memref<3200xf32, #tpu.memory_space<vmem>>
    tpu.enqueue_dma source(%dma_start3A_72 : memref<3200xf32, #tpu.memory_space<vmem>>) target(%dma_start3A_70 : memref<3200xf32, #tpu.memory_space<hbm>>) target_semaphore(%arg17 : memref<!tpu.dma_semaphore, #tpu.memory_space<semaphore_mem>>)
    %dma_wait3A_73 = arith.constant 6400 : i32
    %dma_wait3A_74 = tpu.memref_slice %arg9[%dma_wait3A_73] : memref<12800xf32, #tpu.memory_space<vmem>> -> memref<3200xf32, #tpu.memory_space<vmem>>
    %dma_wait3A_75 = arith.constant 6400 : i32
    %dma_wait3A_76 = tpu.memref_slice %arg7[%dma_wait3A_75] : memref<12800xi32, #tpu.memory_space<vmem>> -> memref<3200xi32, #tpu.memory_space<vmem>>
    %dma_wait3A_77 = arith.constant 0 : i32
    %dma_wait3A_78 = tpu.memref_slice %arg5[%dma_wait3A_77] : memref<1000000xf32, #tpu.memory_space<vmem_shared>> -> memref<1000000xf32, #tpu.memory_space<vmem_shared>>
    tpu.wait_indirect_dma semaphore(%arg15 : memref<!tpu.dma_semaphore, #tpu.memory_space<semaphore_mem>>) src(%dma_wait3A_78 : memref<1000000xf32, #tpu.memory_space<vmem_shared>>) dst(%dma_wait3A_74 : memref<3200xf32, #tpu.memory_space<vmem>>)
    %add3A_79 = arith.constant 0 : i32
    %add3A_80 = arith.addi %mul3A_2, %add3A_79 : i32
    %add3A_81 = arith.constant 6400 : i32
    %add3A_82 = arith.addi %add3A_80, %add3A_81 : i32
    %dma_start3A_83 = arith.constant 6400 : i32
    %dma_start3A_84 = tpu.memref_slice %arg9[%dma_start3A_83] : memref<12800xf32, #tpu.memory_space<vmem>> -> memref<3200xf32, #tpu.memory_space<vmem>>
    %dma_start3A_85 = tpu.memref_slice %arg4[%add3A_82] : memref<3276800xf32, #tpu.memory_space<hbm>> -> memref<3200xf32, #tpu.memory_space<hbm>>
    %dma_start3A_86 = tpu.memref_slice %arg4[%add3A_82] : memref<3276800xf32, #tpu.memory_space<hbm>> -> memref<3200xf32, #tpu.memory_space<hbm>>
    %dma_start3A_87 = arith.constant 6400 : i32
    %dma_start3A_88 = tpu.memref_slice %arg9[%dma_start3A_87] : memref<12800xf32, #tpu.memory_space<vmem>> -> memref<3200xf32, #tpu.memory_space<vmem>>
    tpu.enqueue_dma source(%dma_start3A_88 : memref<3200xf32, #tpu.memory_space<vmem>>) target(%dma_start3A_86 : memref<3200xf32, #tpu.memory_space<hbm>>) target_semaphore(%arg17 : memref<!tpu.dma_semaphore, #tpu.memory_space<semaphore_mem>>)
    %dma_wait3A_89 = arith.constant 9600 : i32
    %dma_wait3A_90 = tpu.memref_slice %arg9[%dma_wait3A_89] : memref<12800xf32, #tpu.memory_space<vmem>> -> memref<3200xf32, #tpu.memory_space<vmem>>
    %dma_wait3A_91 = arith.constant 9600 : i32
    %dma_wait3A_92 = tpu.memref_slice %arg7[%dma_wait3A_91] : memref<12800xi32, #tpu.memory_space<vmem>> -> memref<3200xi32, #tpu.memory_space<vmem>>
    %dma_wait3A_93 = arith.constant 0 : i32
    %dma_wait3A_94 = tpu.memref_slice %arg5[%dma_wait3A_93] : memref<1000000xf32, #tpu.memory_space<vmem_shared>> -> memref<1000000xf32, #tpu.memory_space<vmem_shared>>
    tpu.wait_indirect_dma semaphore(%arg16 : memref<!tpu.dma_semaphore, #tpu.memory_space<semaphore_mem>>) src(%dma_wait3A_94 : memref<1000000xf32, #tpu.memory_space<vmem_shared>>) dst(%dma_wait3A_90 : memref<3200xf32, #tpu.memory_space<vmem>>)
    %add3A_95 = arith.constant 0 : i32
    %add3A_96 = arith.addi %mul3A_2, %add3A_95 : i32
    %add3A_97 = arith.constant 9600 : i32
    %add3A_98 = arith.addi %add3A_96, %add3A_97 : i32
    %dma_start3A_99 = arith.constant 9600 : i32
    %dma_start3A_100 = tpu.memref_slice %arg9[%dma_start3A_99] : memref<12800xf32, #tpu.memory_space<vmem>> -> memref<3200xf32, #tpu.memory_space<vmem>>
    %dma_start3A_101 = tpu.memref_slice %arg4[%add3A_98] : memref<3276800xf32, #tpu.memory_space<hbm>> -> memref<3200xf32, #tpu.memory_space<hbm>>
    %dma_start3A_102 = tpu.memref_slice %arg4[%add3A_98] : memref<3276800xf32, #tpu.memory_space<hbm>> -> memref<3200xf32, #tpu.memory_space<hbm>>
    %dma_start3A_103 = arith.constant 9600 : i32
    %dma_start3A_104 = tpu.memref_slice %arg9[%dma_start3A_103] : memref<12800xf32, #tpu.memory_space<vmem>> -> memref<3200xf32, #tpu.memory_space<vmem>>
    tpu.enqueue_dma source(%dma_start3A_104 : memref<3200xf32, #tpu.memory_space<vmem>>) target(%dma_start3A_102 : memref<3200xf32, #tpu.memory_space<hbm>>) target_semaphore(%arg17 : memref<!tpu.dma_semaphore, #tpu.memory_space<semaphore_mem>>)
    %add3A_105 = arith.constant 25600 : i32
    %add3A_106 = arith.addi %mul3A_2, %add3A_105 : i32
    %dma_start3A_107 = tpu.memref_slice %arg3[%add3A_106] : memref<3276800xi32, #tpu.memory_space<hbm>> -> memref<12800xi32, #tpu.memory_space<hbm>>
    %dma_start3A_108 = tpu.memref_slice %arg3[%add3A_106] : memref<3276800xi32, #tpu.memory_space<hbm>> -> memref<12800xi32, #tpu.memory_space<hbm>>
    tpu.enqueue_dma source(%dma_start3A_108 : memref<12800xi32, #tpu.memory_space<hbm>>) target(%arg7 : memref<12800xi32, #tpu.memory_space<vmem>>) target_semaphore(%arg11 : memref<!tpu.dma_semaphore, #tpu.memory_space<semaphore_mem>>)
    %dma_wait3A_109 = tpu.memref_slice %arg3[%add3A_7] : memref<3276800xi32, #tpu.memory_space<hbm>> -> memref<12800xi32, #tpu.memory_space<hbm>>
    %dma_wait3A_110 = tpu.memref_slice %arg3[%add3A_7] : memref<3276800xi32, #tpu.memory_space<hbm>> -> memref<12800xi32, #tpu.memory_space<hbm>>
    tpu.wait_dma2 semaphore(%arg12 : memref<!tpu.dma_semaphore, #tpu.memory_space<semaphore_mem>>) src(%dma_wait3A_110 : memref<12800xi32, #tpu.memory_space<hbm>>) dst(%arg8 : memref<12800xi32, #tpu.memory_space<vmem>>)
    %dma_start3A_111 = arith.constant 0 : i32
    %dma_start3A_112 = tpu.memref_slice %arg10[%dma_start3A_111] : memref<12800xf32, #tpu.memory_space<vmem>> -> memref<3200xf32, #tpu.memory_space<vmem>>
    %dma_start3A_113 = arith.constant 0 : i32
    %dma_start3A_114 = tpu.memref_slice %arg8[%dma_start3A_113] : memref<12800xi32, #tpu.memory_space<vmem>> -> memref<3200xi32, #tpu.memory_space<vmem>>
    %dma_start3A_115 = arith.constant 0 : i32
    %dma_start3A_116 = tpu.memref_slice %arg5[%dma_start3A_115] : memref<1000000xf32, #tpu.memory_space<vmem_shared>> -> memref<1000000xf32, #tpu.memory_space<vmem_shared>>
    tpu.enqueue_indirect_dma source(%dma_start3A_116 : memref<1000000xf32, #tpu.memory_space<vmem_shared>>) target(%dma_start3A_112 : memref<3200xf32, #tpu.memory_space<vmem>>) offsets(%dma_start3A_114 : memref<3200xi32, #tpu.memory_space<vmem>>) semaphore(%arg13 : memref<!tpu.dma_semaphore, #tpu.memory_space<semaphore_mem>>)
    %dma_start3A_117 = arith.constant 3200 : i32
    %dma_start3A_118 = tpu.memref_slice %arg10[%dma_start3A_117] : memref<12800xf32, #tpu.memory_space<vmem>> -> memref<3200xf32, #tpu.memory_space<vmem>>
    %dma_start3A_119 = arith.constant 3200 : i32
    %dma_start3A_120 = tpu.memref_slice %arg8[%dma_start3A_119] : memref<12800xi32, #tpu.memory_space<vmem>> -> memref<3200xi32, #tpu.memory_space<vmem>>
    %dma_start3A_121 = arith.constant 0 : i32
    %dma_start3A_122 = tpu.memref_slice %arg5[%dma_start3A_121] : memref<1000000xf32, #tpu.memory_space<vmem_shared>> -> memref<1000000xf32, #tpu.memory_space<vmem_shared>>
    tpu.enqueue_indirect_dma source(%dma_start3A_122 : memref<1000000xf32, #tpu.memory_space<vmem_shared>>) target(%dma_start3A_118 : memref<3200xf32, #tpu.memory_space<vmem>>) offsets(%dma_start3A_120 : memref<3200xi32, #tpu.memory_space<vmem>>) semaphore(%arg14 : memref<!tpu.dma_semaphore, #tpu.memory_space<semaphore_mem>>)
    %dma_start3A_123 = arith.constant 6400 : i32
    %dma_start3A_124 = tpu.memref_slice %arg10[%dma_start3A_123] : memref<12800xf32, #tpu.memory_space<vmem>> -> memref<3200xf32, #tpu.memory_space<vmem>>
    %dma_start3A_125 = arith.constant 6400 : i32
    %dma_start3A_126 = tpu.memref_slice %arg8[%dma_start3A_125] : memref<12800xi32, #tpu.memory_space<vmem>> -> memref<3200xi32, #tpu.memory_space<vmem>>
    %dma_start3A_127 = arith.constant 0 : i32
    %dma_start3A_128 = tpu.memref_slice %arg5[%dma_start3A_127] : memref<1000000xf32, #tpu.memory_space<vmem_shared>> -> memref<1000000xf32, #tpu.memory_space<vmem_shared>>
    tpu.enqueue_indirect_dma source(%dma_start3A_128 : memref<1000000xf32, #tpu.memory_space<vmem_shared>>) target(%dma_start3A_124 : memref<3200xf32, #tpu.memory_space<vmem>>) offsets(%dma_start3A_126 : memref<3200xi32, #tpu.memory_space<vmem>>) semaphore(%arg15 : memref<!tpu.dma_semaphore, #tpu.memory_space<semaphore_mem>>)
    %dma_start3A_129 = arith.constant 9600 : i32
    %dma_start3A_130 = tpu.memref_slice %arg10[%dma_start3A_129] : memref<12800xf32, #tpu.memory_space<vmem>> -> memref<3200xf32, #tpu.memory_space<vmem>>
    %dma_start3A_131 = arith.constant 9600 : i32
    %dma_start3A_132 = tpu.memref_slice %arg8[%dma_start3A_131] : memref<12800xi32, #tpu.memory_space<vmem>> -> memref<3200xi32, #tpu.memory_space<vmem>>
    %dma_start3A_133 = arith.constant 0 : i32
    %dma_start3A_134 = tpu.memref_slice %arg5[%dma_start3A_133] : memref<1000000xf32, #tpu.memory_space<vmem_shared>> -> memref<1000000xf32, #tpu.memory_space<vmem_shared>>
    tpu.enqueue_indirect_dma source(%dma_start3A_134 : memref<1000000xf32, #tpu.memory_space<vmem_shared>>) target(%dma_start3A_130 : memref<3200xf32, #tpu.memory_space<vmem>>) offsets(%dma_start3A_132 : memref<3200xi32, #tpu.memory_space<vmem>>) semaphore(%arg16 : memref<!tpu.dma_semaphore, #tpu.memory_space<semaphore_mem>>)
    %dma_wait3A_135 = arith.constant 0 : i32
    %dma_wait3A_136 = tpu.memref_slice %arg10[%dma_wait3A_135] : memref<12800xf32, #tpu.memory_space<vmem>> -> memref<3200xf32, #tpu.memory_space<vmem>>
    %dma_wait3A_137 = arith.constant 0 : i32
    %dma_wait3A_138 = tpu.memref_slice %arg8[%dma_wait3A_137] : memref<12800xi32, #tpu.memory_space<vmem>> -> memref<3200xi32, #tpu.memory_space<vmem>>
    %dma_wait3A_139 = arith.constant 0 : i32
    %dma_wait3A_140 = tpu.memref_slice %arg5[%dma_wait3A_139] : memref<1000000xf32, #tpu.memory_space<vmem_shared>> -> memref<1000000xf32, #tpu.memory_space<vmem_shared>>
    tpu.wait_indirect_dma semaphore(%arg13 : memref<!tpu.dma_semaphore, #tpu.memory_space<semaphore_mem>>) src(%dma_wait3A_140 : memref<1000000xf32, #tpu.memory_space<vmem_shared>>) dst(%dma_wait3A_136 : memref<3200xf32, #tpu.memory_space<vmem>>)
    %add3A_141 = arith.constant 12800 : i32
    %add3A_142 = arith.addi %mul3A_2, %add3A_141 : i32
    %add3A_143 = arith.constant 0 : i32
    %add3A_144 = arith.addi %add3A_142, %add3A_143 : i32
    %dma_start3A_145 = arith.constant 0 : i32
    %dma_start3A_146 = tpu.memref_slice %arg10[%dma_start3A_145] : memref<12800xf32, #tpu.memory_space<vmem>> -> memref<3200xf32, #tpu.memory_space<vmem>>
    %dma_start3A_147 = tpu.memref_slice %arg4[%add3A_144] : memref<3276800xf32, #tpu.memory_space<hbm>> -> memref<3200xf32, #tpu.memory_space<hbm>>
    %dma_start3A_148 = tpu.memref_slice %arg4[%add3A_144] : memref<3276800xf32, #tpu.memory_space<hbm>> -> memref<3200xf32, #tpu.memory_space<hbm>>
    %dma_start3A_149 = arith.constant 0 : i32
    %dma_start3A_150 = tpu.memref_slice %arg10[%dma_start3A_149] : memref<12800xf32, #tpu.memory_space<vmem>> -> memref<3200xf32, #tpu.memory_space<vmem>>
    tpu.enqueue_dma source(%dma_start3A_150 : memref<3200xf32, #tpu.memory_space<vmem>>) target(%dma_start3A_148 : memref<3200xf32, #tpu.memory_space<hbm>>) target_semaphore(%arg18 : memref<!tpu.dma_semaphore, #tpu.memory_space<semaphore_mem>>)
    %dma_wait3A_151 = arith.constant 3200 : i32
    %dma_wait3A_152 = tpu.memref_slice %arg10[%dma_wait3A_151] : memref<12800xf32, #tpu.memory_space<vmem>> -> memref<3200xf32, #tpu.memory_space<vmem>>
    %dma_wait3A_153 = arith.constant 3200 : i32
    %dma_wait3A_154 = tpu.memref_slice %arg8[%dma_wait3A_153] : memref<12800xi32, #tpu.memory_space<vmem>> -> memref<3200xi32, #tpu.memory_space<vmem>>
    %dma_wait3A_155 = arith.constant 0 : i32
    %dma_wait3A_156 = tpu.memref_slice %arg5[%dma_wait3A_155] : memref<1000000xf32, #tpu.memory_space<vmem_shared>> -> memref<1000000xf32, #tpu.memory_space<vmem_shared>>
    tpu.wait_indirect_dma semaphore(%arg14 : memref<!tpu.dma_semaphore, #tpu.memory_space<semaphore_mem>>) src(%dma_wait3A_156 : memref<1000000xf32, #tpu.memory_space<vmem_shared>>) dst(%dma_wait3A_152 : memref<3200xf32, #tpu.memory_space<vmem>>)
    %add3A_157 = arith.constant 12800 : i32
    %add3A_158 = arith.addi %mul3A_2, %add3A_157 : i32
    %add3A_159 = arith.constant 3200 : i32
    %add3A_160 = arith.addi %add3A_158, %add3A_159 : i32
    %dma_start3A_161 = arith.constant 3200 : i32
    %dma_start3A_162 = tpu.memref_slice %arg10[%dma_start3A_161] : memref<12800xf32, #tpu.memory_space<vmem>> -> memref<3200xf32, #tpu.memory_space<vmem>>
    %dma_start3A_163 = tpu.memref_slice %arg4[%add3A_160] : memref<3276800xf32, #tpu.memory_space<hbm>> -> memref<3200xf32, #tpu.memory_space<hbm>>
    %dma_start3A_164 = tpu.memref_slice %arg4[%add3A_160] : memref<3276800xf32, #tpu.memory_space<hbm>> -> memref<3200xf32, #tpu.memory_space<hbm>>
    %dma_start3A_165 = arith.constant 3200 : i32
    %dma_start3A_166 = tpu.memref_slice %arg10[%dma_start3A_165] : memref<12800xf32, #tpu.memory_space<vmem>> -> memref<3200xf32, #tpu.memory_space<vmem>>
    tpu.enqueue_dma source(%dma_start3A_166 : memref<3200xf32, #tpu.memory_space<vmem>>) target(%dma_start3A_164 : memref<3200xf32, #tpu.memory_space<hbm>>) target_semaphore(%arg18 : memref<!tpu.dma_semaphore, #tpu.memory_space<semaphore_mem>>)
    %dma_wait3A_167 = arith.constant 6400 : i32
    %dma_wait3A_168 = tpu.memref_slice %arg10[%dma_wait3A_167] : memref<12800xf32, #tpu.memory_space<vmem>> -> memref<3200xf32, #tpu.memory_space<vmem>>
    %dma_wait3A_169 = arith.constant 6400 : i32
    %dma_wait3A_170 = tpu.memref_slice %arg8[%dma_wait3A_169] : memref<12800xi32, #tpu.memory_space<vmem>> -> memref<3200xi32, #tpu.memory_space<vmem>>
    %dma_wait3A_171 = arith.constant 0 : i32
    %dma_wait3A_172 = tpu.memref_slice %arg5[%dma_wait3A_171] : memref<1000000xf32, #tpu.memory_space<vmem_shared>> -> memref<1000000xf32, #tpu.memory_space<vmem_shared>>
    tpu.wait_indirect_dma semaphore(%arg15 : memref<!tpu.dma_semaphore, #tpu.memory_space<semaphore_mem>>) src(%dma_wait3A_172 : memref<1000000xf32, #tpu.memory_space<vmem_shared>>) dst(%dma_wait3A_168 : memref<3200xf32, #tpu.memory_space<vmem>>)
    %add3A_173 = arith.constant 12800 : i32
    %add3A_174 = arith.addi %mul3A_2, %add3A_173 : i32
    %add3A_175 = arith.constant 6400 : i32
    %add3A_176 = arith.addi %add3A_174, %add3A_175 : i32
    %dma_start3A_177 = arith.constant 6400 : i32
    %dma_start3A_178 = tpu.memref_slice %arg10[%dma_start3A_177] : memref<12800xf32, #tpu.memory_space<vmem>> -> memref<3200xf32, #tpu.memory_space<vmem>>
    %dma_start3A_179 = tpu.memref_slice %arg4[%add3A_176] : memref<3276800xf32, #tpu.memory_space<hbm>> -> memref<3200xf32, #tpu.memory_space<hbm>>
    %dma_start3A_180 = tpu.memref_slice %arg4[%add3A_176] : memref<3276800xf32, #tpu.memory_space<hbm>> -> memref<3200xf32, #tpu.memory_space<hbm>>
    %dma_start3A_181 = arith.constant 6400 : i32
    %dma_start3A_182 = tpu.memref_slice %arg10[%dma_start3A_181] : memref<12800xf32, #tpu.memory_space<vmem>> -> memref<3200xf32, #tpu.memory_space<vmem>>
    tpu.enqueue_dma source(%dma_start3A_182 : memref<3200xf32, #tpu.memory_space<vmem>>) target(%dma_start3A_180 : memref<3200xf32, #tpu.memory_space<hbm>>) target_semaphore(%arg18 : memref<!tpu.dma_semaphore, #tpu.memory_space<semaphore_mem>>)
    %dma_wait3A_183 = arith.constant 9600 : i32
    %dma_wait3A_184 = tpu.memref_slice %arg10[%dma_wait3A_183] : memref<12800xf32, #tpu.memory_space<vmem>> -> memref<3200xf32, #tpu.memory_space<vmem>>
    %dma_wait3A_185 = arith.constant 9600 : i32
    %dma_wait3A_186 = tpu.memref_slice %arg8[%dma_wait3A_185] : memref<12800xi32, #tpu.memory_space<vmem>> -> memref<3200xi32, #tpu.memory_space<vmem>>
    %dma_wait3A_187 = arith.constant 0 : i32
    %dma_wait3A_188 = tpu.memref_slice %arg5[%dma_wait3A_187] : memref<1000000xf32, #tpu.memory_space<vmem_shared>> -> memref<1000000xf32, #tpu.memory_space<vmem_shared>>
    tpu.wait_indirect_dma semaphore(%arg16 : memref<!tpu.dma_semaphore, #tpu.memory_space<semaphore_mem>>) src(%dma_wait3A_188 : memref<1000000xf32, #tpu.memory_space<vmem_shared>>) dst(%dma_wait3A_184 : memref<3200xf32, #tpu.memory_space<vmem>>)
    %add3A_189 = arith.constant 12800 : i32
    %add3A_190 = arith.addi %mul3A_2, %add3A_189 : i32
    %add3A_191 = arith.constant 9600 : i32
    %add3A_192 = arith.addi %add3A_190, %add3A_191 : i32
    %dma_start3A_193 = arith.constant 9600 : i32
    %dma_start3A_194 = tpu.memref_slice %arg10[%dma_start3A_193] : memref<12800xf32, #tpu.memory_space<vmem>> -> memref<3200xf32, #tpu.memory_space<vmem>>
    %dma_start3A_195 = tpu.memref_slice %arg4[%add3A_192] : memref<3276800xf32, #tpu.memory_space<hbm>> -> memref<3200xf32, #tpu.memory_space<hbm>>
    %dma_start3A_196 = tpu.memref_slice %arg4[%add3A_192] : memref<3276800xf32, #tpu.memory_space<hbm>> -> memref<3200xf32, #tpu.memory_space<hbm>>
    %dma_start3A_197 = arith.constant 9600 : i32
    %dma_start3A_198 = tpu.memref_slice %arg10[%dma_start3A_197] : memref<12800xf32, #tpu.memory_space<vmem>> -> memref<3200xf32, #tpu.memory_space<vmem>>
    tpu.enqueue_dma source(%dma_start3A_198 : memref<3200xf32, #tpu.memory_space<vmem>>) target(%dma_start3A_196 : memref<3200xf32, #tpu.memory_space<hbm>>) target_semaphore(%arg18 : memref<!tpu.dma_semaphore, #tpu.memory_space<semaphore_mem>>)
    %add3A_199 = arith.constant 38400 : i32
    %add3A_200 = arith.addi %mul3A_2, %add3A_199 : i32
    %dma_start3A_201 = tpu.memref_slice %arg3[%add3A_200] : memref<3276800xi32, #tpu.memory_space<hbm>> -> memref<12800xi32, #tpu.memory_space<hbm>>
    %dma_start3A_202 = tpu.memref_slice %arg3[%add3A_200] : memref<3276800xi32, #tpu.memory_space<hbm>> -> memref<12800xi32, #tpu.memory_space<hbm>>
    tpu.enqueue_dma source(%dma_start3A_202 : memref<12800xi32, #tpu.memory_space<hbm>>) target(%arg8 : memref<12800xi32, #tpu.memory_space<vmem>>) target_semaphore(%arg12 : memref<!tpu.dma_semaphore, #tpu.memory_space<semaphore_mem>>)
    %dma_wait3A_203 = arith.constant 0 : i32
    %dma_wait3A_204 = tpu.memref_slice %arg9[%dma_wait3A_203] : memref<12800xf32, #tpu.memory_space<vmem>> -> memref<3200xf32, #tpu.memory_space<vmem>>
    %dma_wait3A_205 = tpu.memref_slice %arg4[%add3A_50] : memref<3276800xf32, #tpu.memory_space<hbm>> -> memref<3200xf32, #tpu.memory_space<hbm>>
    %dma_wait3A_206 = tpu.memref_slice %arg4[%add3A_50] : memref<3276800xf32, #tpu.memory_space<hbm>> -> memref<3200xf32, #tpu.memory_space<hbm>>
    %dma_wait3A_207 = arith.constant 0 : i32
    %dma_wait3A_208 = tpu.memref_slice %arg9[%dma_wait3A_207] : memref<12800xf32, #tpu.memory_space<vmem>> -> memref<3200xf32, #tpu.memory_space<vmem>>
    tpu.wait_dma2 semaphore(%arg17 : memref<!tpu.dma_semaphore, #tpu.memory_space<semaphore_mem>>) src(%dma_wait3A_208 : memref<3200xf32, #tpu.memory_space<vmem>>) dst(%dma_wait3A_206 : memref<3200xf32, #tpu.memory_space<hbm>>)
    %dma_wait3A_209 = arith.constant 3200 : i32
    %dma_wait3A_210 = tpu.memref_slice %arg9[%dma_wait3A_209] : memref<12800xf32, #tpu.memory_space<vmem>> -> memref<3200xf32, #tpu.memory_space<vmem>>
    %dma_wait3A_211 = tpu.memref_slice %arg4[%add3A_66] : memref<3276800xf32, #tpu.memory_space<hbm>> -> memref<3200xf32, #tpu.memory_space<hbm>>
    %dma_wait3A_212 = tpu.memref_slice %arg4[%add3A_66] : memref<3276800xf32, #tpu.memory_space<hbm>> -> memref<3200xf32, #tpu.memory_space<hbm>>
    %dma_wait3A_213 = arith.constant 3200 : i32
    %dma_wait3A_214 = tpu.memref_slice %arg9[%dma_wait3A_213] : memref<12800xf32, #tpu.memory_space<vmem>> -> memref<3200xf32, #tpu.memory_space<vmem>>
    tpu.wait_dma2 semaphore(%arg17 : memref<!tpu.dma_semaphore, #tpu.memory_space<semaphore_mem>>) src(%dma_wait3A_214 : memref<3200xf32, #tpu.memory_space<vmem>>) dst(%dma_wait3A_212 : memref<3200xf32, #tpu.memory_space<hbm>>)
    %dma_wait3A_215 = arith.constant 6400 : i32
    %dma_wait3A_216 = tpu.memref_slice %arg9[%dma_wait3A_215] : memref<12800xf32, #tpu.memory_space<vmem>> -> memref<3200xf32, #tpu.memory_space<vmem>>
    %dma_wait3A_217 = tpu.memref_slice %arg4[%add3A_82] : memref<3276800xf32, #tpu.memory_space<hbm>> -> memref<3200xf32, #tpu.memory_space<hbm>>
    %dma_wait3A_218 = tpu.memref_slice %arg4[%add3A_82] : memref<3276800xf32, #tpu.memory_space<hbm>> -> memref<3200xf32, #tpu.memory_space<hbm>>
    %dma_wait3A_219 = arith.constant 6400 : i32
    %dma_wait3A_220 = tpu.memref_slice %arg9[%dma_wait3A_219] : memref<12800xf32, #tpu.memory_space<vmem>> -> memref<3200xf32, #tpu.memory_space<vmem>>
    tpu.wait_dma2 semaphore(%arg17 : memref<!tpu.dma_semaphore, #tpu.memory_space<semaphore_mem>>) src(%dma_wait3A_220 : memref<3200xf32, #tpu.memory_space<vmem>>) dst(%dma_wait3A_218 : memref<3200xf32, #tpu.memory_space<hbm>>)
    %dma_wait3A_221 = arith.constant 9600 : i32
    %dma_wait3A_222 = tpu.memref_slice %arg9[%dma_wait3A_221] : memref<12800xf32, #tpu.memory_space<vmem>> -> memref<3200xf32, #tpu.memory_space<vmem>>
    %dma_wait3A_223 = tpu.memref_slice %arg4[%add3A_98] : memref<3276800xf32, #tpu.memory_space<hbm>> -> memref<3200xf32, #tpu.memory_space<hbm>>
    %dma_wait3A_224 = tpu.memref_slice %arg4[%add3A_98] : memref<3276800xf32, #tpu.memory_space<hbm>> -> memref<3200xf32, #tpu.memory_space<hbm>>
    %dma_wait3A_225 = arith.constant 9600 : i32
    %dma_wait3A_226 = tpu.memref_slice %arg9[%dma_wait3A_225] : memref<12800xf32, #tpu.memory_space<vmem>> -> memref<3200xf32, #tpu.memory_space<vmem>>
    tpu.wait_dma2 semaphore(%arg17 : memref<!tpu.dma_semaphore, #tpu.memory_space<semaphore_mem>>) src(%dma_wait3A_226 : memref<3200xf32, #tpu.memory_space<vmem>>) dst(%dma_wait3A_224 : memref<3200xf32, #tpu.memory_space<hbm>>)
    %dma_wait3A_227 = tpu.memref_slice %arg3[%add3A_106] : memref<3276800xi32, #tpu.memory_space<hbm>> -> memref<12800xi32, #tpu.memory_space<hbm>>
    %dma_wait3A_228 = tpu.memref_slice %arg3[%add3A_106] : memref<3276800xi32, #tpu.memory_space<hbm>> -> memref<12800xi32, #tpu.memory_space<hbm>>
    tpu.wait_dma2 semaphore(%arg11 : memref<!tpu.dma_semaphore, #tpu.memory_space<semaphore_mem>>) src(%dma_wait3A_228 : memref<12800xi32, #tpu.memory_space<hbm>>) dst(%arg7 : memref<12800xi32, #tpu.memory_space<vmem>>)
    %dma_start3A_229 = arith.constant 0 : i32
    %dma_start3A_230 = tpu.memref_slice %arg9[%dma_start3A_229] : memref<12800xf32, #tpu.memory_space<vmem>> -> memref<3200xf32, #tpu.memory_space<vmem>>
    %dma_start3A_231 = arith.constant 0 : i32
    %dma_start3A_232 = tpu.memref_slice %arg7[%dma_start3A_231] : memref<12800xi32, #tpu.memory_space<vmem>> -> memref<3200xi32, #tpu.memory_space<vmem>>
    %dma_start3A_233 = arith.constant 0 : i32
    %dma_start3A_234 = tpu.memref_slice %arg5[%dma_start3A_233] : memref<1000000xf32, #tpu.memory_space<vmem_shared>> -> memref<1000000xf32, #tpu.memory_space<vmem_shared>>
    tpu.enqueue_indirect_dma source(%dma_start3A_234 : memref<1000000xf32, #tpu.memory_space<vmem_shared>>) target(%dma_start3A_230 : memref<3200xf32, #tpu.memory_space<vmem>>) offsets(%dma_start3A_232 : memref<3200xi32, #tpu.memory_space<vmem>>) semaphore(%arg13 : memref<!tpu.dma_semaphore, #tpu.memory_space<semaphore_mem>>)
    %dma_start3A_235 = arith.constant 3200 : i32
    %dma_start3A_236 = tpu.memref_slice %arg9[%dma_start3A_235] : memref<12800xf32, #tpu.memory_space<vmem>> -> memref<3200xf32, #tpu.memory_space<vmem>>
    %dma_start3A_237 = arith.constant 3200 : i32
    %dma_start3A_238 = tpu.memref_slice %arg7[%dma_start3A_237] : memref<12800xi32, #tpu.memory_space<vmem>> -> memref<3200xi32, #tpu.memory_space<vmem>>
    %dma_start3A_239 = arith.constant 0 : i32
    %dma_start3A_240 = tpu.memref_slice %arg5[%dma_start3A_239] : memref<1000000xf32, #tpu.memory_space<vmem_shared>> -> memref<1000000xf32, #tpu.memory_space<vmem_shared>>
    tpu.enqueue_indirect_dma source(%dma_start3A_240 : memref<1000000xf32, #tpu.memory_space<vmem_shared>>) target(%dma_start3A_236 : memref<3200xf32, #tpu.memory_space<vmem>>) offsets(%dma_start3A_238 : memref<3200xi32, #tpu.memory_space<vmem>>) semaphore(%arg14 : memref<!tpu.dma_semaphore, #tpu.memory_space<semaphore_mem>>)
    %dma_start3A_241 = arith.constant 6400 : i32
    %dma_start3A_242 = tpu.memref_slice %arg9[%dma_start3A_241] : memref<12800xf32, #tpu.memory_space<vmem>> -> memref<3200xf32, #tpu.memory_space<vmem>>
    %dma_start3A_243 = arith.constant 6400 : i32
    %dma_start3A_244 = tpu.memref_slice %arg7[%dma_start3A_243] : memref<12800xi32, #tpu.memory_space<vmem>> -> memref<3200xi32, #tpu.memory_space<vmem>>
    %dma_start3A_245 = arith.constant 0 : i32
    %dma_start3A_246 = tpu.memref_slice %arg5[%dma_start3A_245] : memref<1000000xf32, #tpu.memory_space<vmem_shared>> -> memref<1000000xf32, #tpu.memory_space<vmem_shared>>
    tpu.enqueue_indirect_dma source(%dma_start3A_246 : memref<1000000xf32, #tpu.memory_space<vmem_shared>>) target(%dma_start3A_242 : memref<3200xf32, #tpu.memory_space<vmem>>) offsets(%dma_start3A_244 : memref<3200xi32, #tpu.memory_space<vmem>>) semaphore(%arg15 : memref<!tpu.dma_semaphore, #tpu.memory_space<semaphore_mem>>)
    %dma_start3A_247 = arith.constant 9600 : i32
    %dma_start3A_248 = tpu.memref_slice %arg9[%dma_start3A_247] : memref<12800xf32, #tpu.memory_space<vmem>> -> memref<3200xf32, #tpu.memory_space<vmem>>
    %dma_start3A_249 = arith.constant 9600 : i32
    %dma_start3A_250 = tpu.memref_slice %arg7[%dma_start3A_249] : memref<12800xi32, #tpu.memory_space<vmem>> -> memref<3200xi32, #tpu.memory_space<vmem>>
    %dma_start3A_251 = arith.constant 0 : i32
    %dma_start3A_252 = tpu.memref_slice %arg5[%dma_start3A_251] : memref<1000000xf32, #tpu.memory_space<vmem_shared>> -> memref<1000000xf32, #tpu.memory_space<vmem_shared>>
    tpu.enqueue_indirect_dma source(%dma_start3A_252 : memref<1000000xf32, #tpu.memory_space<vmem_shared>>) target(%dma_start3A_248 : memref<3200xf32, #tpu.memory_space<vmem>>) offsets(%dma_start3A_250 : memref<3200xi32, #tpu.memory_space<vmem>>) semaphore(%arg16 : memref<!tpu.dma_semaphore, #tpu.memory_space<semaphore_mem>>)
    %dma_wait3A_253 = arith.constant 0 : i32
    %dma_wait3A_254 = tpu.memref_slice %arg9[%dma_wait3A_253] : memref<12800xf32, #tpu.memory_space<vmem>> -> memref<3200xf32, #tpu.memory_space<vmem>>
    %dma_wait3A_255 = arith.constant 0 : i32
    %dma_wait3A_256 = tpu.memref_slice %arg7[%dma_wait3A_255] : memref<12800xi32, #tpu.memory_space<vmem>> -> memref<3200xi32, #tpu.memory_space<vmem>>
    %dma_wait3A_257 = arith.constant 0 : i32
    %dma_wait3A_258 = tpu.memref_slice %arg5[%dma_wait3A_257] : memref<1000000xf32, #tpu.memory_space<vmem_shared>> -> memref<1000000xf32, #tpu.memory_space<vmem_shared>>
    tpu.wait_indirect_dma semaphore(%arg13 : memref<!tpu.dma_semaphore, #tpu.memory_space<semaphore_mem>>) src(%dma_wait3A_258 : memref<1000000xf32, #tpu.memory_space<vmem_shared>>) dst(%dma_wait3A_254 : memref<3200xf32, #tpu.memory_space<vmem>>)
    %add3A_259 = arith.constant 25600 : i32
    %add3A_260 = arith.addi %mul3A_2, %add3A_259 : i32
    %add3A_261 = arith.constant 0 : i32
    %add3A_262 = arith.addi %add3A_260, %add3A_261 : i32
    %dma_start3A_263 = arith.constant 0 : i32
    %dma_start3A_264 = tpu.memref_slice %arg9[%dma_start3A_263] : memref<12800xf32, #tpu.memory_space<vmem>> -> memref<3200xf32, #tpu.memory_space<vmem>>
    %dma_start3A_265 = tpu.memref_slice %arg4[%add3A_262] : memref<3276800xf32, #tpu.memory_space<hbm>> -> memref<3200xf32, #tpu.memory_space<hbm>>
    %dma_start3A_266 = tpu.memref_slice %arg4[%add3A_262] : memref<3276800xf32, #tpu.memory_space<hbm>> -> memref<3200xf32, #tpu.memory_space<hbm>>
    %dma_start3A_267 = arith.constant 0 : i32
    %dma_start3A_268 = tpu.memref_slice %arg9[%dma_start3A_267] : memref<12800xf32, #tpu.memory_space<vmem>> -> memref<3200xf32, #tpu.memory_space<vmem>>
    tpu.enqueue_dma source(%dma_start3A_268 : memref<3200xf32, #tpu.memory_space<vmem>>) target(%dma_start3A_266 : memref<3200xf32, #tpu.memory_space<hbm>>) target_semaphore(%arg17 : memref<!tpu.dma_semaphore, #tpu.memory_space<semaphore_mem>>)
    %dma_wait3A_269 = arith.constant 3200 : i32
    %dma_wait3A_270 = tpu.memref_slice %arg9[%dma_wait3A_269] : memref<12800xf32, #tpu.memory_space<vmem>> -> memref<3200xf32, #tpu.memory_space<vmem>>
    %dma_wait3A_271 = arith.constant 3200 : i32
    %dma_wait3A_272 = tpu.memref_slice %arg7[%dma_wait3A_271] : memref<12800xi32, #tpu.memory_space<vmem>> -> memref<3200xi32, #tpu.memory_space<vmem>>
    %dma_wait3A_273 = arith.constant 0 : i32
    %dma_wait3A_274 = tpu.memref_slice %arg5[%dma_wait3A_273] : memref<1000000xf32, #tpu.memory_space<vmem_shared>> -> memref<1000000xf32, #tpu.memory_space<vmem_shared>>
    tpu.wait_indirect_dma semaphore(%arg14 : memref<!tpu.dma_semaphore, #tpu.memory_space<semaphore_mem>>) src(%dma_wait3A_274 : memref<1000000xf32, #tpu.memory_space<vmem_shared>>) dst(%dma_wait3A_270 : memref<3200xf32, #tpu.memory_space<vmem>>)
    %add3A_275 = arith.constant 25600 : i32
    %add3A_276 = arith.addi %mul3A_2, %add3A_275 : i32
    %add3A_277 = arith.constant 3200 : i32
    %add3A_278 = arith.addi %add3A_276, %add3A_277 : i32
    %dma_start3A_279 = arith.constant 3200 : i32
    %dma_start3A_280 = tpu.memref_slice %arg9[%dma_start3A_279] : memref<12800xf32, #tpu.memory_space<vmem>> -> memref<3200xf32, #tpu.memory_space<vmem>>
    %dma_start3A_281 = tpu.memref_slice %arg4[%add3A_278] : memref<3276800xf32, #tpu.memory_space<hbm>> -> memref<3200xf32, #tpu.memory_space<hbm>>
    %dma_start3A_282 = tpu.memref_slice %arg4[%add3A_278] : memref<3276800xf32, #tpu.memory_space<hbm>> -> memref<3200xf32, #tpu.memory_space<hbm>>
    %dma_start3A_283 = arith.constant 3200 : i32
    %dma_start3A_284 = tpu.memref_slice %arg9[%dma_start3A_283] : memref<12800xf32, #tpu.memory_space<vmem>> -> memref<3200xf32, #tpu.memory_space<vmem>>
    tpu.enqueue_dma source(%dma_start3A_284 : memref<3200xf32, #tpu.memory_space<vmem>>) target(%dma_start3A_282 : memref<3200xf32, #tpu.memory_space<hbm>>) target_semaphore(%arg17 : memref<!tpu.dma_semaphore, #tpu.memory_space<semaphore_mem>>)
    %dma_wait3A_285 = arith.constant 6400 : i32
    %dma_wait3A_286 = tpu.memref_slice %arg9[%dma_wait3A_285] : memref<12800xf32, #tpu.memory_space<vmem>> -> memref<3200xf32, #tpu.memory_space<vmem>>
    %dma_wait3A_287 = arith.constant 6400 : i32
    %dma_wait3A_288 = tpu.memref_slice %arg7[%dma_wait3A_287] : memref<12800xi32, #tpu.memory_space<vmem>> -> memref<3200xi32, #tpu.memory_space<vmem>>
    %dma_wait3A_289 = arith.constant 0 : i32
    %dma_wait3A_290 = tpu.memref_slice %arg5[%dma_wait3A_289] : memref<1000000xf32, #tpu.memory_space<vmem_shared>> -> memref<1000000xf32, #tpu.memory_space<vmem_shared>>
    tpu.wait_indirect_dma semaphore(%arg15 : memref<!tpu.dma_semaphore, #tpu.memory_space<semaphore_mem>>) src(%dma_wait3A_290 : memref<1000000xf32, #tpu.memory_space<vmem_shared>>) dst(%dma_wait3A_286 : memref<3200xf32, #tpu.memory_space<vmem>>)
    %add3A_291 = arith.constant 25600 : i32
    %add3A_292 = arith.addi %mul3A_2, %add3A_291 : i32
    %add3A_293 = arith.constant 6400 : i32
    %add3A_294 = arith.addi %add3A_292, %add3A_293 : i32
    %dma_start3A_295 = arith.constant 6400 : i32
    %dma_start3A_296 = tpu.memref_slice %arg9[%dma_start3A_295] : memref<12800xf32, #tpu.memory_space<vmem>> -> memref<3200xf32, #tpu.memory_space<vmem>>
    %dma_start3A_297 = tpu.memref_slice %arg4[%add3A_294] : memref<3276800xf32, #tpu.memory_space<hbm>> -> memref<3200xf32, #tpu.memory_space<hbm>>
    %dma_start3A_298 = tpu.memref_slice %arg4[%add3A_294] : memref<3276800xf32, #tpu.memory_space<hbm>> -> memref<3200xf32, #tpu.memory_space<hbm>>
    %dma_start3A_299 = arith.constant 6400 : i32
    %dma_start3A_300 = tpu.memref_slice %arg9[%dma_start3A_299] : memref<12800xf32, #tpu.memory_space<vmem>> -> memref<3200xf32, #tpu.memory_space<vmem>>
    tpu.enqueue_dma source(%dma_start3A_300 : memref<3200xf32, #tpu.memory_space<vmem>>) target(%dma_start3A_298 : memref<3200xf32, #tpu.memory_space<hbm>>) target_semaphore(%arg17 : memref<!tpu.dma_semaphore, #tpu.memory_space<semaphore_mem>>)
    %dma_wait3A_301 = arith.constant 9600 : i32
    %dma_wait3A_302 = tpu.memref_slice %arg9[%dma_wait3A_301] : memref<12800xf32, #tpu.memory_space<vmem>> -> memref<3200xf32, #tpu.memory_space<vmem>>
    %dma_wait3A_303 = arith.constant 9600 : i32
    %dma_wait3A_304 = tpu.memref_slice %arg7[%dma_wait3A_303] : memref<12800xi32, #tpu.memory_space<vmem>> -> memref<3200xi32, #tpu.memory_space<vmem>>
    %dma_wait3A_305 = arith.constant 0 : i32
    %dma_wait3A_306 = tpu.memref_slice %arg5[%dma_wait3A_305] : memref<1000000xf32, #tpu.memory_space<vmem_shared>> -> memref<1000000xf32, #tpu.memory_space<vmem_shared>>
    tpu.wait_indirect_dma semaphore(%arg16 : memref<!tpu.dma_semaphore, #tpu.memory_space<semaphore_mem>>) src(%dma_wait3A_306 : memref<1000000xf32, #tpu.memory_space<vmem_shared>>) dst(%dma_wait3A_302 : memref<3200xf32, #tpu.memory_space<vmem>>)
    %add3A_307 = arith.constant 25600 : i32
    %add3A_308 = arith.addi %mul3A_2, %add3A_307 : i32
    %add3A_309 = arith.constant 9600 : i32
    %add3A_310 = arith.addi %add3A_308, %add3A_309 : i32
    %dma_start3A_311 = arith.constant 9600 : i32
    %dma_start3A_312 = tpu.memref_slice %arg9[%dma_start3A_311] : memref<12800xf32, #tpu.memory_space<vmem>> -> memref<3200xf32, #tpu.memory_space<vmem>>
    %dma_start3A_313 = tpu.memref_slice %arg4[%add3A_310] : memref<3276800xf32, #tpu.memory_space<hbm>> -> memref<3200xf32, #tpu.memory_space<hbm>>
    %dma_start3A_314 = tpu.memref_slice %arg4[%add3A_310] : memref<3276800xf32, #tpu.memory_space<hbm>> -> memref<3200xf32, #tpu.memory_space<hbm>>
    %dma_start3A_315 = arith.constant 9600 : i32
    %dma_start3A_316 = tpu.memref_slice %arg9[%dma_start3A_315] : memref<12800xf32, #tpu.memory_space<vmem>> -> memref<3200xf32, #tpu.memory_space<vmem>>
    tpu.enqueue_dma source(%dma_start3A_316 : memref<3200xf32, #tpu.memory_space<vmem>>) target(%dma_start3A_314 : memref<3200xf32, #tpu.memory_space<hbm>>) target_semaphore(%arg17 : memref<!tpu.dma_semaphore, #tpu.memory_space<semaphore_mem>>)
    %add3A_317 = arith.constant 51200 : i32
    %add3A_318 = arith.addi %mul3A_2, %add3A_317 : i32
    %dma_start3A_319 = tpu.memref_slice %arg3[%add3A_318] : memref<3276800xi32, #tpu.memory_space<hbm>> -> memref<12800xi32, #tpu.memory_space<hbm>>
    %dma_start3A_320 = tpu.memref_slice %arg3[%add3A_318] : memref<3276800xi32, #tpu.memory_space<hbm>> -> memref<12800xi32, #tpu.memory_space<hbm>>
    tpu.enqueue_dma source(%dma_start3A_320 : memref<12800xi32, #tpu.memory_space<hbm>>) target(%arg7 : memref<12800xi32, #tpu.memory_space<vmem>>) target_semaphore(%arg11 : memref<!tpu.dma_semaphore, #tpu.memory_space<semaphore_mem>>)
    %dma_wait3A_321 = arith.constant 0 : i32
    %dma_wait3A_322 = tpu.memref_slice %arg10[%dma_wait3A_321] : memref<12800xf32, #tpu.memory_space<vmem>> -> memref<3200xf32, #tpu.memory_space<vmem>>
    %dma_wait3A_323 = tpu.memref_slice %arg4[%add3A_144] : memref<3276800xf32, #tpu.memory_space<hbm>> -> memref<3200xf32, #tpu.memory_space<hbm>>
    %dma_wait3A_324 = tpu.memref_slice %arg4[%add3A_144] : memref<3276800xf32, #tpu.memory_space<hbm>> -> memref<3200xf32, #tpu.memory_space<hbm>>
    %dma_wait3A_325 = arith.constant 0 : i32
    %dma_wait3A_326 = tpu.memref_slice %arg10[%dma_wait3A_325] : memref<12800xf32, #tpu.memory_space<vmem>> -> memref<3200xf32, #tpu.memory_space<vmem>>
    tpu.wait_dma2 semaphore(%arg18 : memref<!tpu.dma_semaphore, #tpu.memory_space<semaphore_mem>>) src(%dma_wait3A_326 : memref<3200xf32, #tpu.memory_space<vmem>>) dst(%dma_wait3A_324 : memref<3200xf32, #tpu.memory_space<hbm>>)
    %dma_wait3A_327 = arith.constant 3200 : i32
    %dma_wait3A_328 = tpu.memref_slice %arg10[%dma_wait3A_327] : memref<12800xf32, #tpu.memory_space<vmem>> -> memref<3200xf32, #tpu.memory_space<vmem>>
    %dma_wait3A_329 = tpu.memref_slice %arg4[%add3A_160] : memref<3276800xf32, #tpu.memory_space<hbm>> -> memref<3200xf32, #tpu.memory_space<hbm>>
    %dma_wait3A_330 = tpu.memref_slice %arg4[%add3A_160] : memref<3276800xf32, #tpu.memory_space<hbm>> -> memref<3200xf32, #tpu.memory_space<hbm>>
    %dma_wait3A_331 = arith.constant 3200 : i32
    %dma_wait3A_332 = tpu.memref_slice %arg10[%dma_wait3A_331] : memref<12800xf32, #tpu.memory_space<vmem>> -> memref<3200xf32, #tpu.memory_space<vmem>>
    tpu.wait_dma2 semaphore(%arg18 : memref<!tpu.dma_semaphore, #tpu.memory_space<semaphore_mem>>) src(%dma_wait3A_332 : memref<3200xf32, #tpu.memory_space<vmem>>) dst(%dma_wait3A_330 : memref<3200xf32, #tpu.memory_space<hbm>>)
    %dma_wait3A_333 = arith.constant 6400 : i32
    %dma_wait3A_334 = tpu.memref_slice %arg10[%dma_wait3A_333] : memref<12800xf32, #tpu.memory_space<vmem>> -> memref<3200xf32, #tpu.memory_space<vmem>>
    %dma_wait3A_335 = tpu.memref_slice %arg4[%add3A_176] : memref<3276800xf32, #tpu.memory_space<hbm>> -> memref<3200xf32, #tpu.memory_space<hbm>>
    %dma_wait3A_336 = tpu.memref_slice %arg4[%add3A_176] : memref<3276800xf32, #tpu.memory_space<hbm>> -> memref<3200xf32, #tpu.memory_space<hbm>>
    %dma_wait3A_337 = arith.constant 6400 : i32
    %dma_wait3A_338 = tpu.memref_slice %arg10[%dma_wait3A_337] : memref<12800xf32, #tpu.memory_space<vmem>> -> memref<3200xf32, #tpu.memory_space<vmem>>
    tpu.wait_dma2 semaphore(%arg18 : memref<!tpu.dma_semaphore, #tpu.memory_space<semaphore_mem>>) src(%dma_wait3A_338 : memref<3200xf32, #tpu.memory_space<vmem>>) dst(%dma_wait3A_336 : memref<3200xf32, #tpu.memory_space<hbm>>)
    %dma_wait3A_339 = arith.constant 9600 : i32
    %dma_wait3A_340 = tpu.memref_slice %arg10[%dma_wait3A_339] : memref<12800xf32, #tpu.memory_space<vmem>> -> memref<3200xf32, #tpu.memory_space<vmem>>
    %dma_wait3A_341 = tpu.memref_slice %arg4[%add3A_192] : memref<3276800xf32, #tpu.memory_space<hbm>> -> memref<3200xf32, #tpu.memory_space<hbm>>
    %dma_wait3A_342 = tpu.memref_slice %arg4[%add3A_192] : memref<3276800xf32, #tpu.memory_space<hbm>> -> memref<3200xf32, #tpu.memory_space<hbm>>
    %dma_wait3A_343 = arith.constant 9600 : i32
    %dma_wait3A_344 = tpu.memref_slice %arg10[%dma_wait3A_343] : memref<12800xf32, #tpu.memory_space<vmem>> -> memref<3200xf32, #tpu.memory_space<vmem>>
    tpu.wait_dma2 semaphore(%arg18 : memref<!tpu.dma_semaphore, #tpu.memory_space<semaphore_mem>>) src(%dma_wait3A_344 : memref<3200xf32, #tpu.memory_space<vmem>>) dst(%dma_wait3A_342 : memref<3200xf32, #tpu.memory_space<hbm>>)
    %dma_wait3A_345 = tpu.memref_slice %arg3[%add3A_200] : memref<3276800xi32, #tpu.memory_space<hbm>> -> memref<12800xi32, #tpu.memory_space<hbm>>
    %dma_wait3A_346 = tpu.memref_slice %arg3[%add3A_200] : memref<3276800xi32, #tpu.memory_space<hbm>> -> memref<12800xi32, #tpu.memory_space<hbm>>
    tpu.wait_dma2 semaphore(%arg12 : memref<!tpu.dma_semaphore, #tpu.memory_space<semaphore_mem>>) src(%dma_wait3A_346 : memref<12800xi32, #tpu.memory_space<hbm>>) dst(%arg8 : memref<12800xi32, #tpu.memory_space<vmem>>)
    %dma_start3A_347 = arith.constant 0 : i32
    %dma_start3A_348 = tpu.memref_slice %arg10[%dma_start3A_347] : memref<12800xf32, #tpu.memory_space<vmem>> -> memref<3200xf32, #tpu.memory_space<vmem>>
    %dma_start3A_349 = arith.constant 0 : i32
    %dma_start3A_350 = tpu.memref_slice %arg8[%dma_start3A_349] : memref<12800xi32, #tpu.memory_space<vmem>> -> memref<3200xi32, #tpu.memory_space<vmem>>
    %dma_start3A_351 = arith.constant 0 : i32
    %dma_start3A_352 = tpu.memref_slice %arg5[%dma_start3A_351] : memref<1000000xf32, #tpu.memory_space<vmem_shared>> -> memref<1000000xf32, #tpu.memory_space<vmem_shared>>
    tpu.enqueue_indirect_dma source(%dma_start3A_352 : memref<1000000xf32, #tpu.memory_space<vmem_shared>>) target(%dma_start3A_348 : memref<3200xf32, #tpu.memory_space<vmem>>) offsets(%dma_start3A_350 : memref<3200xi32, #tpu.memory_space<vmem>>) semaphore(%arg13 : memref<!tpu.dma_semaphore, #tpu.memory_space<semaphore_mem>>)
    %dma_start3A_353 = arith.constant 3200 : i32
    %dma_start3A_354 = tpu.memref_slice %arg10[%dma_start3A_353] : memref<12800xf32, #tpu.memory_space<vmem>> -> memref<3200xf32, #tpu.memory_space<vmem>>
    %dma_start3A_355 = arith.constant 3200 : i32
    %dma_start3A_356 = tpu.memref_slice %arg8[%dma_start3A_355] : memref<12800xi32, #tpu.memory_space<vmem>> -> memref<3200xi32, #tpu.memory_space<vmem>>
    %dma_start3A_357 = arith.constant 0 : i32
    %dma_start3A_358 = tpu.memref_slice %arg5[%dma_start3A_357] : memref<1000000xf32, #tpu.memory_space<vmem_shared>> -> memref<1000000xf32, #tpu.memory_space<vmem_shared>>
    tpu.enqueue_indirect_dma source(%dma_start3A_358 : memref<1000000xf32, #tpu.memory_space<vmem_shared>>) target(%dma_start3A_354 : memref<3200xf32, #tpu.memory_space<vmem>>) offsets(%dma_start3A_356 : memref<3200xi32, #tpu.memory_space<vmem>>) semaphore(%arg14 : memref<!tpu.dma_semaphore, #tpu.memory_space<semaphore_mem>>)
    %dma_start3A_359 = arith.constant 6400 : i32
    %dma_start3A_360 = tpu.memref_slice %arg10[%dma_start3A_359] : memref<12800xf32, #tpu.memory_space<vmem>> -> memref<3200xf32, #tpu.memory_space<vmem>>
    %dma_start3A_361 = arith.constant 6400 : i32
    %dma_start3A_362 = tpu.memref_slice %arg8[%dma_start3A_361] : memref<12800xi32, #tpu.memory_space<vmem>> -> memref<3200xi32, #tpu.memory_space<vmem>>
    %dma_start3A_363 = arith.constant 0 : i32
    %dma_start3A_364 = tpu.memref_slice %arg5[%dma_start3A_363] : memref<1000000xf32, #tpu.memory_space<vmem_shared>> -> memref<1000000xf32, #tpu.memory_space<vmem_shared>>
    tpu.enqueue_indirect_dma source(%dma_start3A_364 : memref<1000000xf32, #tpu.memory_space<vmem_shared>>) target(%dma_start3A_360 : memref<3200xf32, #tpu.memory_space<vmem>>) offsets(%dma_start3A_362 : memref<3200xi32, #tpu.memory_space<vmem>>) semaphore(%arg15 : memref<!tpu.dma_semaphore, #tpu.memory_space<semaphore_mem>>)
    %dma_start3A_365 = arith.constant 9600 : i32
    %dma_start3A_366 = tpu.memref_slice %arg10[%dma_start3A_365] : memref<12800xf32, #tpu.memory_space<vmem>> -> memref<3200xf32, #tpu.memory_space<vmem>>
    %dma_start3A_367 = arith.constant 9600 : i32
    %dma_start3A_368 = tpu.memref_slice %arg8[%dma_start3A_367] : memref<12800xi32, #tpu.memory_space<vmem>> -> memref<3200xi32, #tpu.memory_space<vmem>>
    %dma_start3A_369 = arith.constant 0 : i32
    %dma_start3A_370 = tpu.memref_slice %arg5[%dma_start3A_369] : memref<1000000xf32, #tpu.memory_space<vmem_shared>> -> memref<1000000xf32, #tpu.memory_space<vmem_shared>>
    tpu.enqueue_indirect_dma source(%dma_start3A_370 : memref<1000000xf32, #tpu.memory_space<vmem_shared>>) target(%dma_start3A_366 : memref<3200xf32, #tpu.memory_space<vmem>>) offsets(%dma_start3A_368 : memref<3200xi32, #tpu.memory_space<vmem>>) semaphore(%arg16 : memref<!tpu.dma_semaphore, #tpu.memory_space<semaphore_mem>>)
    %dma_wait3A_371 = arith.constant 0 : i32
    %dma_wait3A_372 = tpu.memref_slice %arg10[%dma_wait3A_371] : memref<12800xf32, #tpu.memory_space<vmem>> -> memref<3200xf32, #tpu.memory_space<vmem>>
    %dma_wait3A_373 = arith.constant 0 : i32
    %dma_wait3A_374 = tpu.memref_slice %arg8[%dma_wait3A_373] : memref<12800xi32, #tpu.memory_space<vmem>> -> memref<3200xi32, #tpu.memory_space<vmem>>
    %dma_wait3A_375 = arith.constant 0 : i32
    %dma_wait3A_376 = tpu.memref_slice %arg5[%dma_wait3A_375] : memref<1000000xf32, #tpu.memory_space<vmem_shared>> -> memref<1000000xf32, #tpu.memory_space<vmem_shared>>
    tpu.wait_indirect_dma semaphore(%arg13 : memref<!tpu.dma_semaphore, #tpu.memory_space<semaphore_mem>>) src(%dma_wait3A_376 : memref<1000000xf32, #tpu.memory_space<vmem_shared>>) dst(%dma_wait3A_372 : memref<3200xf32, #tpu.memory_space<vmem>>)
    %add3A_377 = arith.constant 38400 : i32
    %add3A_378 = arith.addi %mul3A_2, %add3A_377 : i32
    %add3A_379 = arith.constant 0 : i32
    %add3A_380 = arith.addi %add3A_378, %add3A_379 : i32
    %dma_start3A_381 = arith.constant 0 : i32
    %dma_start3A_382 = tpu.memref_slice %arg10[%dma_start3A_381] : memref<12800xf32, #tpu.memory_space<vmem>> -> memref<3200xf32, #tpu.memory_space<vmem>>
    %dma_start3A_383 = tpu.memref_slice %arg4[%add3A_380] : memref<3276800xf32, #tpu.memory_space<hbm>> -> memref<3200xf32, #tpu.memory_space<hbm>>
    %dma_start3A_384 = tpu.memref_slice %arg4[%add3A_380] : memref<3276800xf32, #tpu.memory_space<hbm>> -> memref<3200xf32, #tpu.memory_space<hbm>>
    %dma_start3A_385 = arith.constant 0 : i32
    %dma_start3A_386 = tpu.memref_slice %arg10[%dma_start3A_385] : memref<12800xf32, #tpu.memory_space<vmem>> -> memref<3200xf32, #tpu.memory_space<vmem>>
    tpu.enqueue_dma source(%dma_start3A_386 : memref<3200xf32, #tpu.memory_space<vmem>>) target(%dma_start3A_384 : memref<3200xf32, #tpu.memory_space<hbm>>) target_semaphore(%arg18 : memref<!tpu.dma_semaphore, #tpu.memory_space<semaphore_mem>>)
    %dma_wait3A_387 = arith.constant 3200 : i32
    %dma_wait3A_388 = tpu.memref_slice %arg10[%dma_wait3A_387] : memref<12800xf32, #tpu.memory_space<vmem>> -> memref<3200xf32, #tpu.memory_space<vmem>>
    %dma_wait3A_389 = arith.constant 3200 : i32
    %dma_wait3A_390 = tpu.memref_slice %arg8[%dma_wait3A_389] : memref<12800xi32, #tpu.memory_space<vmem>> -> memref<3200xi32, #tpu.memory_space<vmem>>
    %dma_wait3A_391 = arith.constant 0 : i32
    %dma_wait3A_392 = tpu.memref_slice %arg5[%dma_wait3A_391] : memref<1000000xf32, #tpu.memory_space<vmem_shared>> -> memref<1000000xf32, #tpu.memory_space<vmem_shared>>
    tpu.wait_indirect_dma semaphore(%arg14 : memref<!tpu.dma_semaphore, #tpu.memory_space<semaphore_mem>>) src(%dma_wait3A_392 : memref<1000000xf32, #tpu.memory_space<vmem_shared>>) dst(%dma_wait3A_388 : memref<3200xf32, #tpu.memory_space<vmem>>)
    %add3A_393 = arith.constant 38400 : i32
    %add3A_394 = arith.addi %mul3A_2, %add3A_393 : i32
    %add3A_395 = arith.constant 3200 : i32
    %add3A_396 = arith.addi %add3A_394, %add3A_395 : i32
    %dma_start3A_397 = arith.constant 3200 : i32
    %dma_start3A_398 = tpu.memref_slice %arg10[%dma_start3A_397] : memref<12800xf32, #tpu.memory_space<vmem>> -> memref<3200xf32, #tpu.memory_space<vmem>>
    %dma_start3A_399 = tpu.memref_slice %arg4[%add3A_396] : memref<3276800xf32, #tpu.memory_space<hbm>> -> memref<3200xf32, #tpu.memory_space<hbm>>
    %dma_start3A_400 = tpu.memref_slice %arg4[%add3A_396] : memref<3276800xf32, #tpu.memory_space<hbm>> -> memref<3200xf32, #tpu.memory_space<hbm>>
    %dma_start3A_401 = arith.constant 3200 : i32
    %dma_start3A_402 = tpu.memref_slice %arg10[%dma_start3A_401] : memref<12800xf32, #tpu.memory_space<vmem>> -> memref<3200xf32, #tpu.memory_space<vmem>>
    tpu.enqueue_dma source(%dma_start3A_402 : memref<3200xf32, #tpu.memory_space<vmem>>) target(%dma_start3A_400 : memref<3200xf32, #tpu.memory_space<hbm>>) target_semaphore(%arg18 : memref<!tpu.dma_semaphore, #tpu.memory_space<semaphore_mem>>)
    %dma_wait3A_403 = arith.constant 6400 : i32
    %dma_wait3A_404 = tpu.memref_slice %arg10[%dma_wait3A_403] : memref<12800xf32, #tpu.memory_space<vmem>> -> memref<3200xf32, #tpu.memory_space<vmem>>
    %dma_wait3A_405 = arith.constant 6400 : i32
    %dma_wait3A_406 = tpu.memref_slice %arg8[%dma_wait3A_405] : memref<12800xi32, #tpu.memory_space<vmem>> -> memref<3200xi32, #tpu.memory_space<vmem>>
    %dma_wait3A_407 = arith.constant 0 : i32
    %dma_wait3A_408 = tpu.memref_slice %arg5[%dma_wait3A_407] : memref<1000000xf32, #tpu.memory_space<vmem_shared>> -> memref<1000000xf32, #tpu.memory_space<vmem_shared>>
    tpu.wait_indirect_dma semaphore(%arg15 : memref<!tpu.dma_semaphore, #tpu.memory_space<semaphore_mem>>) src(%dma_wait3A_408 : memref<1000000xf32, #tpu.memory_space<vmem_shared>>) dst(%dma_wait3A_404 : memref<3200xf32, #tpu.memory_space<vmem>>)
    %add3A_409 = arith.constant 38400 : i32
    %add3A_410 = arith.addi %mul3A_2, %add3A_409 : i32
    %add3A_411 = arith.constant 6400 : i32
    %add3A_412 = arith.addi %add3A_410, %add3A_411 : i32
    %dma_start3A_413 = arith.constant 6400 : i32
    %dma_start3A_414 = tpu.memref_slice %arg10[%dma_start3A_413] : memref<12800xf32, #tpu.memory_space<vmem>> -> memref<3200xf32, #tpu.memory_space<vmem>>
    %dma_start3A_415 = tpu.memref_slice %arg4[%add3A_412] : memref<3276800xf32, #tpu.memory_space<hbm>> -> memref<3200xf32, #tpu.memory_space<hbm>>
    %dma_start3A_416 = tpu.memref_slice %arg4[%add3A_412] : memref<3276800xf32, #tpu.memory_space<hbm>> -> memref<3200xf32, #tpu.memory_space<hbm>>
    %dma_start3A_417 = arith.constant 6400 : i32
    %dma_start3A_418 = tpu.memref_slice %arg10[%dma_start3A_417] : memref<12800xf32, #tpu.memory_space<vmem>> -> memref<3200xf32, #tpu.memory_space<vmem>>
    tpu.enqueue_dma source(%dma_start3A_418 : memref<3200xf32, #tpu.memory_space<vmem>>) target(%dma_start3A_416 : memref<3200xf32, #tpu.memory_space<hbm>>) target_semaphore(%arg18 : memref<!tpu.dma_semaphore, #tpu.memory_space<semaphore_mem>>)
    %dma_wait3A_419 = arith.constant 9600 : i32
    %dma_wait3A_420 = tpu.memref_slice %arg10[%dma_wait3A_419] : memref<12800xf32, #tpu.memory_space<vmem>> -> memref<3200xf32, #tpu.memory_space<vmem>>
    %dma_wait3A_421 = arith.constant 9600 : i32
    %dma_wait3A_422 = tpu.memref_slice %arg8[%dma_wait3A_421] : memref<12800xi32, #tpu.memory_space<vmem>> -> memref<3200xi32, #tpu.memory_space<vmem>>
    %dma_wait3A_423 = arith.constant 0 : i32
    %dma_wait3A_424 = tpu.memref_slice %arg5[%dma_wait3A_423] : memref<1000000xf32, #tpu.memory_space<vmem_shared>> -> memref<1000000xf32, #tpu.memory_space<vmem_shared>>
    tpu.wait_indirect_dma semaphore(%arg16 : memref<!tpu.dma_semaphore, #tpu.memory_space<semaphore_mem>>) src(%dma_wait3A_424 : memref<1000000xf32, #tpu.memory_space<vmem_shared>>) dst(%dma_wait3A_420 : memref<3200xf32, #tpu.memory_space<vmem>>)
    %add3A_425 = arith.constant 38400 : i32
    %add3A_426 = arith.addi %mul3A_2, %add3A_425 : i32
    %add3A_427 = arith.constant 9600 : i32
    %add3A_428 = arith.addi %add3A_426, %add3A_427 : i32
    %dma_start3A_429 = arith.constant 9600 : i32
    %dma_start3A_430 = tpu.memref_slice %arg10[%dma_start3A_429] : memref<12800xf32, #tpu.memory_space<vmem>> -> memref<3200xf32, #tpu.memory_space<vmem>>
    %dma_start3A_431 = tpu.memref_slice %arg4[%add3A_428] : memref<3276800xf32, #tpu.memory_space<hbm>> -> memref<3200xf32, #tpu.memory_space<hbm>>
    %dma_start3A_432 = tpu.memref_slice %arg4[%add3A_428] : memref<3276800xf32, #tpu.memory_space<hbm>> -> memref<3200xf32, #tpu.memory_space<hbm>>
    %dma_start3A_433 = arith.constant 9600 : i32
    %dma_start3A_434 = tpu.memref_slice %arg10[%dma_start3A_433] : memref<12800xf32, #tpu.memory_space<vmem>> -> memref<3200xf32, #tpu.memory_space<vmem>>
    tpu.enqueue_dma source(%dma_start3A_434 : memref<3200xf32, #tpu.memory_space<vmem>>) target(%dma_start3A_432 : memref<3200xf32, #tpu.memory_space<hbm>>) target_semaphore(%arg18 : memref<!tpu.dma_semaphore, #tpu.memory_space<semaphore_mem>>)
    %add3A_435 = arith.constant 64000 : i32
    %add3A_436 = arith.addi %mul3A_2, %add3A_435 : i32
    %dma_start3A_437 = tpu.memref_slice %arg3[%add3A_436] : memref<3276800xi32, #tpu.memory_space<hbm>> -> memref<12800xi32, #tpu.memory_space<hbm>>
    %dma_start3A_438 = tpu.memref_slice %arg3[%add3A_436] : memref<3276800xi32, #tpu.memory_space<hbm>> -> memref<12800xi32, #tpu.memory_space<hbm>>
    tpu.enqueue_dma source(%dma_start3A_438 : memref<12800xi32, #tpu.memory_space<hbm>>) target(%arg8 : memref<12800xi32, #tpu.memory_space<vmem>>) target_semaphore(%arg12 : memref<!tpu.dma_semaphore, #tpu.memory_space<semaphore_mem>>)
    %dma_wait3A_439 = arith.constant 0 : i32
    %dma_wait3A_440 = tpu.memref_slice %arg9[%dma_wait3A_439] : memref<12800xf32, #tpu.memory_space<vmem>> -> memref<3200xf32, #tpu.memory_space<vmem>>
    %dma_wait3A_441 = tpu.memref_slice %arg4[%add3A_262] : memref<3276800xf32, #tpu.memory_space<hbm>> -> memref<3200xf32, #tpu.memory_space<hbm>>
    %dma_wait3A_442 = tpu.memref_slice %arg4[%add3A_262] : memref<3276800xf32, #tpu.memory_space<hbm>> -> memref<3200xf32, #tpu.memory_space<hbm>>
    %dma_wait3A_443 = arith.constant 0 : i32
    %dma_wait3A_444 = tpu.memref_slice %arg9[%dma_wait3A_443] : memref<12800xf32, #tpu.memory_space<vmem>> -> memref<3200xf32, #tpu.memory_space<vmem>>
    tpu.wait_dma2 semaphore(%arg17 : memref<!tpu.dma_semaphore, #tpu.memory_space<semaphore_mem>>) src(%dma_wait3A_444 : memref<3200xf32, #tpu.memory_space<vmem>>) dst(%dma_wait3A_442 : memref<3200xf32, #tpu.memory_space<hbm>>)
    %dma_wait3A_445 = arith.constant 3200 : i32
    %dma_wait3A_446 = tpu.memref_slice %arg9[%dma_wait3A_445] : memref<12800xf32, #tpu.memory_space<vmem>> -> memref<3200xf32, #tpu.memory_space<vmem>>
    %dma_wait3A_447 = tpu.memref_slice %arg4[%add3A_278] : memref<3276800xf32, #tpu.memory_space<hbm>> -> memref<3200xf32, #tpu.memory_space<hbm>>
    %dma_wait3A_448 = tpu.memref_slice %arg4[%add3A_278] : memref<3276800xf32, #tpu.memory_space<hbm>> -> memref<3200xf32, #tpu.memory_space<hbm>>
    %dma_wait3A_449 = arith.constant 3200 : i32
    %dma_wait3A_450 = tpu.memref_slice %arg9[%dma_wait3A_449] : memref<12800xf32, #tpu.memory_space<vmem>> -> memref<3200xf32, #tpu.memory_space<vmem>>
    tpu.wait_dma2 semaphore(%arg17 : memref<!tpu.dma_semaphore, #tpu.memory_space<semaphore_mem>>) src(%dma_wait3A_450 : memref<3200xf32, #tpu.memory_space<vmem>>) dst(%dma_wait3A_448 : memref<3200xf32, #tpu.memory_space<hbm>>)
    %dma_wait3A_451 = arith.constant 6400 : i32
    %dma_wait3A_452 = tpu.memref_slice %arg9[%dma_wait3A_451] : memref<12800xf32, #tpu.memory_space<vmem>> -> memref<3200xf32, #tpu.memory_space<vmem>>
    %dma_wait3A_453 = tpu.memref_slice %arg4[%add3A_294] : memref<3276800xf32, #tpu.memory_space<hbm>> -> memref<3200xf32, #tpu.memory_space<hbm>>
    %dma_wait3A_454 = tpu.memref_slice %arg4[%add3A_294] : memref<3276800xf32, #tpu.memory_space<hbm>> -> memref<3200xf32, #tpu.memory_space<hbm>>
    %dma_wait3A_455 = arith.constant 6400 : i32
    %dma_wait3A_456 = tpu.memref_slice %arg9[%dma_wait3A_455] : memref<12800xf32, #tpu.memory_space<vmem>> -> memref<3200xf32, #tpu.memory_space<vmem>>
    tpu.wait_dma2 semaphore(%arg17 : memref<!tpu.dma_semaphore, #tpu.memory_space<semaphore_mem>>) src(%dma_wait3A_456 : memref<3200xf32, #tpu.memory_space<vmem>>) dst(%dma_wait3A_454 : memref<3200xf32, #tpu.memory_space<hbm>>)
    %dma_wait3A_457 = arith.constant 9600 : i32
    %dma_wait3A_458 = tpu.memref_slice %arg9[%dma_wait3A_457] : memref<12800xf32, #tpu.memory_space<vmem>> -> memref<3200xf32, #tpu.memory_space<vmem>>
    %dma_wait3A_459 = tpu.memref_slice %arg4[%add3A_310] : memref<3276800xf32, #tpu.memory_space<hbm>> -> memref<3200xf32, #tpu.memory_space<hbm>>
    %dma_wait3A_460 = tpu.memref_slice %arg4[%add3A_310] : memref<3276800xf32, #tpu.memory_space<hbm>> -> memref<3200xf32, #tpu.memory_space<hbm>>
    %dma_wait3A_461 = arith.constant 9600 : i32
    %dma_wait3A_462 = tpu.memref_slice %arg9[%dma_wait3A_461] : memref<12800xf32, #tpu.memory_space<vmem>> -> memref<3200xf32, #tpu.memory_space<vmem>>
    tpu.wait_dma2 semaphore(%arg17 : memref<!tpu.dma_semaphore, #tpu.memory_space<semaphore_mem>>) src(%dma_wait3A_462 : memref<3200xf32, #tpu.memory_space<vmem>>) dst(%dma_wait3A_460 : memref<3200xf32, #tpu.memory_space<hbm>>)
    %dma_wait3A_463 = tpu.memref_slice %arg3[%add3A_318] : memref<3276800xi32, #tpu.memory_space<hbm>> -> memref<12800xi32, #tpu.memory_space<hbm>>
    %dma_wait3A_464 = tpu.memref_slice %arg3[%add3A_318] : memref<3276800xi32, #tpu.memory_space<hbm>> -> memref<12800xi32, #tpu.memory_space<hbm>>
    tpu.wait_dma2 semaphore(%arg11 : memref<!tpu.dma_semaphore, #tpu.memory_space<semaphore_mem>>) src(%dma_wait3A_464 : memref<12800xi32, #tpu.memory_space<hbm>>) dst(%arg7 : memref<12800xi32, #tpu.memory_space<vmem>>)
    %dma_start3A_465 = arith.constant 0 : i32
    %dma_start3A_466 = tpu.memref_slice %arg9[%dma_start3A_465] : memref<12800xf32, #tpu.memory_space<vmem>> -> memref<3200xf32, #tpu.memory_space<vmem>>
    %dma_start3A_467 = arith.constant 0 : i32
    %dma_start3A_468 = tpu.memref_slice %arg7[%dma_start3A_467] : memref<12800xi32, #tpu.memory_space<vmem>> -> memref<3200xi32, #tpu.memory_space<vmem>>
    %dma_start3A_469 = arith.constant 0 : i32
    %dma_start3A_470 = tpu.memref_slice %arg5[%dma_start3A_469] : memref<1000000xf32, #tpu.memory_space<vmem_shared>> -> memref<1000000xf32, #tpu.memory_space<vmem_shared>>
    tpu.enqueue_indirect_dma source(%dma_start3A_470 : memref<1000000xf32, #tpu.memory_space<vmem_shared>>) target(%dma_start3A_466 : memref<3200xf32, #tpu.memory_space<vmem>>) offsets(%dma_start3A_468 : memref<3200xi32, #tpu.memory_space<vmem>>) semaphore(%arg13 : memref<!tpu.dma_semaphore, #tpu.memory_space<semaphore_mem>>)
    %dma_start3A_471 = arith.constant 3200 : i32
    %dma_start3A_472 = tpu.memref_slice %arg9[%dma_start3A_471] : memref<12800xf32, #tpu.memory_space<vmem>> -> memref<3200xf32, #tpu.memory_space<vmem>>
    %dma_start3A_473 = arith.constant 3200 : i32
    %dma_start3A_474 = tpu.memref_slice %arg7[%dma_start3A_473] : memref<12800xi32, #tpu.memory_space<vmem>> -> memref<3200xi32, #tpu.memory_space<vmem>>
    %dma_start3A_475 = arith.constant 0 : i32
    %dma_start3A_476 = tpu.memref_slice %arg5[%dma_start3A_475] : memref<1000000xf32, #tpu.memory_space<vmem_shared>> -> memref<1000000xf32, #tpu.memory_space<vmem_shared>>
    tpu.enqueue_indirect_dma source(%dma_start3A_476 : memref<1000000xf32, #tpu.memory_space<vmem_shared>>) target(%dma_start3A_472 : memref<3200xf32, #tpu.memory_space<vmem>>) offsets(%dma_start3A_474 : memref<3200xi32, #tpu.memory_space<vmem>>) semaphore(%arg14 : memref<!tpu.dma_semaphore, #tpu.memory_space<semaphore_mem>>)
    %dma_start3A_477 = arith.constant 6400 : i32
    %dma_start3A_478 = tpu.memref_slice %arg9[%dma_start3A_477] : memref<12800xf32, #tpu.memory_space<vmem>> -> memref<3200xf32, #tpu.memory_space<vmem>>
    %dma_start3A_479 = arith.constant 6400 : i32
    %dma_start3A_480 = tpu.memref_slice %arg7[%dma_start3A_479] : memref<12800xi32, #tpu.memory_space<vmem>> -> memref<3200xi32, #tpu.memory_space<vmem>>
    %dma_start3A_481 = arith.constant 0 : i32
    %dma_start3A_482 = tpu.memref_slice %arg5[%dma_start3A_481] : memref<1000000xf32, #tpu.memory_space<vmem_shared>> -> memref<1000000xf32, #tpu.memory_space<vmem_shared>>
    tpu.enqueue_indirect_dma source(%dma_start3A_482 : memref<1000000xf32, #tpu.memory_space<vmem_shared>>) target(%dma_start3A_478 : memref<3200xf32, #tpu.memory_space<vmem>>) offsets(%dma_start3A_480 : memref<3200xi32, #tpu.memory_space<vmem>>) semaphore(%arg15 : memref<!tpu.dma_semaphore, #tpu.memory_space<semaphore_mem>>)
    %dma_start3A_483 = arith.constant 9600 : i32
    %dma_start3A_484 = tpu.memref_slice %arg9[%dma_start3A_483] : memref<12800xf32, #tpu.memory_space<vmem>> -> memref<3200xf32, #tpu.memory_space<vmem>>
    %dma_start3A_485 = arith.constant 9600 : i32
    %dma_start3A_486 = tpu.memref_slice %arg7[%dma_start3A_485] : memref<12800xi32, #tpu.memory_space<vmem>> -> memref<3200xi32, #tpu.memory_space<vmem>>
    %dma_start3A_487 = arith.constant 0 : i32
    %dma_start3A_488 = tpu.memref_slice %arg5[%dma_start3A_487] : memref<1000000xf32, #tpu.memory_space<vmem_shared>> -> memref<1000000xf32, #tpu.memory_space<vmem_shared>>
    tpu.enqueue_indirect_dma source(%dma_start3A_488 : memref<1000000xf32, #tpu.memory_space<vmem_shared>>) target(%dma_start3A_484 : memref<3200xf32, #tpu.memory_space<vmem>>) offsets(%dma_start3A_486 : memref<3200xi32, #tpu.memory_space<vmem>>) semaphore(%arg16 : memref<!tpu.dma_semaphore, #tpu.memory_space<semaphore_mem>>)
    %dma_wait3A_489 = arith.constant 0 : i32
    %dma_wait3A_490 = tpu.memref_slice %arg9[%dma_wait3A_489] : memref<12800xf32, #tpu.memory_space<vmem>> -> memref<3200xf32, #tpu.memory_space<vmem>>
    %dma_wait3A_491 = arith.constant 0 : i32
    %dma_wait3A_492 = tpu.memref_slice %arg7[%dma_wait3A_491] : memref<12800xi32, #tpu.memory_space<vmem>> -> memref<3200xi32, #tpu.memory_space<vmem>>
    %dma_wait3A_493 = arith.constant 0 : i32
    %dma_wait3A_494 = tpu.memref_slice %arg5[%dma_wait3A_493] : memref<1000000xf32, #tpu.memory_space<vmem_shared>> -> memref<1000000xf32, #tpu.memory_space<vmem_shared>>
    tpu.wait_indirect_dma semaphore(%arg13 : memref<!tpu.dma_semaphore, #tpu.memory_space<semaphore_mem>>) src(%dma_wait3A_494 : memref<1000000xf32, #tpu.memory_space<vmem_shared>>) dst(%dma_wait3A_490 : memref<3200xf32, #tpu.memory_space<vmem>>)
    %add3A_495 = arith.constant 51200 : i32
    %add3A_496 = arith.addi %mul3A_2, %add3A_495 : i32
    %add3A_497 = arith.constant 0 : i32
    %add3A_498 = arith.addi %add3A_496, %add3A_497 : i32
    %dma_start3A_499 = arith.constant 0 : i32
    %dma_start3A_500 = tpu.memref_slice %arg9[%dma_start3A_499] : memref<12800xf32, #tpu.memory_space<vmem>> -> memref<3200xf32, #tpu.memory_space<vmem>>
    %dma_start3A_501 = tpu.memref_slice %arg4[%add3A_498] : memref<3276800xf32, #tpu.memory_space<hbm>> -> memref<3200xf32, #tpu.memory_space<hbm>>
    %dma_start3A_502 = tpu.memref_slice %arg4[%add3A_498] : memref<3276800xf32, #tpu.memory_space<hbm>> -> memref<3200xf32, #tpu.memory_space<hbm>>
    %dma_start3A_503 = arith.constant 0 : i32
    %dma_start3A_504 = tpu.memref_slice %arg9[%dma_start3A_503] : memref<12800xf32, #tpu.memory_space<vmem>> -> memref<3200xf32, #tpu.memory_space<vmem>>
    tpu.enqueue_dma source(%dma_start3A_504 : memref<3200xf32, #tpu.memory_space<vmem>>) target(%dma_start3A_502 : memref<3200xf32, #tpu.memory_space<hbm>>) target_semaphore(%arg17 : memref<!tpu.dma_semaphore, #tpu.memory_space<semaphore_mem>>)
    %dma_wait3A_505 = arith.constant 3200 : i32
    %dma_wait3A_506 = tpu.memref_slice %arg9[%dma_wait3A_505] : memref<12800xf32, #tpu.memory_space<vmem>> -> memref<3200xf32, #tpu.memory_space<vmem>>
    %dma_wait3A_507 = arith.constant 3200 : i32
    %dma_wait3A_508 = tpu.memref_slice %arg7[%dma_wait3A_507] : memref<12800xi32, #tpu.memory_space<vmem>> -> memref<3200xi32, #tpu.memory_space<vmem>>
    %dma_wait3A_509 = arith.constant 0 : i32
    %dma_wait3A_510 = tpu.memref_slice %arg5[%dma_wait3A_509] : memref<1000000xf32, #tpu.memory_space<vmem_shared>> -> memref<1000000xf32, #tpu.memory_space<vmem_shared>>
    tpu.wait_indirect_dma semaphore(%arg14 : memref<!tpu.dma_semaphore, #tpu.memory_space<semaphore_mem>>) src(%dma_wait3A_510 : memref<1000000xf32, #tpu.memory_space<vmem_shared>>) dst(%dma_wait3A_506 : memref<3200xf32, #tpu.memory_space<vmem>>)
    %add3A_511 = arith.constant 51200 : i32
    %add3A_512 = arith.addi %mul3A_2, %add3A_511 : i32
    %add3A_513 = arith.constant 3200 : i32
    %add3A_514 = arith.addi %add3A_512, %add3A_513 : i32
    %dma_start3A_515 = arith.constant 3200 : i32
    %dma_start3A_516 = tpu.memref_slice %arg9[%dma_start3A_515] : memref<12800xf32, #tpu.memory_space<vmem>> -> memref<3200xf32, #tpu.memory_space<vmem>>
    %dma_start3A_517 = tpu.memref_slice %arg4[%add3A_514] : memref<3276800xf32, #tpu.memory_space<hbm>> -> memref<3200xf32, #tpu.memory_space<hbm>>
    %dma_start3A_518 = tpu.memref_slice %arg4[%add3A_514] : memref<3276800xf32, #tpu.memory_space<hbm>> -> memref<3200xf32, #tpu.memory_space<hbm>>
    %dma_start3A_519 = arith.constant 3200 : i32
    %dma_start3A_520 = tpu.memref_slice %arg9[%dma_start3A_519] : memref<12800xf32, #tpu.memory_space<vmem>> -> memref<3200xf32, #tpu.memory_space<vmem>>
    tpu.enqueue_dma source(%dma_start3A_520 : memref<3200xf32, #tpu.memory_space<vmem>>) target(%dma_start3A_518 : memref<3200xf32, #tpu.memory_space<hbm>>) target_semaphore(%arg17 : memref<!tpu.dma_semaphore, #tpu.memory_space<semaphore_mem>>)
    %dma_wait3A_521 = arith.constant 6400 : i32
    %dma_wait3A_522 = tpu.memref_slice %arg9[%dma_wait3A_521] : memref<12800xf32, #tpu.memory_space<vmem>> -> memref<3200xf32, #tpu.memory_space<vmem>>
    %dma_wait3A_523 = arith.constant 6400 : i32
    %dma_wait3A_524 = tpu.memref_slice %arg7[%dma_wait3A_523] : memref<12800xi32, #tpu.memory_space<vmem>> -> memref<3200xi32, #tpu.memory_space<vmem>>
    %dma_wait3A_525 = arith.constant 0 : i32
    %dma_wait3A_526 = tpu.memref_slice %arg5[%dma_wait3A_525] : memref<1000000xf32, #tpu.memory_space<vmem_shared>> -> memref<1000000xf32, #tpu.memory_space<vmem_shared>>
    tpu.wait_indirect_dma semaphore(%arg15 : memref<!tpu.dma_semaphore, #tpu.memory_space<semaphore_mem>>) src(%dma_wait3A_526 : memref<1000000xf32, #tpu.memory_space<vmem_shared>>) dst(%dma_wait3A_522 : memref<3200xf32, #tpu.memory_space<vmem>>)
    %add3A_527 = arith.constant 51200 : i32
    %add3A_528 = arith.addi %mul3A_2, %add3A_527 : i32
    %add3A_529 = arith.constant 6400 : i32
    %add3A_530 = arith.addi %add3A_528, %add3A_529 : i32
    %dma_start3A_531 = arith.constant 6400 : i32
    %dma_start3A_532 = tpu.memref_slice %arg9[%dma_start3A_531] : memref<12800xf32, #tpu.memory_space<vmem>> -> memref<3200xf32, #tpu.memory_space<vmem>>
    %dma_start3A_533 = tpu.memref_slice %arg4[%add3A_530] : memref<3276800xf32, #tpu.memory_space<hbm>> -> memref<3200xf32, #tpu.memory_space<hbm>>
    %dma_start3A_534 = tpu.memref_slice %arg4[%add3A_530] : memref<3276800xf32, #tpu.memory_space<hbm>> -> memref<3200xf32, #tpu.memory_space<hbm>>
    %dma_start3A_535 = arith.constant 6400 : i32
    %dma_start3A_536 = tpu.memref_slice %arg9[%dma_start3A_535] : memref<12800xf32, #tpu.memory_space<vmem>> -> memref<3200xf32, #tpu.memory_space<vmem>>
    tpu.enqueue_dma source(%dma_start3A_536 : memref<3200xf32, #tpu.memory_space<vmem>>) target(%dma_start3A_534 : memref<3200xf32, #tpu.memory_space<hbm>>) target_semaphore(%arg17 : memref<!tpu.dma_semaphore, #tpu.memory_space<semaphore_mem>>)
    %dma_wait3A_537 = arith.constant 9600 : i32
    %dma_wait3A_538 = tpu.memref_slice %arg9[%dma_wait3A_537] : memref<12800xf32, #tpu.memory_space<vmem>> -> memref<3200xf32, #tpu.memory_space<vmem>>
    %dma_wait3A_539 = arith.constant 9600 : i32
    %dma_wait3A_540 = tpu.memref_slice %arg7[%dma_wait3A_539] : memref<12800xi32, #tpu.memory_space<vmem>> -> memref<3200xi32, #tpu.memory_space<vmem>>
    %dma_wait3A_541 = arith.constant 0 : i32
    %dma_wait3A_542 = tpu.memref_slice %arg5[%dma_wait3A_541] : memref<1000000xf32, #tpu.memory_space<vmem_shared>> -> memref<1000000xf32, #tpu.memory_space<vmem_shared>>
    tpu.wait_indirect_dma semaphore(%arg16 : memref<!tpu.dma_semaphore, #tpu.memory_space<semaphore_mem>>) src(%dma_wait3A_542 : memref<1000000xf32, #tpu.memory_space<vmem_shared>>) dst(%dma_wait3A_538 : memref<3200xf32, #tpu.memory_space<vmem>>)
    %add3A_543 = arith.constant 51200 : i32
    %add3A_544 = arith.addi %mul3A_2, %add3A_543 : i32
    %add3A_545 = arith.constant 9600 : i32
    %add3A_546 = arith.addi %add3A_544, %add3A_545 : i32
    %dma_start3A_547 = arith.constant 9600 : i32
    %dma_start3A_548 = tpu.memref_slice %arg9[%dma_start3A_547] : memref<12800xf32, #tpu.memory_space<vmem>> -> memref<3200xf32, #tpu.memory_space<vmem>>
    %dma_start3A_549 = tpu.memref_slice %arg4[%add3A_546] : memref<3276800xf32, #tpu.memory_space<hbm>> -> memref<3200xf32, #tpu.memory_space<hbm>>
    %dma_start3A_550 = tpu.memref_slice %arg4[%add3A_546] : memref<3276800xf32, #tpu.memory_space<hbm>> -> memref<3200xf32, #tpu.memory_space<hbm>>
    %dma_start3A_551 = arith.constant 9600 : i32
    %dma_start3A_552 = tpu.memref_slice %arg9[%dma_start3A_551] : memref<12800xf32, #tpu.memory_space<vmem>> -> memref<3200xf32, #tpu.memory_space<vmem>>
    tpu.enqueue_dma source(%dma_start3A_552 : memref<3200xf32, #tpu.memory_space<vmem>>) target(%dma_start3A_550 : memref<3200xf32, #tpu.memory_space<hbm>>) target_semaphore(%arg17 : memref<!tpu.dma_semaphore, #tpu.memory_space<semaphore_mem>>)
    %add3A_553 = arith.constant 76800 : i32
    %add3A_554 = arith.addi %mul3A_2, %add3A_553 : i32
    %dma_start3A_555 = tpu.memref_slice %arg3[%add3A_554] : memref<3276800xi32, #tpu.memory_space<hbm>> -> memref<12800xi32, #tpu.memory_space<hbm>>
    %dma_start3A_556 = tpu.memref_slice %arg3[%add3A_554] : memref<3276800xi32, #tpu.memory_space<hbm>> -> memref<12800xi32, #tpu.memory_space<hbm>>
    tpu.enqueue_dma source(%dma_start3A_556 : memref<12800xi32, #tpu.memory_space<hbm>>) target(%arg7 : memref<12800xi32, #tpu.memory_space<vmem>>) target_semaphore(%arg11 : memref<!tpu.dma_semaphore, #tpu.memory_space<semaphore_mem>>)
    %dma_wait3A_557 = arith.constant 0 : i32
    %dma_wait3A_558 = tpu.memref_slice %arg10[%dma_wait3A_557] : memref<12800xf32, #tpu.memory_space<vmem>> -> memref<3200xf32, #tpu.memory_space<vmem>>
    %dma_wait3A_559 = tpu.memref_slice %arg4[%add3A_380] : memref<3276800xf32, #tpu.memory_space<hbm>> -> memref<3200xf32, #tpu.memory_space<hbm>>
    %dma_wait3A_560 = tpu.memref_slice %arg4[%add3A_380] : memref<3276800xf32, #tpu.memory_space<hbm>> -> memref<3200xf32, #tpu.memory_space<hbm>>
    %dma_wait3A_561 = arith.constant 0 : i32
    %dma_wait3A_562 = tpu.memref_slice %arg10[%dma_wait3A_561] : memref<12800xf32, #tpu.memory_space<vmem>> -> memref<3200xf32, #tpu.memory_space<vmem>>
    tpu.wait_dma2 semaphore(%arg18 : memref<!tpu.dma_semaphore, #tpu.memory_space<semaphore_mem>>) src(%dma_wait3A_562 : memref<3200xf32, #tpu.memory_space<vmem>>) dst(%dma_wait3A_560 : memref<3200xf32, #tpu.memory_space<hbm>>)
    %dma_wait3A_563 = arith.constant 3200 : i32
    %dma_wait3A_564 = tpu.memref_slice %arg10[%dma_wait3A_563] : memref<12800xf32, #tpu.memory_space<vmem>> -> memref<3200xf32, #tpu.memory_space<vmem>>
    %dma_wait3A_565 = tpu.memref_slice %arg4[%add3A_396] : memref<3276800xf32, #tpu.memory_space<hbm>> -> memref<3200xf32, #tpu.memory_space<hbm>>
    %dma_wait3A_566 = tpu.memref_slice %arg4[%add3A_396] : memref<3276800xf32, #tpu.memory_space<hbm>> -> memref<3200xf32, #tpu.memory_space<hbm>>
    %dma_wait3A_567 = arith.constant 3200 : i32
    %dma_wait3A_568 = tpu.memref_slice %arg10[%dma_wait3A_567] : memref<12800xf32, #tpu.memory_space<vmem>> -> memref<3200xf32, #tpu.memory_space<vmem>>
    tpu.wait_dma2 semaphore(%arg18 : memref<!tpu.dma_semaphore, #tpu.memory_space<semaphore_mem>>) src(%dma_wait3A_568 : memref<3200xf32, #tpu.memory_space<vmem>>) dst(%dma_wait3A_566 : memref<3200xf32, #tpu.memory_space<hbm>>)
    %dma_wait3A_569 = arith.constant 6400 : i32
    %dma_wait3A_570 = tpu.memref_slice %arg10[%dma_wait3A_569] : memref<12800xf32, #tpu.memory_space<vmem>> -> memref<3200xf32, #tpu.memory_space<vmem>>
    %dma_wait3A_571 = tpu.memref_slice %arg4[%add3A_412] : memref<3276800xf32, #tpu.memory_space<hbm>> -> memref<3200xf32, #tpu.memory_space<hbm>>
    %dma_wait3A_572 = tpu.memref_slice %arg4[%add3A_412] : memref<3276800xf32, #tpu.memory_space<hbm>> -> memref<3200xf32, #tpu.memory_space<hbm>>
    %dma_wait3A_573 = arith.constant 6400 : i32
    %dma_wait3A_574 = tpu.memref_slice %arg10[%dma_wait3A_573] : memref<12800xf32, #tpu.memory_space<vmem>> -> memref<3200xf32, #tpu.memory_space<vmem>>
    tpu.wait_dma2 semaphore(%arg18 : memref<!tpu.dma_semaphore, #tpu.memory_space<semaphore_mem>>) src(%dma_wait3A_574 : memref<3200xf32, #tpu.memory_space<vmem>>) dst(%dma_wait3A_572 : memref<3200xf32, #tpu.memory_space<hbm>>)
    %dma_wait3A_575 = arith.constant 9600 : i32
    %dma_wait3A_576 = tpu.memref_slice %arg10[%dma_wait3A_575] : memref<12800xf32, #tpu.memory_space<vmem>> -> memref<3200xf32, #tpu.memory_space<vmem>>
    %dma_wait3A_577 = tpu.memref_slice %arg4[%add3A_428] : memref<3276800xf32, #tpu.memory_space<hbm>> -> memref<3200xf32, #tpu.memory_space<hbm>>
    %dma_wait3A_578 = tpu.memref_slice %arg4[%add3A_428] : memref<3276800xf32, #tpu.memory_space<hbm>> -> memref<3200xf32, #tpu.memory_space<hbm>>
    %dma_wait3A_579 = arith.constant 9600 : i32
    %dma_wait3A_580 = tpu.memref_slice %arg10[%dma_wait3A_579] : memref<12800xf32, #tpu.memory_space<vmem>> -> memref<3200xf32, #tpu.memory_space<vmem>>
    tpu.wait_dma2 semaphore(%arg18 : memref<!tpu.dma_semaphore, #tpu.memory_space<semaphore_mem>>) src(%dma_wait3A_580 : memref<3200xf32, #tpu.memory_space<vmem>>) dst(%dma_wait3A_578 : memref<3200xf32, #tpu.memory_space<hbm>>)
    %dma_wait3A_581 = tpu.memref_slice %arg3[%add3A_436] : memref<3276800xi32, #tpu.memory_space<hbm>> -> memref<12800xi32, #tpu.memory_space<hbm>>
    %dma_wait3A_582 = tpu.memref_slice %arg3[%add3A_436] : memref<3276800xi32, #tpu.memory_space<hbm>> -> memref<12800xi32, #tpu.memory_space<hbm>>
    tpu.wait_dma2 semaphore(%arg12 : memref<!tpu.dma_semaphore, #tpu.memory_space<semaphore_mem>>) src(%dma_wait3A_582 : memref<12800xi32, #tpu.memory_space<hbm>>) dst(%arg8 : memref<12800xi32, #tpu.memory_space<vmem>>)
    %dma_start3A_583 = arith.constant 0 : i32
    %dma_start3A_584 = tpu.memref_slice %arg10[%dma_start3A_583] : memref<12800xf32, #tpu.memory_space<vmem>> -> memref<3200xf32, #tpu.memory_space<vmem>>
    %dma_start3A_585 = arith.constant 0 : i32
    %dma_start3A_586 = tpu.memref_slice %arg8[%dma_start3A_585] : memref<12800xi32, #tpu.memory_space<vmem>> -> memref<3200xi32, #tpu.memory_space<vmem>>
    %dma_start3A_587 = arith.constant 0 : i32
    %dma_start3A_588 = tpu.memref_slice %arg5[%dma_start3A_587] : memref<1000000xf32, #tpu.memory_space<vmem_shared>> -> memref<1000000xf32, #tpu.memory_space<vmem_shared>>
    tpu.enqueue_indirect_dma source(%dma_start3A_588 : memref<1000000xf32, #tpu.memory_space<vmem_shared>>) target(%dma_start3A_584 : memref<3200xf32, #tpu.memory_space<vmem>>) offsets(%dma_start3A_586 : memref<3200xi32, #tpu.memory_space<vmem>>) semaphore(%arg13 : memref<!tpu.dma_semaphore, #tpu.memory_space<semaphore_mem>>)
    %dma_start3A_589 = arith.constant 3200 : i32
    %dma_start3A_590 = tpu.memref_slice %arg10[%dma_start3A_589] : memref<12800xf32, #tpu.memory_space<vmem>> -> memref<3200xf32, #tpu.memory_space<vmem>>
    %dma_start3A_591 = arith.constant 3200 : i32
    %dma_start3A_592 = tpu.memref_slice %arg8[%dma_start3A_591] : memref<12800xi32, #tpu.memory_space<vmem>> -> memref<3200xi32, #tpu.memory_space<vmem>>
    %dma_start3A_593 = arith.constant 0 : i32
    %dma_start3A_594 = tpu.memref_slice %arg5[%dma_start3A_593] : memref<1000000xf32, #tpu.memory_space<vmem_shared>> -> memref<1000000xf32, #tpu.memory_space<vmem_shared>>
    tpu.enqueue_indirect_dma source(%dma_start3A_594 : memref<1000000xf32, #tpu.memory_space<vmem_shared>>) target(%dma_start3A_590 : memref<3200xf32, #tpu.memory_space<vmem>>) offsets(%dma_start3A_592 : memref<3200xi32, #tpu.memory_space<vmem>>) semaphore(%arg14 : memref<!tpu.dma_semaphore, #tpu.memory_space<semaphore_mem>>)
    %dma_start3A_595 = arith.constant 6400 : i32
    %dma_start3A_596 = tpu.memref_slice %arg10[%dma_start3A_595] : memref<12800xf32, #tpu.memory_space<vmem>> -> memref<3200xf32, #tpu.memory_space<vmem>>
    %dma_start3A_597 = arith.constant 6400 : i32
    %dma_start3A_598 = tpu.memref_slice %arg8[%dma_start3A_597] : memref<12800xi32, #tpu.memory_space<vmem>> -> memref<3200xi32, #tpu.memory_space<vmem>>
    %dma_start3A_599 = arith.constant 0 : i32
    %dma_start3A_600 = tpu.memref_slice %arg5[%dma_start3A_599] : memref<1000000xf32, #tpu.memory_space<vmem_shared>> -> memref<1000000xf32, #tpu.memory_space<vmem_shared>>
    tpu.enqueue_indirect_dma source(%dma_start3A_600 : memref<1000000xf32, #tpu.memory_space<vmem_shared>>) target(%dma_start3A_596 : memref<3200xf32, #tpu.memory_space<vmem>>) offsets(%dma_start3A_598 : memref<3200xi32, #tpu.memory_space<vmem>>) semaphore(%arg15 : memref<!tpu.dma_semaphore, #tpu.memory_space<semaphore_mem>>)
    %dma_start3A_601 = arith.constant 9600 : i32
    %dma_start3A_602 = tpu.memref_slice %arg10[%dma_start3A_601] : memref<12800xf32, #tpu.memory_space<vmem>> -> memref<3200xf32, #tpu.memory_space<vmem>>
    %dma_start3A_603 = arith.constant 9600 : i32
    %dma_start3A_604 = tpu.memref_slice %arg8[%dma_start3A_603] : memref<12800xi32, #tpu.memory_space<vmem>> -> memref<3200xi32, #tpu.memory_space<vmem>>
    %dma_start3A_605 = arith.constant 0 : i32
    %dma_start3A_606 = tpu.memref_slice %arg5[%dma_start3A_605] : memref<1000000xf32, #tpu.memory_space<vmem_shared>> -> memref<1000000xf32, #tpu.memory_space<vmem_shared>>
    tpu.enqueue_indirect_dma source(%dma_start3A_606 : memref<1000000xf32, #tpu.memory_space<vmem_shared>>) target(%dma_start3A_602 : memref<3200xf32, #tpu.memory_space<vmem>>) offsets(%dma_start3A_604 : memref<3200xi32, #tpu.memory_space<vmem>>) semaphore(%arg16 : memref<!tpu.dma_semaphore, #tpu.memory_space<semaphore_mem>>)
    %dma_wait3A_607 = arith.constant 0 : i32
    %dma_wait3A_608 = tpu.memref_slice %arg10[%dma_wait3A_607] : memref<12800xf32, #tpu.memory_space<vmem>> -> memref<3200xf32, #tpu.memory_space<vmem>>
    %dma_wait3A_609 = arith.constant 0 : i32
    %dma_wait3A_610 = tpu.memref_slice %arg8[%dma_wait3A_609] : memref<12800xi32, #tpu.memory_space<vmem>> -> memref<3200xi32, #tpu.memory_space<vmem>>
    %dma_wait3A_611 = arith.constant 0 : i32
    %dma_wait3A_612 = tpu.memref_slice %arg5[%dma_wait3A_611] : memref<1000000xf32, #tpu.memory_space<vmem_shared>> -> memref<1000000xf32, #tpu.memory_space<vmem_shared>>
    tpu.wait_indirect_dma semaphore(%arg13 : memref<!tpu.dma_semaphore, #tpu.memory_space<semaphore_mem>>) src(%dma_wait3A_612 : memref<1000000xf32, #tpu.memory_space<vmem_shared>>) dst(%dma_wait3A_608 : memref<3200xf32, #tpu.memory_space<vmem>>)
    %add3A_613 = arith.constant 64000 : i32
    %add3A_614 = arith.addi %mul3A_2, %add3A_613 : i32
    %add3A_615 = arith.constant 0 : i32
    %add3A_616 = arith.addi %add3A_614, %add3A_615 : i32
    %dma_start3A_617 = arith.constant 0 : i32
    %dma_start3A_618 = tpu.memref_slice %arg10[%dma_start3A_617] : memref<12800xf32, #tpu.memory_space<vmem>> -> memref<3200xf32, #tpu.memory_space<vmem>>
    %dma_start3A_619 = tpu.memref_slice %arg4[%add3A_616] : memref<3276800xf32, #tpu.memory_space<hbm>> -> memref<3200xf32, #tpu.memory_space<hbm>>
    %dma_start3A_620 = tpu.memref_slice %arg4[%add3A_616] : memref<3276800xf32, #tpu.memory_space<hbm>> -> memref<3200xf32, #tpu.memory_space<hbm>>
    %dma_start3A_621 = arith.constant 0 : i32
    %dma_start3A_622 = tpu.memref_slice %arg10[%dma_start3A_621] : memref<12800xf32, #tpu.memory_space<vmem>> -> memref<3200xf32, #tpu.memory_space<vmem>>
    tpu.enqueue_dma source(%dma_start3A_622 : memref<3200xf32, #tpu.memory_space<vmem>>) target(%dma_start3A_620 : memref<3200xf32, #tpu.memory_space<hbm>>) target_semaphore(%arg18 : memref<!tpu.dma_semaphore, #tpu.memory_space<semaphore_mem>>)
    %dma_wait3A_623 = arith.constant 3200 : i32
    %dma_wait3A_624 = tpu.memref_slice %arg10[%dma_wait3A_623] : memref<12800xf32, #tpu.memory_space<vmem>> -> memref<3200xf32, #tpu.memory_space<vmem>>
    %dma_wait3A_625 = arith.constant 3200 : i32
    %dma_wait3A_626 = tpu.memref_slice %arg8[%dma_wait3A_625] : memref<12800xi32, #tpu.memory_space<vmem>> -> memref<3200xi32, #tpu.memory_space<vmem>>
    %dma_wait3A_627 = arith.constant 0 : i32
    %dma_wait3A_628 = tpu.memref_slice %arg5[%dma_wait3A_627] : memref<1000000xf32, #tpu.memory_space<vmem_shared>> -> memref<1000000xf32, #tpu.memory_space<vmem_shared>>
    tpu.wait_indirect_dma semaphore(%arg14 : memref<!tpu.dma_semaphore, #tpu.memory_space<semaphore_mem>>) src(%dma_wait3A_628 : memref<1000000xf32, #tpu.memory_space<vmem_shared>>) dst(%dma_wait3A_624 : memref<3200xf32, #tpu.memory_space<vmem>>)
    %add3A_629 = arith.constant 64000 : i32
    %add3A_630 = arith.addi %mul3A_2, %add3A_629 : i32
    %add3A_631 = arith.constant 3200 : i32
    %add3A_632 = arith.addi %add3A_630, %add3A_631 : i32
    %dma_start3A_633 = arith.constant 3200 : i32
    %dma_start3A_634 = tpu.memref_slice %arg10[%dma_start3A_633] : memref<12800xf32, #tpu.memory_space<vmem>> -> memref<3200xf32, #tpu.memory_space<vmem>>
    %dma_start3A_635 = tpu.memref_slice %arg4[%add3A_632] : memref<3276800xf32, #tpu.memory_space<hbm>> -> memref<3200xf32, #tpu.memory_space<hbm>>
    %dma_start3A_636 = tpu.memref_slice %arg4[%add3A_632] : memref<3276800xf32, #tpu.memory_space<hbm>> -> memref<3200xf32, #tpu.memory_space<hbm>>
    %dma_start3A_637 = arith.constant 3200 : i32
    %dma_start3A_638 = tpu.memref_slice %arg10[%dma_start3A_637] : memref<12800xf32, #tpu.memory_space<vmem>> -> memref<3200xf32, #tpu.memory_space<vmem>>
    tpu.enqueue_dma source(%dma_start3A_638 : memref<3200xf32, #tpu.memory_space<vmem>>) target(%dma_start3A_636 : memref<3200xf32, #tpu.memory_space<hbm>>) target_semaphore(%arg18 : memref<!tpu.dma_semaphore, #tpu.memory_space<semaphore_mem>>)
    %dma_wait3A_639 = arith.constant 6400 : i32
    %dma_wait3A_640 = tpu.memref_slice %arg10[%dma_wait3A_639] : memref<12800xf32, #tpu.memory_space<vmem>> -> memref<3200xf32, #tpu.memory_space<vmem>>
    %dma_wait3A_641 = arith.constant 6400 : i32
    %dma_wait3A_642 = tpu.memref_slice %arg8[%dma_wait3A_641] : memref<12800xi32, #tpu.memory_space<vmem>> -> memref<3200xi32, #tpu.memory_space<vmem>>
    %dma_wait3A_643 = arith.constant 0 : i32
    %dma_wait3A_644 = tpu.memref_slice %arg5[%dma_wait3A_643] : memref<1000000xf32, #tpu.memory_space<vmem_shared>> -> memref<1000000xf32, #tpu.memory_space<vmem_shared>>
    tpu.wait_indirect_dma semaphore(%arg15 : memref<!tpu.dma_semaphore, #tpu.memory_space<semaphore_mem>>) src(%dma_wait3A_644 : memref<1000000xf32, #tpu.memory_space<vmem_shared>>) dst(%dma_wait3A_640 : memref<3200xf32, #tpu.memory_space<vmem>>)
    %add3A_645 = arith.constant 64000 : i32
    %add3A_646 = arith.addi %mul3A_2, %add3A_645 : i32
    %add3A_647 = arith.constant 6400 : i32
    %add3A_648 = arith.addi %add3A_646, %add3A_647 : i32
    %dma_start3A_649 = arith.constant 6400 : i32
    %dma_start3A_650 = tpu.memref_slice %arg10[%dma_start3A_649] : memref<12800xf32, #tpu.memory_space<vmem>> -> memref<3200xf32, #tpu.memory_space<vmem>>
    %dma_start3A_651 = tpu.memref_slice %arg4[%add3A_648] : memref<3276800xf32, #tpu.memory_space<hbm>> -> memref<3200xf32, #tpu.memory_space<hbm>>
    %dma_start3A_652 = tpu.memref_slice %arg4[%add3A_648] : memref<3276800xf32, #tpu.memory_space<hbm>> -> memref<3200xf32, #tpu.memory_space<hbm>>
    %dma_start3A_653 = arith.constant 6400 : i32
    %dma_start3A_654 = tpu.memref_slice %arg10[%dma_start3A_653] : memref<12800xf32, #tpu.memory_space<vmem>> -> memref<3200xf32, #tpu.memory_space<vmem>>
    tpu.enqueue_dma source(%dma_start3A_654 : memref<3200xf32, #tpu.memory_space<vmem>>) target(%dma_start3A_652 : memref<3200xf32, #tpu.memory_space<hbm>>) target_semaphore(%arg18 : memref<!tpu.dma_semaphore, #tpu.memory_space<semaphore_mem>>)
    %dma_wait3A_655 = arith.constant 9600 : i32
    %dma_wait3A_656 = tpu.memref_slice %arg10[%dma_wait3A_655] : memref<12800xf32, #tpu.memory_space<vmem>> -> memref<3200xf32, #tpu.memory_space<vmem>>
    %dma_wait3A_657 = arith.constant 9600 : i32
    %dma_wait3A_658 = tpu.memref_slice %arg8[%dma_wait3A_657] : memref<12800xi32, #tpu.memory_space<vmem>> -> memref<3200xi32, #tpu.memory_space<vmem>>
    %dma_wait3A_659 = arith.constant 0 : i32
    %dma_wait3A_660 = tpu.memref_slice %arg5[%dma_wait3A_659] : memref<1000000xf32, #tpu.memory_space<vmem_shared>> -> memref<1000000xf32, #tpu.memory_space<vmem_shared>>
    tpu.wait_indirect_dma semaphore(%arg16 : memref<!tpu.dma_semaphore, #tpu.memory_space<semaphore_mem>>) src(%dma_wait3A_660 : memref<1000000xf32, #tpu.memory_space<vmem_shared>>) dst(%dma_wait3A_656 : memref<3200xf32, #tpu.memory_space<vmem>>)
    %add3A_661 = arith.constant 64000 : i32
    %add3A_662 = arith.addi %mul3A_2, %add3A_661 : i32
    %add3A_663 = arith.constant 9600 : i32
    %add3A_664 = arith.addi %add3A_662, %add3A_663 : i32
    %dma_start3A_665 = arith.constant 9600 : i32
    %dma_start3A_666 = tpu.memref_slice %arg10[%dma_start3A_665] : memref<12800xf32, #tpu.memory_space<vmem>> -> memref<3200xf32, #tpu.memory_space<vmem>>
    %dma_start3A_667 = tpu.memref_slice %arg4[%add3A_664] : memref<3276800xf32, #tpu.memory_space<hbm>> -> memref<3200xf32, #tpu.memory_space<hbm>>
    %dma_start3A_668 = tpu.memref_slice %arg4[%add3A_664] : memref<3276800xf32, #tpu.memory_space<hbm>> -> memref<3200xf32, #tpu.memory_space<hbm>>
    %dma_start3A_669 = arith.constant 9600 : i32
    %dma_start3A_670 = tpu.memref_slice %arg10[%dma_start3A_669] : memref<12800xf32, #tpu.memory_space<vmem>> -> memref<3200xf32, #tpu.memory_space<vmem>>
    tpu.enqueue_dma source(%dma_start3A_670 : memref<3200xf32, #tpu.memory_space<vmem>>) target(%dma_start3A_668 : memref<3200xf32, #tpu.memory_space<hbm>>) target_semaphore(%arg18 : memref<!tpu.dma_semaphore, #tpu.memory_space<semaphore_mem>>)
    %add3A_671 = arith.constant 89600 : i32
    %add3A_672 = arith.addi %mul3A_2, %add3A_671 : i32
    %dma_start3A_673 = tpu.memref_slice %arg3[%add3A_672] : memref<3276800xi32, #tpu.memory_space<hbm>> -> memref<12800xi32, #tpu.memory_space<hbm>>
    %dma_start3A_674 = tpu.memref_slice %arg3[%add3A_672] : memref<3276800xi32, #tpu.memory_space<hbm>> -> memref<12800xi32, #tpu.memory_space<hbm>>
    tpu.enqueue_dma source(%dma_start3A_674 : memref<12800xi32, #tpu.memory_space<hbm>>) target(%arg8 : memref<12800xi32, #tpu.memory_space<vmem>>) target_semaphore(%arg12 : memref<!tpu.dma_semaphore, #tpu.memory_space<semaphore_mem>>)
    %dma_wait3A_675 = arith.constant 0 : i32
    %dma_wait3A_676 = tpu.memref_slice %arg9[%dma_wait3A_675] : memref<12800xf32, #tpu.memory_space<vmem>> -> memref<3200xf32, #tpu.memory_space<vmem>>
    %dma_wait3A_677 = tpu.memref_slice %arg4[%add3A_498] : memref<3276800xf32, #tpu.memory_space<hbm>> -> memref<3200xf32, #tpu.memory_space<hbm>>
    %dma_wait3A_678 = tpu.memref_slice %arg4[%add3A_498] : memref<3276800xf32, #tpu.memory_space<hbm>> -> memref<3200xf32, #tpu.memory_space<hbm>>
    %dma_wait3A_679 = arith.constant 0 : i32
    %dma_wait3A_680 = tpu.memref_slice %arg9[%dma_wait3A_679] : memref<12800xf32, #tpu.memory_space<vmem>> -> memref<3200xf32, #tpu.memory_space<vmem>>
    tpu.wait_dma2 semaphore(%arg17 : memref<!tpu.dma_semaphore, #tpu.memory_space<semaphore_mem>>) src(%dma_wait3A_680 : memref<3200xf32, #tpu.memory_space<vmem>>) dst(%dma_wait3A_678 : memref<3200xf32, #tpu.memory_space<hbm>>)
    %dma_wait3A_681 = arith.constant 3200 : i32
    %dma_wait3A_682 = tpu.memref_slice %arg9[%dma_wait3A_681] : memref<12800xf32, #tpu.memory_space<vmem>> -> memref<3200xf32, #tpu.memory_space<vmem>>
    %dma_wait3A_683 = tpu.memref_slice %arg4[%add3A_514] : memref<3276800xf32, #tpu.memory_space<hbm>> -> memref<3200xf32, #tpu.memory_space<hbm>>
    %dma_wait3A_684 = tpu.memref_slice %arg4[%add3A_514] : memref<3276800xf32, #tpu.memory_space<hbm>> -> memref<3200xf32, #tpu.memory_space<hbm>>
    %dma_wait3A_685 = arith.constant 3200 : i32
    %dma_wait3A_686 = tpu.memref_slice %arg9[%dma_wait3A_685] : memref<12800xf32, #tpu.memory_space<vmem>> -> memref<3200xf32, #tpu.memory_space<vmem>>
    tpu.wait_dma2 semaphore(%arg17 : memref<!tpu.dma_semaphore, #tpu.memory_space<semaphore_mem>>) src(%dma_wait3A_686 : memref<3200xf32, #tpu.memory_space<vmem>>) dst(%dma_wait3A_684 : memref<3200xf32, #tpu.memory_space<hbm>>)
    %dma_wait3A_687 = arith.constant 6400 : i32
    %dma_wait3A_688 = tpu.memref_slice %arg9[%dma_wait3A_687] : memref<12800xf32, #tpu.memory_space<vmem>> -> memref<3200xf32, #tpu.memory_space<vmem>>
    %dma_wait3A_689 = tpu.memref_slice %arg4[%add3A_530] : memref<3276800xf32, #tpu.memory_space<hbm>> -> memref<3200xf32, #tpu.memory_space<hbm>>
    %dma_wait3A_690 = tpu.memref_slice %arg4[%add3A_530] : memref<3276800xf32, #tpu.memory_space<hbm>> -> memref<3200xf32, #tpu.memory_space<hbm>>
    %dma_wait3A_691 = arith.constant 6400 : i32
    %dma_wait3A_692 = tpu.memref_slice %arg9[%dma_wait3A_691] : memref<12800xf32, #tpu.memory_space<vmem>> -> memref<3200xf32, #tpu.memory_space<vmem>>
    tpu.wait_dma2 semaphore(%arg17 : memref<!tpu.dma_semaphore, #tpu.memory_space<semaphore_mem>>) src(%dma_wait3A_692 : memref<3200xf32, #tpu.memory_space<vmem>>) dst(%dma_wait3A_690 : memref<3200xf32, #tpu.memory_space<hbm>>)
    %dma_wait3A_693 = arith.constant 9600 : i32
    %dma_wait3A_694 = tpu.memref_slice %arg9[%dma_wait3A_693] : memref<12800xf32, #tpu.memory_space<vmem>> -> memref<3200xf32, #tpu.memory_space<vmem>>
    %dma_wait3A_695 = tpu.memref_slice %arg4[%add3A_546] : memref<3276800xf32, #tpu.memory_space<hbm>> -> memref<3200xf32, #tpu.memory_space<hbm>>
    %dma_wait3A_696 = tpu.memref_slice %arg4[%add3A_546] : memref<3276800xf32, #tpu.memory_space<hbm>> -> memref<3200xf32, #tpu.memory_space<hbm>>
    %dma_wait3A_697 = arith.constant 9600 : i32
    %dma_wait3A_698 = tpu.memref_slice %arg9[%dma_wait3A_697] : memref<12800xf32, #tpu.memory_space<vmem>> -> memref<3200xf32, #tpu.memory_space<vmem>>
    tpu.wait_dma2 semaphore(%arg17 : memref<!tpu.dma_semaphore, #tpu.memory_space<semaphore_mem>>) src(%dma_wait3A_698 : memref<3200xf32, #tpu.memory_space<vmem>>) dst(%dma_wait3A_696 : memref<3200xf32, #tpu.memory_space<hbm>>)
    %dma_wait3A_699 = tpu.memref_slice %arg3[%add3A_554] : memref<3276800xi32, #tpu.memory_space<hbm>> -> memref<12800xi32, #tpu.memory_space<hbm>>
    %dma_wait3A_700 = tpu.memref_slice %arg3[%add3A_554] : memref<3276800xi32, #tpu.memory_space<hbm>> -> memref<12800xi32, #tpu.memory_space<hbm>>
    tpu.wait_dma2 semaphore(%arg11 : memref<!tpu.dma_semaphore, #tpu.memory_space<semaphore_mem>>) src(%dma_wait3A_700 : memref<12800xi32, #tpu.memory_space<hbm>>) dst(%arg7 : memref<12800xi32, #tpu.memory_space<vmem>>)
    %dma_start3A_701 = arith.constant 0 : i32
    %dma_start3A_702 = tpu.memref_slice %arg9[%dma_start3A_701] : memref<12800xf32, #tpu.memory_space<vmem>> -> memref<3200xf32, #tpu.memory_space<vmem>>
    %dma_start3A_703 = arith.constant 0 : i32
    %dma_start3A_704 = tpu.memref_slice %arg7[%dma_start3A_703] : memref<12800xi32, #tpu.memory_space<vmem>> -> memref<3200xi32, #tpu.memory_space<vmem>>
    %dma_start3A_705 = arith.constant 0 : i32
    %dma_start3A_706 = tpu.memref_slice %arg5[%dma_start3A_705] : memref<1000000xf32, #tpu.memory_space<vmem_shared>> -> memref<1000000xf32, #tpu.memory_space<vmem_shared>>
    tpu.enqueue_indirect_dma source(%dma_start3A_706 : memref<1000000xf32, #tpu.memory_space<vmem_shared>>) target(%dma_start3A_702 : memref<3200xf32, #tpu.memory_space<vmem>>) offsets(%dma_start3A_704 : memref<3200xi32, #tpu.memory_space<vmem>>) semaphore(%arg13 : memref<!tpu.dma_semaphore, #tpu.memory_space<semaphore_mem>>)
    %dma_start3A_707 = arith.constant 3200 : i32
    %dma_start3A_708 = tpu.memref_slice %arg9[%dma_start3A_707] : memref<12800xf32, #tpu.memory_space<vmem>> -> memref<3200xf32, #tpu.memory_space<vmem>>
    %dma_start3A_709 = arith.constant 3200 : i32
    %dma_start3A_710 = tpu.memref_slice %arg7[%dma_start3A_709] : memref<12800xi32, #tpu.memory_space<vmem>> -> memref<3200xi32, #tpu.memory_space<vmem>>
    %dma_start3A_711 = arith.constant 0 : i32
    %dma_start3A_712 = tpu.memref_slice %arg5[%dma_start3A_711] : memref<1000000xf32, #tpu.memory_space<vmem_shared>> -> memref<1000000xf32, #tpu.memory_space<vmem_shared>>
    tpu.enqueue_indirect_dma source(%dma_start3A_712 : memref<1000000xf32, #tpu.memory_space<vmem_shared>>) target(%dma_start3A_708 : memref<3200xf32, #tpu.memory_space<vmem>>) offsets(%dma_start3A_710 : memref<3200xi32, #tpu.memory_space<vmem>>) semaphore(%arg14 : memref<!tpu.dma_semaphore, #tpu.memory_space<semaphore_mem>>)
    %dma_start3A_713 = arith.constant 6400 : i32
    %dma_start3A_714 = tpu.memref_slice %arg9[%dma_start3A_713] : memref<12800xf32, #tpu.memory_space<vmem>> -> memref<3200xf32, #tpu.memory_space<vmem>>
    %dma_start3A_715 = arith.constant 6400 : i32
    %dma_start3A_716 = tpu.memref_slice %arg7[%dma_start3A_715] : memref<12800xi32, #tpu.memory_space<vmem>> -> memref<3200xi32, #tpu.memory_space<vmem>>
    %dma_start3A_717 = arith.constant 0 : i32
    %dma_start3A_718 = tpu.memref_slice %arg5[%dma_start3A_717] : memref<1000000xf32, #tpu.memory_space<vmem_shared>> -> memref<1000000xf32, #tpu.memory_space<vmem_shared>>
    tpu.enqueue_indirect_dma source(%dma_start3A_718 : memref<1000000xf32, #tpu.memory_space<vmem_shared>>) target(%dma_start3A_714 : memref<3200xf32, #tpu.memory_space<vmem>>) offsets(%dma_start3A_716 : memref<3200xi32, #tpu.memory_space<vmem>>) semaphore(%arg15 : memref<!tpu.dma_semaphore, #tpu.memory_space<semaphore_mem>>)
    %dma_start3A_719 = arith.constant 9600 : i32
    %dma_start3A_720 = tpu.memref_slice %arg9[%dma_start3A_719] : memref<12800xf32, #tpu.memory_space<vmem>> -> memref<3200xf32, #tpu.memory_space<vmem>>
    %dma_start3A_721 = arith.constant 9600 : i32
    %dma_start3A_722 = tpu.memref_slice %arg7[%dma_start3A_721] : memref<12800xi32, #tpu.memory_space<vmem>> -> memref<3200xi32, #tpu.memory_space<vmem>>
    %dma_start3A_723 = arith.constant 0 : i32
    %dma_start3A_724 = tpu.memref_slice %arg5[%dma_start3A_723] : memref<1000000xf32, #tpu.memory_space<vmem_shared>> -> memref<1000000xf32, #tpu.memory_space<vmem_shared>>
    tpu.enqueue_indirect_dma source(%dma_start3A_724 : memref<1000000xf32, #tpu.memory_space<vmem_shared>>) target(%dma_start3A_720 : memref<3200xf32, #tpu.memory_space<vmem>>) offsets(%dma_start3A_722 : memref<3200xi32, #tpu.memory_space<vmem>>) semaphore(%arg16 : memref<!tpu.dma_semaphore, #tpu.memory_space<semaphore_mem>>)
    %dma_wait3A_725 = arith.constant 0 : i32
    %dma_wait3A_726 = tpu.memref_slice %arg9[%dma_wait3A_725] : memref<12800xf32, #tpu.memory_space<vmem>> -> memref<3200xf32, #tpu.memory_space<vmem>>
    %dma_wait3A_727 = arith.constant 0 : i32
    %dma_wait3A_728 = tpu.memref_slice %arg7[%dma_wait3A_727] : memref<12800xi32, #tpu.memory_space<vmem>> -> memref<3200xi32, #tpu.memory_space<vmem>>
    %dma_wait3A_729 = arith.constant 0 : i32
    %dma_wait3A_730 = tpu.memref_slice %arg5[%dma_wait3A_729] : memref<1000000xf32, #tpu.memory_space<vmem_shared>> -> memref<1000000xf32, #tpu.memory_space<vmem_shared>>
    tpu.wait_indirect_dma semaphore(%arg13 : memref<!tpu.dma_semaphore, #tpu.memory_space<semaphore_mem>>) src(%dma_wait3A_730 : memref<1000000xf32, #tpu.memory_space<vmem_shared>>) dst(%dma_wait3A_726 : memref<3200xf32, #tpu.memory_space<vmem>>)
    %add3A_731 = arith.constant 76800 : i32
    %add3A_732 = arith.addi %mul3A_2, %add3A_731 : i32
    %add3A_733 = arith.constant 0 : i32
    %add3A_734 = arith.addi %add3A_732, %add3A_733 : i32
    %dma_start3A_735 = arith.constant 0 : i32
    %dma_start3A_736 = tpu.memref_slice %arg9[%dma_start3A_735] : memref<12800xf32, #tpu.memory_space<vmem>> -> memref<3200xf32, #tpu.memory_space<vmem>>
    %dma_start3A_737 = tpu.memref_slice %arg4[%add3A_734] : memref<3276800xf32, #tpu.memory_space<hbm>> -> memref<3200xf32, #tpu.memory_space<hbm>>
    %dma_start3A_738 = tpu.memref_slice %arg4[%add3A_734] : memref<3276800xf32, #tpu.memory_space<hbm>> -> memref<3200xf32, #tpu.memory_space<hbm>>
    %dma_start3A_739 = arith.constant 0 : i32
    %dma_start3A_740 = tpu.memref_slice %arg9[%dma_start3A_739] : memref<12800xf32, #tpu.memory_space<vmem>> -> memref<3200xf32, #tpu.memory_space<vmem>>
    tpu.enqueue_dma source(%dma_start3A_740 : memref<3200xf32, #tpu.memory_space<vmem>>) target(%dma_start3A_738 : memref<3200xf32, #tpu.memory_space<hbm>>) target_semaphore(%arg17 : memref<!tpu.dma_semaphore, #tpu.memory_space<semaphore_mem>>)
    %dma_wait3A_741 = arith.constant 3200 : i32
    %dma_wait3A_742 = tpu.memref_slice %arg9[%dma_wait3A_741] : memref<12800xf32, #tpu.memory_space<vmem>> -> memref<3200xf32, #tpu.memory_space<vmem>>
    %dma_wait3A_743 = arith.constant 3200 : i32
    %dma_wait3A_744 = tpu.memref_slice %arg7[%dma_wait3A_743] : memref<12800xi32, #tpu.memory_space<vmem>> -> memref<3200xi32, #tpu.memory_space<vmem>>
    %dma_wait3A_745 = arith.constant 0 : i32
    %dma_wait3A_746 = tpu.memref_slice %arg5[%dma_wait3A_745] : memref<1000000xf32, #tpu.memory_space<vmem_shared>> -> memref<1000000xf32, #tpu.memory_space<vmem_shared>>
    tpu.wait_indirect_dma semaphore(%arg14 : memref<!tpu.dma_semaphore, #tpu.memory_space<semaphore_mem>>) src(%dma_wait3A_746 : memref<1000000xf32, #tpu.memory_space<vmem_shared>>) dst(%dma_wait3A_742 : memref<3200xf32, #tpu.memory_space<vmem>>)
    %add3A_747 = arith.constant 76800 : i32
    %add3A_748 = arith.addi %mul3A_2, %add3A_747 : i32
    %add3A_749 = arith.constant 3200 : i32
    %add3A_750 = arith.addi %add3A_748, %add3A_749 : i32
    %dma_start3A_751 = arith.constant 3200 : i32
    %dma_start3A_752 = tpu.memref_slice %arg9[%dma_start3A_751] : memref<12800xf32, #tpu.memory_space<vmem>> -> memref<3200xf32, #tpu.memory_space<vmem>>
    %dma_start3A_753 = tpu.memref_slice %arg4[%add3A_750] : memref<3276800xf32, #tpu.memory_space<hbm>> -> memref<3200xf32, #tpu.memory_space<hbm>>
    %dma_start3A_754 = tpu.memref_slice %arg4[%add3A_750] : memref<3276800xf32, #tpu.memory_space<hbm>> -> memref<3200xf32, #tpu.memory_space<hbm>>
    %dma_start3A_755 = arith.constant 3200 : i32
    %dma_start3A_756 = tpu.memref_slice %arg9[%dma_start3A_755] : memref<12800xf32, #tpu.memory_space<vmem>> -> memref<3200xf32, #tpu.memory_space<vmem>>
    tpu.enqueue_dma source(%dma_start3A_756 : memref<3200xf32, #tpu.memory_space<vmem>>) target(%dma_start3A_754 : memref<3200xf32, #tpu.memory_space<hbm>>) target_semaphore(%arg17 : memref<!tpu.dma_semaphore, #tpu.memory_space<semaphore_mem>>)
    %dma_wait3A_757 = arith.constant 6400 : i32
    %dma_wait3A_758 = tpu.memref_slice %arg9[%dma_wait3A_757] : memref<12800xf32, #tpu.memory_space<vmem>> -> memref<3200xf32, #tpu.memory_space<vmem>>
    %dma_wait3A_759 = arith.constant 6400 : i32
    %dma_wait3A_760 = tpu.memref_slice %arg7[%dma_wait3A_759] : memref<12800xi32, #tpu.memory_space<vmem>> -> memref<3200xi32, #tpu.memory_space<vmem>>
    %dma_wait3A_761 = arith.constant 0 : i32
    %dma_wait3A_762 = tpu.memref_slice %arg5[%dma_wait3A_761] : memref<1000000xf32, #tpu.memory_space<vmem_shared>> -> memref<1000000xf32, #tpu.memory_space<vmem_shared>>
    tpu.wait_indirect_dma semaphore(%arg15 : memref<!tpu.dma_semaphore, #tpu.memory_space<semaphore_mem>>) src(%dma_wait3A_762 : memref<1000000xf32, #tpu.memory_space<vmem_shared>>) dst(%dma_wait3A_758 : memref<3200xf32, #tpu.memory_space<vmem>>)
    %add3A_763 = arith.constant 76800 : i32
    %add3A_764 = arith.addi %mul3A_2, %add3A_763 : i32
    %add3A_765 = arith.constant 6400 : i32
    %add3A_766 = arith.addi %add3A_764, %add3A_765 : i32
    %dma_start3A_767 = arith.constant 6400 : i32
    %dma_start3A_768 = tpu.memref_slice %arg9[%dma_start3A_767] : memref<12800xf32, #tpu.memory_space<vmem>> -> memref<3200xf32, #tpu.memory_space<vmem>>
    %dma_start3A_769 = tpu.memref_slice %arg4[%add3A_766] : memref<3276800xf32, #tpu.memory_space<hbm>> -> memref<3200xf32, #tpu.memory_space<hbm>>
    %dma_start3A_770 = tpu.memref_slice %arg4[%add3A_766] : memref<3276800xf32, #tpu.memory_space<hbm>> -> memref<3200xf32, #tpu.memory_space<hbm>>
    %dma_start3A_771 = arith.constant 6400 : i32
    %dma_start3A_772 = tpu.memref_slice %arg9[%dma_start3A_771] : memref<12800xf32, #tpu.memory_space<vmem>> -> memref<3200xf32, #tpu.memory_space<vmem>>
    tpu.enqueue_dma source(%dma_start3A_772 : memref<3200xf32, #tpu.memory_space<vmem>>) target(%dma_start3A_770 : memref<3200xf32, #tpu.memory_space<hbm>>) target_semaphore(%arg17 : memref<!tpu.dma_semaphore, #tpu.memory_space<semaphore_mem>>)
    %dma_wait3A_773 = arith.constant 9600 : i32
    %dma_wait3A_774 = tpu.memref_slice %arg9[%dma_wait3A_773] : memref<12800xf32, #tpu.memory_space<vmem>> -> memref<3200xf32, #tpu.memory_space<vmem>>
    %dma_wait3A_775 = arith.constant 9600 : i32
    %dma_wait3A_776 = tpu.memref_slice %arg7[%dma_wait3A_775] : memref<12800xi32, #tpu.memory_space<vmem>> -> memref<3200xi32, #tpu.memory_space<vmem>>
    %dma_wait3A_777 = arith.constant 0 : i32
    %dma_wait3A_778 = tpu.memref_slice %arg5[%dma_wait3A_777] : memref<1000000xf32, #tpu.memory_space<vmem_shared>> -> memref<1000000xf32, #tpu.memory_space<vmem_shared>>
    tpu.wait_indirect_dma semaphore(%arg16 : memref<!tpu.dma_semaphore, #tpu.memory_space<semaphore_mem>>) src(%dma_wait3A_778 : memref<1000000xf32, #tpu.memory_space<vmem_shared>>) dst(%dma_wait3A_774 : memref<3200xf32, #tpu.memory_space<vmem>>)
    %add3A_779 = arith.constant 76800 : i32
    %add3A_780 = arith.addi %mul3A_2, %add3A_779 : i32
    %add3A_781 = arith.constant 9600 : i32
    %add3A_782 = arith.addi %add3A_780, %add3A_781 : i32
    %dma_start3A_783 = arith.constant 9600 : i32
    %dma_start3A_784 = tpu.memref_slice %arg9[%dma_start3A_783] : memref<12800xf32, #tpu.memory_space<vmem>> -> memref<3200xf32, #tpu.memory_space<vmem>>
    %dma_start3A_785 = tpu.memref_slice %arg4[%add3A_782] : memref<3276800xf32, #tpu.memory_space<hbm>> -> memref<3200xf32, #tpu.memory_space<hbm>>
    %dma_start3A_786 = tpu.memref_slice %arg4[%add3A_782] : memref<3276800xf32, #tpu.memory_space<hbm>> -> memref<3200xf32, #tpu.memory_space<hbm>>
    %dma_start3A_787 = arith.constant 9600 : i32
    %dma_start3A_788 = tpu.memref_slice %arg9[%dma_start3A_787] : memref<12800xf32, #tpu.memory_space<vmem>> -> memref<3200xf32, #tpu.memory_space<vmem>>
    tpu.enqueue_dma source(%dma_start3A_788 : memref<3200xf32, #tpu.memory_space<vmem>>) target(%dma_start3A_786 : memref<3200xf32, #tpu.memory_space<hbm>>) target_semaphore(%arg17 : memref<!tpu.dma_semaphore, #tpu.memory_space<semaphore_mem>>)
    %dma_wait3A_789 = arith.constant 0 : i32
    %dma_wait3A_790 = tpu.memref_slice %arg10[%dma_wait3A_789] : memref<12800xf32, #tpu.memory_space<vmem>> -> memref<3200xf32, #tpu.memory_space<vmem>>
    %dma_wait3A_791 = tpu.memref_slice %arg4[%add3A_616] : memref<3276800xf32, #tpu.memory_space<hbm>> -> memref<3200xf32, #tpu.memory_space<hbm>>
    %dma_wait3A_792 = tpu.memref_slice %arg4[%add3A_616] : memref<3276800xf32, #tpu.memory_space<hbm>> -> memref<3200xf32, #tpu.memory_space<hbm>>
    %dma_wait3A_793 = arith.constant 0 : i32
    %dma_wait3A_794 = tpu.memref_slice %arg10[%dma_wait3A_793] : memref<12800xf32, #tpu.memory_space<vmem>> -> memref<3200xf32, #tpu.memory_space<vmem>>
    tpu.wait_dma2 semaphore(%arg18 : memref<!tpu.dma_semaphore, #tpu.memory_space<semaphore_mem>>) src(%dma_wait3A_794 : memref<3200xf32, #tpu.memory_space<vmem>>) dst(%dma_wait3A_792 : memref<3200xf32, #tpu.memory_space<hbm>>)
    %dma_wait3A_795 = arith.constant 3200 : i32
    %dma_wait3A_796 = tpu.memref_slice %arg10[%dma_wait3A_795] : memref<12800xf32, #tpu.memory_space<vmem>> -> memref<3200xf32, #tpu.memory_space<vmem>>
    %dma_wait3A_797 = tpu.memref_slice %arg4[%add3A_632] : memref<3276800xf32, #tpu.memory_space<hbm>> -> memref<3200xf32, #tpu.memory_space<hbm>>
    %dma_wait3A_798 = tpu.memref_slice %arg4[%add3A_632] : memref<3276800xf32, #tpu.memory_space<hbm>> -> memref<3200xf32, #tpu.memory_space<hbm>>
    %dma_wait3A_799 = arith.constant 3200 : i32
    %dma_wait3A_800 = tpu.memref_slice %arg10[%dma_wait3A_799] : memref<12800xf32, #tpu.memory_space<vmem>> -> memref<3200xf32, #tpu.memory_space<vmem>>
    tpu.wait_dma2 semaphore(%arg18 : memref<!tpu.dma_semaphore, #tpu.memory_space<semaphore_mem>>) src(%dma_wait3A_800 : memref<3200xf32, #tpu.memory_space<vmem>>) dst(%dma_wait3A_798 : memref<3200xf32, #tpu.memory_space<hbm>>)
    %dma_wait3A_801 = arith.constant 6400 : i32
    %dma_wait3A_802 = tpu.memref_slice %arg10[%dma_wait3A_801] : memref<12800xf32, #tpu.memory_space<vmem>> -> memref<3200xf32, #tpu.memory_space<vmem>>
    %dma_wait3A_803 = tpu.memref_slice %arg4[%add3A_648] : memref<3276800xf32, #tpu.memory_space<hbm>> -> memref<3200xf32, #tpu.memory_space<hbm>>
    %dma_wait3A_804 = tpu.memref_slice %arg4[%add3A_648] : memref<3276800xf32, #tpu.memory_space<hbm>> -> memref<3200xf32, #tpu.memory_space<hbm>>
    %dma_wait3A_805 = arith.constant 6400 : i32
    %dma_wait3A_806 = tpu.memref_slice %arg10[%dma_wait3A_805] : memref<12800xf32, #tpu.memory_space<vmem>> -> memref<3200xf32, #tpu.memory_space<vmem>>
    tpu.wait_dma2 semaphore(%arg18 : memref<!tpu.dma_semaphore, #tpu.memory_space<semaphore_mem>>) src(%dma_wait3A_806 : memref<3200xf32, #tpu.memory_space<vmem>>) dst(%dma_wait3A_804 : memref<3200xf32, #tpu.memory_space<hbm>>)
    %dma_wait3A_807 = arith.constant 9600 : i32
    %dma_wait3A_808 = tpu.memref_slice %arg10[%dma_wait3A_807] : memref<12800xf32, #tpu.memory_space<vmem>> -> memref<3200xf32, #tpu.memory_space<vmem>>
    %dma_wait3A_809 = tpu.memref_slice %arg4[%add3A_664] : memref<3276800xf32, #tpu.memory_space<hbm>> -> memref<3200xf32, #tpu.memory_space<hbm>>
    %dma_wait3A_810 = tpu.memref_slice %arg4[%add3A_664] : memref<3276800xf32, #tpu.memory_space<hbm>> -> memref<3200xf32, #tpu.memory_space<hbm>>
    %dma_wait3A_811 = arith.constant 9600 : i32
    %dma_wait3A_812 = tpu.memref_slice %arg10[%dma_wait3A_811] : memref<12800xf32, #tpu.memory_space<vmem>> -> memref<3200xf32, #tpu.memory_space<vmem>>
    tpu.wait_dma2 semaphore(%arg18 : memref<!tpu.dma_semaphore, #tpu.memory_space<semaphore_mem>>) src(%dma_wait3A_812 : memref<3200xf32, #tpu.memory_space<vmem>>) dst(%dma_wait3A_810 : memref<3200xf32, #tpu.memory_space<hbm>>)
    %dma_wait3A_813 = tpu.memref_slice %arg3[%add3A_672] : memref<3276800xi32, #tpu.memory_space<hbm>> -> memref<12800xi32, #tpu.memory_space<hbm>>
    %dma_wait3A_814 = tpu.memref_slice %arg3[%add3A_672] : memref<3276800xi32, #tpu.memory_space<hbm>> -> memref<12800xi32, #tpu.memory_space<hbm>>
    tpu.wait_dma2 semaphore(%arg12 : memref<!tpu.dma_semaphore, #tpu.memory_space<semaphore_mem>>) src(%dma_wait3A_814 : memref<12800xi32, #tpu.memory_space<hbm>>) dst(%arg8 : memref<12800xi32, #tpu.memory_space<vmem>>)
    %dma_start3A_815 = arith.constant 0 : i32
    %dma_start3A_816 = tpu.memref_slice %arg10[%dma_start3A_815] : memref<12800xf32, #tpu.memory_space<vmem>> -> memref<3200xf32, #tpu.memory_space<vmem>>
    %dma_start3A_817 = arith.constant 0 : i32
    %dma_start3A_818 = tpu.memref_slice %arg8[%dma_start3A_817] : memref<12800xi32, #tpu.memory_space<vmem>> -> memref<3200xi32, #tpu.memory_space<vmem>>
    %dma_start3A_819 = arith.constant 0 : i32
    %dma_start3A_820 = tpu.memref_slice %arg5[%dma_start3A_819] : memref<1000000xf32, #tpu.memory_space<vmem_shared>> -> memref<1000000xf32, #tpu.memory_space<vmem_shared>>
    tpu.enqueue_indirect_dma source(%dma_start3A_820 : memref<1000000xf32, #tpu.memory_space<vmem_shared>>) target(%dma_start3A_816 : memref<3200xf32, #tpu.memory_space<vmem>>) offsets(%dma_start3A_818 : memref<3200xi32, #tpu.memory_space<vmem>>) semaphore(%arg13 : memref<!tpu.dma_semaphore, #tpu.memory_space<semaphore_mem>>)
    %dma_start3A_821 = arith.constant 3200 : i32
    %dma_start3A_822 = tpu.memref_slice %arg10[%dma_start3A_821] : memref<12800xf32, #tpu.memory_space<vmem>> -> memref<3200xf32, #tpu.memory_space<vmem>>
    %dma_start3A_823 = arith.constant 3200 : i32
    %dma_start3A_824 = tpu.memref_slice %arg8[%dma_start3A_823] : memref<12800xi32, #tpu.memory_space<vmem>> -> memref<3200xi32, #tpu.memory_space<vmem>>
    %dma_start3A_825 = arith.constant 0 : i32
    %dma_start3A_826 = tpu.memref_slice %arg5[%dma_start3A_825] : memref<1000000xf32, #tpu.memory_space<vmem_shared>> -> memref<1000000xf32, #tpu.memory_space<vmem_shared>>
    tpu.enqueue_indirect_dma source(%dma_start3A_826 : memref<1000000xf32, #tpu.memory_space<vmem_shared>>) target(%dma_start3A_822 : memref<3200xf32, #tpu.memory_space<vmem>>) offsets(%dma_start3A_824 : memref<3200xi32, #tpu.memory_space<vmem>>) semaphore(%arg14 : memref<!tpu.dma_semaphore, #tpu.memory_space<semaphore_mem>>)
    %dma_start3A_827 = arith.constant 6400 : i32
    %dma_start3A_828 = tpu.memref_slice %arg10[%dma_start3A_827] : memref<12800xf32, #tpu.memory_space<vmem>> -> memref<3200xf32, #tpu.memory_space<vmem>>
    %dma_start3A_829 = arith.constant 6400 : i32
    %dma_start3A_830 = tpu.memref_slice %arg8[%dma_start3A_829] : memref<12800xi32, #tpu.memory_space<vmem>> -> memref<3200xi32, #tpu.memory_space<vmem>>
    %dma_start3A_831 = arith.constant 0 : i32
    %dma_start3A_832 = tpu.memref_slice %arg5[%dma_start3A_831] : memref<1000000xf32, #tpu.memory_space<vmem_shared>> -> memref<1000000xf32, #tpu.memory_space<vmem_shared>>
    tpu.enqueue_indirect_dma source(%dma_start3A_832 : memref<1000000xf32, #tpu.memory_space<vmem_shared>>) target(%dma_start3A_828 : memref<3200xf32, #tpu.memory_space<vmem>>) offsets(%dma_start3A_830 : memref<3200xi32, #tpu.memory_space<vmem>>) semaphore(%arg15 : memref<!tpu.dma_semaphore, #tpu.memory_space<semaphore_mem>>)
    %dma_start3A_833 = arith.constant 9600 : i32
    %dma_start3A_834 = tpu.memref_slice %arg10[%dma_start3A_833] : memref<12800xf32, #tpu.memory_space<vmem>> -> memref<3200xf32, #tpu.memory_space<vmem>>
    %dma_start3A_835 = arith.constant 9600 : i32
    %dma_start3A_836 = tpu.memref_slice %arg8[%dma_start3A_835] : memref<12800xi32, #tpu.memory_space<vmem>> -> memref<3200xi32, #tpu.memory_space<vmem>>
    %dma_start3A_837 = arith.constant 0 : i32
    %dma_start3A_838 = tpu.memref_slice %arg5[%dma_start3A_837] : memref<1000000xf32, #tpu.memory_space<vmem_shared>> -> memref<1000000xf32, #tpu.memory_space<vmem_shared>>
    tpu.enqueue_indirect_dma source(%dma_start3A_838 : memref<1000000xf32, #tpu.memory_space<vmem_shared>>) target(%dma_start3A_834 : memref<3200xf32, #tpu.memory_space<vmem>>) offsets(%dma_start3A_836 : memref<3200xi32, #tpu.memory_space<vmem>>) semaphore(%arg16 : memref<!tpu.dma_semaphore, #tpu.memory_space<semaphore_mem>>)
    %dma_wait3A_839 = arith.constant 0 : i32
    %dma_wait3A_840 = tpu.memref_slice %arg10[%dma_wait3A_839] : memref<12800xf32, #tpu.memory_space<vmem>> -> memref<3200xf32, #tpu.memory_space<vmem>>
    %dma_wait3A_841 = arith.constant 0 : i32
    %dma_wait3A_842 = tpu.memref_slice %arg8[%dma_wait3A_841] : memref<12800xi32, #tpu.memory_space<vmem>> -> memref<3200xi32, #tpu.memory_space<vmem>>
    %dma_wait3A_843 = arith.constant 0 : i32
    %dma_wait3A_844 = tpu.memref_slice %arg5[%dma_wait3A_843] : memref<1000000xf32, #tpu.memory_space<vmem_shared>> -> memref<1000000xf32, #tpu.memory_space<vmem_shared>>
    tpu.wait_indirect_dma semaphore(%arg13 : memref<!tpu.dma_semaphore, #tpu.memory_space<semaphore_mem>>) src(%dma_wait3A_844 : memref<1000000xf32, #tpu.memory_space<vmem_shared>>) dst(%dma_wait3A_840 : memref<3200xf32, #tpu.memory_space<vmem>>)
    %add3A_845 = arith.constant 89600 : i32
    %add3A_846 = arith.addi %mul3A_2, %add3A_845 : i32
    %add3A_847 = arith.constant 0 : i32
    %add3A_848 = arith.addi %add3A_846, %add3A_847 : i32
    %dma_start3A_849 = arith.constant 0 : i32
    %dma_start3A_850 = tpu.memref_slice %arg10[%dma_start3A_849] : memref<12800xf32, #tpu.memory_space<vmem>> -> memref<3200xf32, #tpu.memory_space<vmem>>
    %dma_start3A_851 = tpu.memref_slice %arg4[%add3A_848] : memref<3276800xf32, #tpu.memory_space<hbm>> -> memref<3200xf32, #tpu.memory_space<hbm>>
    %dma_start3A_852 = tpu.memref_slice %arg4[%add3A_848] : memref<3276800xf32, #tpu.memory_space<hbm>> -> memref<3200xf32, #tpu.memory_space<hbm>>
    %dma_start3A_853 = arith.constant 0 : i32
    %dma_start3A_854 = tpu.memref_slice %arg10[%dma_start3A_853] : memref<12800xf32, #tpu.memory_space<vmem>> -> memref<3200xf32, #tpu.memory_space<vmem>>
    tpu.enqueue_dma source(%dma_start3A_854 : memref<3200xf32, #tpu.memory_space<vmem>>) target(%dma_start3A_852 : memref<3200xf32, #tpu.memory_space<hbm>>) target_semaphore(%arg18 : memref<!tpu.dma_semaphore, #tpu.memory_space<semaphore_mem>>)
    %dma_wait3A_855 = arith.constant 3200 : i32
    %dma_wait3A_856 = tpu.memref_slice %arg10[%dma_wait3A_855] : memref<12800xf32, #tpu.memory_space<vmem>> -> memref<3200xf32, #tpu.memory_space<vmem>>
    %dma_wait3A_857 = arith.constant 3200 : i32
    %dma_wait3A_858 = tpu.memref_slice %arg8[%dma_wait3A_857] : memref<12800xi32, #tpu.memory_space<vmem>> -> memref<3200xi32, #tpu.memory_space<vmem>>
    %dma_wait3A_859 = arith.constant 0 : i32
    %dma_wait3A_860 = tpu.memref_slice %arg5[%dma_wait3A_859] : memref<1000000xf32, #tpu.memory_space<vmem_shared>> -> memref<1000000xf32, #tpu.memory_space<vmem_shared>>
    tpu.wait_indirect_dma semaphore(%arg14 : memref<!tpu.dma_semaphore, #tpu.memory_space<semaphore_mem>>) src(%dma_wait3A_860 : memref<1000000xf32, #tpu.memory_space<vmem_shared>>) dst(%dma_wait3A_856 : memref<3200xf32, #tpu.memory_space<vmem>>)
    %add3A_861 = arith.constant 89600 : i32
    %add3A_862 = arith.addi %mul3A_2, %add3A_861 : i32
    %add3A_863 = arith.constant 3200 : i32
    %add3A_864 = arith.addi %add3A_862, %add3A_863 : i32
    %dma_start3A_865 = arith.constant 3200 : i32
    %dma_start3A_866 = tpu.memref_slice %arg10[%dma_start3A_865] : memref<12800xf32, #tpu.memory_space<vmem>> -> memref<3200xf32, #tpu.memory_space<vmem>>
    %dma_start3A_867 = tpu.memref_slice %arg4[%add3A_864] : memref<3276800xf32, #tpu.memory_space<hbm>> -> memref<3200xf32, #tpu.memory_space<hbm>>
    %dma_start3A_868 = tpu.memref_slice %arg4[%add3A_864] : memref<3276800xf32, #tpu.memory_space<hbm>> -> memref<3200xf32, #tpu.memory_space<hbm>>
    %dma_start3A_869 = arith.constant 3200 : i32
    %dma_start3A_870 = tpu.memref_slice %arg10[%dma_start3A_869] : memref<12800xf32, #tpu.memory_space<vmem>> -> memref<3200xf32, #tpu.memory_space<vmem>>
    tpu.enqueue_dma source(%dma_start3A_870 : memref<3200xf32, #tpu.memory_space<vmem>>) target(%dma_start3A_868 : memref<3200xf32, #tpu.memory_space<hbm>>) target_semaphore(%arg18 : memref<!tpu.dma_semaphore, #tpu.memory_space<semaphore_mem>>)
    %dma_wait3A_871 = arith.constant 6400 : i32
    %dma_wait3A_872 = tpu.memref_slice %arg10[%dma_wait3A_871] : memref<12800xf32, #tpu.memory_space<vmem>> -> memref<3200xf32, #tpu.memory_space<vmem>>
    %dma_wait3A_873 = arith.constant 6400 : i32
    %dma_wait3A_874 = tpu.memref_slice %arg8[%dma_wait3A_873] : memref<12800xi32, #tpu.memory_space<vmem>> -> memref<3200xi32, #tpu.memory_space<vmem>>
    %dma_wait3A_875 = arith.constant 0 : i32
    %dma_wait3A_876 = tpu.memref_slice %arg5[%dma_wait3A_875] : memref<1000000xf32, #tpu.memory_space<vmem_shared>> -> memref<1000000xf32, #tpu.memory_space<vmem_shared>>
    tpu.wait_indirect_dma semaphore(%arg15 : memref<!tpu.dma_semaphore, #tpu.memory_space<semaphore_mem>>) src(%dma_wait3A_876 : memref<1000000xf32, #tpu.memory_space<vmem_shared>>) dst(%dma_wait3A_872 : memref<3200xf32, #tpu.memory_space<vmem>>)
    %add3A_877 = arith.constant 89600 : i32
    %add3A_878 = arith.addi %mul3A_2, %add3A_877 : i32
    %add3A_879 = arith.constant 6400 : i32
    %add3A_880 = arith.addi %add3A_878, %add3A_879 : i32
    %dma_start3A_881 = arith.constant 6400 : i32
    %dma_start3A_882 = tpu.memref_slice %arg10[%dma_start3A_881] : memref<12800xf32, #tpu.memory_space<vmem>> -> memref<3200xf32, #tpu.memory_space<vmem>>
    %dma_start3A_883 = tpu.memref_slice %arg4[%add3A_880] : memref<3276800xf32, #tpu.memory_space<hbm>> -> memref<3200xf32, #tpu.memory_space<hbm>>
    %dma_start3A_884 = tpu.memref_slice %arg4[%add3A_880] : memref<3276800xf32, #tpu.memory_space<hbm>> -> memref<3200xf32, #tpu.memory_space<hbm>>
    %dma_start3A_885 = arith.constant 6400 : i32
    %dma_start3A_886 = tpu.memref_slice %arg10[%dma_start3A_885] : memref<12800xf32, #tpu.memory_space<vmem>> -> memref<3200xf32, #tpu.memory_space<vmem>>
    tpu.enqueue_dma source(%dma_start3A_886 : memref<3200xf32, #tpu.memory_space<vmem>>) target(%dma_start3A_884 : memref<3200xf32, #tpu.memory_space<hbm>>) target_semaphore(%arg18 : memref<!tpu.dma_semaphore, #tpu.memory_space<semaphore_mem>>)
    %dma_wait3A_887 = arith.constant 9600 : i32
    %dma_wait3A_888 = tpu.memref_slice %arg10[%dma_wait3A_887] : memref<12800xf32, #tpu.memory_space<vmem>> -> memref<3200xf32, #tpu.memory_space<vmem>>
    %dma_wait3A_889 = arith.constant 9600 : i32
    %dma_wait3A_890 = tpu.memref_slice %arg8[%dma_wait3A_889] : memref<12800xi32, #tpu.memory_space<vmem>> -> memref<3200xi32, #tpu.memory_space<vmem>>
    %dma_wait3A_891 = arith.constant 0 : i32
    %dma_wait3A_892 = tpu.memref_slice %arg5[%dma_wait3A_891] : memref<1000000xf32, #tpu.memory_space<vmem_shared>> -> memref<1000000xf32, #tpu.memory_space<vmem_shared>>
    tpu.wait_indirect_dma semaphore(%arg16 : memref<!tpu.dma_semaphore, #tpu.memory_space<semaphore_mem>>) src(%dma_wait3A_892 : memref<1000000xf32, #tpu.memory_space<vmem_shared>>) dst(%dma_wait3A_888 : memref<3200xf32, #tpu.memory_space<vmem>>)
    %add3A_893 = arith.constant 89600 : i32
    %add3A_894 = arith.addi %mul3A_2, %add3A_893 : i32
    %add3A_895 = arith.constant 9600 : i32
    %add3A_896 = arith.addi %add3A_894, %add3A_895 : i32
    %dma_start3A_897 = arith.constant 9600 : i32
    %dma_start3A_898 = tpu.memref_slice %arg10[%dma_start3A_897] : memref<12800xf32, #tpu.memory_space<vmem>> -> memref<3200xf32, #tpu.memory_space<vmem>>
    %dma_start3A_899 = tpu.memref_slice %arg4[%add3A_896] : memref<3276800xf32, #tpu.memory_space<hbm>> -> memref<3200xf32, #tpu.memory_space<hbm>>
    %dma_start3A_900 = tpu.memref_slice %arg4[%add3A_896] : memref<3276800xf32, #tpu.memory_space<hbm>> -> memref<3200xf32, #tpu.memory_space<hbm>>
    %dma_start3A_901 = arith.constant 9600 : i32
    %dma_start3A_902 = tpu.memref_slice %arg10[%dma_start3A_901] : memref<12800xf32, #tpu.memory_space<vmem>> -> memref<3200xf32, #tpu.memory_space<vmem>>
    tpu.enqueue_dma source(%dma_start3A_902 : memref<3200xf32, #tpu.memory_space<vmem>>) target(%dma_start3A_900 : memref<3200xf32, #tpu.memory_space<hbm>>) target_semaphore(%arg18 : memref<!tpu.dma_semaphore, #tpu.memory_space<semaphore_mem>>)
    %dma_wait3A_903 = arith.constant 0 : i32
    %dma_wait3A_904 = tpu.memref_slice %arg9[%dma_wait3A_903] : memref<12800xf32, #tpu.memory_space<vmem>> -> memref<3200xf32, #tpu.memory_space<vmem>>
    %dma_wait3A_905 = tpu.memref_slice %arg4[%add3A_734] : memref<3276800xf32, #tpu.memory_space<hbm>> -> memref<3200xf32, #tpu.memory_space<hbm>>
    %dma_wait3A_906 = tpu.memref_slice %arg4[%add3A_734] : memref<3276800xf32, #tpu.memory_space<hbm>> -> memref<3200xf32, #tpu.memory_space<hbm>>
    %dma_wait3A_907 = arith.constant 0 : i32
    %dma_wait3A_908 = tpu.memref_slice %arg9[%dma_wait3A_907] : memref<12800xf32, #tpu.memory_space<vmem>> -> memref<3200xf32, #tpu.memory_space<vmem>>
    tpu.wait_dma2 semaphore(%arg17 : memref<!tpu.dma_semaphore, #tpu.memory_space<semaphore_mem>>) src(%dma_wait3A_908 : memref<3200xf32, #tpu.memory_space<vmem>>) dst(%dma_wait3A_906 : memref<3200xf32, #tpu.memory_space<hbm>>)
    %dma_wait3A_909 = arith.constant 3200 : i32
    %dma_wait3A_910 = tpu.memref_slice %arg9[%dma_wait3A_909] : memref<12800xf32, #tpu.memory_space<vmem>> -> memref<3200xf32, #tpu.memory_space<vmem>>
    %dma_wait3A_911 = tpu.memref_slice %arg4[%add3A_750] : memref<3276800xf32, #tpu.memory_space<hbm>> -> memref<3200xf32, #tpu.memory_space<hbm>>
    %dma_wait3A_912 = tpu.memref_slice %arg4[%add3A_750] : memref<3276800xf32, #tpu.memory_space<hbm>> -> memref<3200xf32, #tpu.memory_space<hbm>>
    %dma_wait3A_913 = arith.constant 3200 : i32
    %dma_wait3A_914 = tpu.memref_slice %arg9[%dma_wait3A_913] : memref<12800xf32, #tpu.memory_space<vmem>> -> memref<3200xf32, #tpu.memory_space<vmem>>
    tpu.wait_dma2 semaphore(%arg17 : memref<!tpu.dma_semaphore, #tpu.memory_space<semaphore_mem>>) src(%dma_wait3A_914 : memref<3200xf32, #tpu.memory_space<vmem>>) dst(%dma_wait3A_912 : memref<3200xf32, #tpu.memory_space<hbm>>)
    %dma_wait3A_915 = arith.constant 6400 : i32
    %dma_wait3A_916 = tpu.memref_slice %arg9[%dma_wait3A_915] : memref<12800xf32, #tpu.memory_space<vmem>> -> memref<3200xf32, #tpu.memory_space<vmem>>
    %dma_wait3A_917 = tpu.memref_slice %arg4[%add3A_766] : memref<3276800xf32, #tpu.memory_space<hbm>> -> memref<3200xf32, #tpu.memory_space<hbm>>
    %dma_wait3A_918 = tpu.memref_slice %arg4[%add3A_766] : memref<3276800xf32, #tpu.memory_space<hbm>> -> memref<3200xf32, #tpu.memory_space<hbm>>
    %dma_wait3A_919 = arith.constant 6400 : i32
    %dma_wait3A_920 = tpu.memref_slice %arg9[%dma_wait3A_919] : memref<12800xf32, #tpu.memory_space<vmem>> -> memref<3200xf32, #tpu.memory_space<vmem>>
    tpu.wait_dma2 semaphore(%arg17 : memref<!tpu.dma_semaphore, #tpu.memory_space<semaphore_mem>>) src(%dma_wait3A_920 : memref<3200xf32, #tpu.memory_space<vmem>>) dst(%dma_wait3A_918 : memref<3200xf32, #tpu.memory_space<hbm>>)
    %dma_wait3A_921 = arith.constant 9600 : i32
    %dma_wait3A_922 = tpu.memref_slice %arg9[%dma_wait3A_921] : memref<12800xf32, #tpu.memory_space<vmem>> -> memref<3200xf32, #tpu.memory_space<vmem>>
    %dma_wait3A_923 = tpu.memref_slice %arg4[%add3A_782] : memref<3276800xf32, #tpu.memory_space<hbm>> -> memref<3200xf32, #tpu.memory_space<hbm>>
    %dma_wait3A_924 = tpu.memref_slice %arg4[%add3A_782] : memref<3276800xf32, #tpu.memory_space<hbm>> -> memref<3200xf32, #tpu.memory_space<hbm>>
    %dma_wait3A_925 = arith.constant 9600 : i32
    %dma_wait3A_926 = tpu.memref_slice %arg9[%dma_wait3A_925] : memref<12800xf32, #tpu.memory_space<vmem>> -> memref<3200xf32, #tpu.memory_space<vmem>>
    tpu.wait_dma2 semaphore(%arg17 : memref<!tpu.dma_semaphore, #tpu.memory_space<semaphore_mem>>) src(%dma_wait3A_926 : memref<3200xf32, #tpu.memory_space<vmem>>) dst(%dma_wait3A_924 : memref<3200xf32, #tpu.memory_space<hbm>>)
    %dma_wait3A_927 = arith.constant 0 : i32
    %dma_wait3A_928 = tpu.memref_slice %arg10[%dma_wait3A_927] : memref<12800xf32, #tpu.memory_space<vmem>> -> memref<3200xf32, #tpu.memory_space<vmem>>
    %dma_wait3A_929 = tpu.memref_slice %arg4[%add3A_848] : memref<3276800xf32, #tpu.memory_space<hbm>> -> memref<3200xf32, #tpu.memory_space<hbm>>
    %dma_wait3A_930 = tpu.memref_slice %arg4[%add3A_848] : memref<3276800xf32, #tpu.memory_space<hbm>> -> memref<3200xf32, #tpu.memory_space<hbm>>
    %dma_wait3A_931 = arith.constant 0 : i32
    %dma_wait3A_932 = tpu.memref_slice %arg10[%dma_wait3A_931] : memref<12800xf32, #tpu.memory_space<vmem>> -> memref<3200xf32, #tpu.memory_space<vmem>>
    tpu.wait_dma2 semaphore(%arg18 : memref<!tpu.dma_semaphore, #tpu.memory_space<semaphore_mem>>) src(%dma_wait3A_932 : memref<3200xf32, #tpu.memory_space<vmem>>) dst(%dma_wait3A_930 : memref<3200xf32, #tpu.memory_space<hbm>>)
    %dma_wait3A_933 = arith.constant 3200 : i32
    %dma_wait3A_934 = tpu.memref_slice %arg10[%dma_wait3A_933] : memref<12800xf32, #tpu.memory_space<vmem>> -> memref<3200xf32, #tpu.memory_space<vmem>>
    %dma_wait3A_935 = tpu.memref_slice %arg4[%add3A_864] : memref<3276800xf32, #tpu.memory_space<hbm>> -> memref<3200xf32, #tpu.memory_space<hbm>>
    %dma_wait3A_936 = tpu.memref_slice %arg4[%add3A_864] : memref<3276800xf32, #tpu.memory_space<hbm>> -> memref<3200xf32, #tpu.memory_space<hbm>>
    %dma_wait3A_937 = arith.constant 3200 : i32
    %dma_wait3A_938 = tpu.memref_slice %arg10[%dma_wait3A_937] : memref<12800xf32, #tpu.memory_space<vmem>> -> memref<3200xf32, #tpu.memory_space<vmem>>
    tpu.wait_dma2 semaphore(%arg18 : memref<!tpu.dma_semaphore, #tpu.memory_space<semaphore_mem>>) src(%dma_wait3A_938 : memref<3200xf32, #tpu.memory_space<vmem>>) dst(%dma_wait3A_936 : memref<3200xf32, #tpu.memory_space<hbm>>)
    %dma_wait3A_939 = arith.constant 6400 : i32
    %dma_wait3A_940 = tpu.memref_slice %arg10[%dma_wait3A_939] : memref<12800xf32, #tpu.memory_space<vmem>> -> memref<3200xf32, #tpu.memory_space<vmem>>
    %dma_wait3A_941 = tpu.memref_slice %arg4[%add3A_880] : memref<3276800xf32, #tpu.memory_space<hbm>> -> memref<3200xf32, #tpu.memory_space<hbm>>
    %dma_wait3A_942 = tpu.memref_slice %arg4[%add3A_880] : memref<3276800xf32, #tpu.memory_space<hbm>> -> memref<3200xf32, #tpu.memory_space<hbm>>
    %dma_wait3A_943 = arith.constant 6400 : i32
    %dma_wait3A_944 = tpu.memref_slice %arg10[%dma_wait3A_943] : memref<12800xf32, #tpu.memory_space<vmem>> -> memref<3200xf32, #tpu.memory_space<vmem>>
    tpu.wait_dma2 semaphore(%arg18 : memref<!tpu.dma_semaphore, #tpu.memory_space<semaphore_mem>>) src(%dma_wait3A_944 : memref<3200xf32, #tpu.memory_space<vmem>>) dst(%dma_wait3A_942 : memref<3200xf32, #tpu.memory_space<hbm>>)
    %dma_wait3A_945 = arith.constant 9600 : i32
    %dma_wait3A_946 = tpu.memref_slice %arg10[%dma_wait3A_945] : memref<12800xf32, #tpu.memory_space<vmem>> -> memref<3200xf32, #tpu.memory_space<vmem>>
    %dma_wait3A_947 = tpu.memref_slice %arg4[%add3A_896] : memref<3276800xf32, #tpu.memory_space<hbm>> -> memref<3200xf32, #tpu.memory_space<hbm>>
    %dma_wait3A_948 = tpu.memref_slice %arg4[%add3A_896] : memref<3276800xf32, #tpu.memory_space<hbm>> -> memref<3200xf32, #tpu.memory_space<hbm>>
    %dma_wait3A_949 = arith.constant 9600 : i32
    %dma_wait3A_950 = tpu.memref_slice %arg10[%dma_wait3A_949] : memref<12800xf32, #tpu.memory_space<vmem>> -> memref<3200xf32, #tpu.memory_space<vmem>>
    tpu.wait_dma2 semaphore(%arg18 : memref<!tpu.dma_semaphore, #tpu.memory_space<semaphore_mem>>) src(%dma_wait3A_950 : memref<3200xf32, #tpu.memory_space<vmem>>) dst(%dma_wait3A_948 : memref<3200xf32, #tpu.memory_space<hbm>>)
    return
  }
}

module attributes {stable_mosaic.version = 14 : i64} {
  func.func @sig_kernel(%arg0: memref<1000000xf32, #tpu.memory_space<vmem>>, %arg1: memref<1000000xf32, #tpu.memory_space<vmem>>) attributes {dimension_semantics = [], scalar_prefetch = 0 : i64, scratch_operands = 0 : i64, tpu.core_type = #tpu.core_type<tc>} {
    %get3A = arith.constant 0 : index
    %get3A_0 = vector.load %arg0[%get3A] : memref<1000000xf32, #tpu.memory_space<vmem>>, vector<1000000xf32>
    %logistic3A = arith.negf %get3A_0 : vector<1000000xf32>
    %logistic3A_1 = math.exp %logistic3A : vector<1000000xf32>
    %logistic3A_2 = arith.constant 1.000000e+00 : f32
    %logistic3A_3 = vector.broadcast %logistic3A_2 : f32 to vector<1000000xf32>
    %logistic3A_4 = arith.addf %logistic3A_3, %logistic3A_1 : vector<1000000xf32>
    %logistic3A_5 = arith.divf %logistic3A_3, %logistic3A_4 : vector<1000000xf32>
    %swap3A = arith.constant 0 : index
    %swap3A_6 = vector.load %arg1[%swap3A] : memref<1000000xf32, #tpu.memory_space<vmem>>, vector<1000000xf32>
    tpu.vector_store %arg1[%swap3A], %logistic3A_5 {strides = array<i32>} : memref<1000000xf32, #tpu.memory_space<vmem>>, vector<1000000xf32>,
    return
  }
}

</mosaic_0001>

<sc_bundles>
// kernel: kernel.4.cloned.1.call-start
scs
__scs_entry_jumppad:
0x0: {  	(pc) =	sbr.rel $0x88, $3  }
0x1: {  	(tag) =	ssettag $0x0;
	lr =	simm.s32 $0x1  }
0x2: {  	[smem:$0x3F9F] =	sst lr;
	_ =	strace $0xD0000000  }
0x3: {  	_ = 	snop  }
0x4: {  	_ = 	snop  }
0x5: {  	_ = 	snop  }
0x6: {  	_ = 	snop  }
0x7: {  	_ = 	snop  }
__scs_overlays_trampoline_lowered:
0x8: {  	[smem:$0x3FAE] =	sst s0  }
0x9: {  	[smem:$0x3FAF] =	sst s1  }
0xa: {  	[smem:$0x3FB0] =	sst s2  }
0xb: {  	[smem:$0x3FB1] =	sst s3  }
0xc: {  	[smem:$0x3FB2] =	sst s4  }
0xd: {  	[smem:$0x3FB3] =	sst s5  }
0xe: {  	[smem:$0x3FB4] =	sst s6  }
0xf: {  	[smem:$0x3FB5] =	sst s7  }
0x10: {  	[smem:$0x3FB6] =	sst s8  }
0x11: {  	[smem:$0x3FB7] =	sst s9;
	s0 =	simm.s32 @!p0 $0x0  }
0x12: {  	s1 =	sld [smem:$0x3F9D];
	s0 =	simm.s32 @p0 $0x1  }
0x13: {  	[smem:$0x3FB8] =	sst s0;
	s0 =	simm.s32 @!p1 $0x0  }
0x14: {  	s2 =	sld [smem:$0x3F9C];
	s0 =	simm.s32 @p1 $0x1  }
0x15: {  	[smem:$0x3FB9] =	sst s0;
	s0 =	simm.s32 @!p2 $0x0  }
0x16: {  	s3 =	sld [smem:$0x3FDB];
	s0 =	simm.s32 @p2 $0x1  }
0x17: {  	s4 =	simm.s32 $0x1BF5;
	[smem:$0x3FBB] =	sst s0  }
0x18: {  	s0 =	sld [smem:$0x3F9E];
	_ =	swait.ge [sflag:s4], $0x0  }
0x19: {  	s7 =	sld [smem:$0x3F9F]  }
0x1a: {  	s8 =	sadd.s32 $0xFFFFE003, lr  }
0x1b: {  	s9 =	sadd.s32 $0xFFFFFEF7, lr;
	s5 =	simm.s32 $0xFFFFFFFF;
	p2 =	slt.u32 s8, $0xFFFFF086  }
0x1c: {  	p1 =	slt.u32 s9, $0xF7A;
	s5 =	simm.s32 @!p2 $0x0  }
0x1d: {  	s5 =	simm.s32 @p1 $0x1;
	p0 =	seq.s32 s7, s2  }
0x1e: {  	s7 =	smul.u32 @!p0 $0xF7A, s2;
	p2 =	seq.s32 @!p0 s5, $0x0  }
0x1f: {  	s9 =	smul.u32 $0xF7A, s1;
	s8 =	simm.s32 @!p0 $0x1BF5;
	p2 =	por !p2, p0  }
0x20: {  	[sflag:s8] =	ssyncset.s32 @!p0 $0xFFFFF086;
	s6 =	sadd.s32 @!p0 s3, s7;
	s7 =	simm.s32 @!p0 $0x108  }
0x21: {  	s3 =	sadd.s32 s3, s9;
	s6 =	sadd.s32 @!p0 $0x88, s6;
	s7 =	simm.s32 @p2 $0x1082  }
0x22: {  	[simem:s7], [sflag:s8] =	dma.local @!p0 [hbm:s6], $0xF7A  }
0x23: {  	s9 =	sor.u32 $0xD0000000, s2;
	s6 =	simm.s32 $0x108;
	_ =	swait.ge @!p0 [sflag:s8], $0x0  }
0x24: {  	s3 =	sadd.s32 $0x88, s3;
	s6 =	simm.s32 @!p1 $0x1082;
	[sflag:s4] =	ssyncset.s32 $0xFFFFF086  }
0x25: {  	[simem:s6], [sflag:s4] =	dma.local [hbm:s3], $0xF7A  }
0x26: {  	[smem:$0x3F9F] =	sst s1;
	(tag) =	ssettag s2;
	_ =	strace s9  }
0x27: {  	s1 =	sld [smem:$0x3FAF]  }
0x28: {  	s2 =	sld [smem:$0x3FB0]  }
0x29: {  	s4 =	sld [smem:$0x3FB2]  }
0x2a: {  	p0 =	seq.s32 s5, $0x0;
	s5 =	sld [smem:$0x3FB3]  }
0x2b: {  	s6 =	sld [smem:$0x3FB4]  }
0x2c: {  	s7 =	sld [smem:$0x3FB5]  }
0x2d: {  	s3 =	simm.s32 $0x108;
	s8 =	sld [smem:$0x3FB6]  }
0x2e: {  	s3 =	simm.s32 @!p0 $0x1082;
	s9 =	sld [smem:$0x3FB7]  }
0x2f: {  	lr =	sadd.s32 s0, s3;
	s0 =	sld [smem:$0x3FAE]  }
0x30: {  	s3 =	sld [smem:$0x3FB1]  }
0x31: {  	[smem:$0x3FBA] =	sst s10  }
0x32: {  	s10 =	sld [smem:$0x3FB8];
	_ =	sdelay $0x3  }
0x33: {  	p0 =	seq.s32 s10, $0x1;
	s10 =	sld [smem:$0x3FBA];
	_ =	sdelay $0x3  }
0x34: {  	[smem:$0x3FBA] =	sst s10  }
0x35: {  	s10 =	sld [smem:$0x3FB9];
	_ =	sdelay $0x3  }
0x36: {  	p1 =	seq.s32 s10, $0x1;
	s10 =	sld [smem:$0x3FBA];
	_ =	sdelay $0x3  }
0x37: {  	[smem:$0x3FBA] =	sst s10  }
0x38: {  	s10 =	sld [smem:$0x3FBB]  }
0x39: {  	_ = 	snop;
	(pc) =	sbr.ind lr, $3  }
0x3a: {  	_ = 	snop  }
0x3b: {  	_ = 	snop  }
0x3c: {  	p2 =	seq.s32 s10, $0x1;
	s10 =	sld [smem:$0x3FBA]  }
0x3d: {  	_ =	shalt  }
0x3e: {  	_ =	shalt  }
0x3f: {  	_ =	shalt  }
0x40: {  	_ =	shalt  }
0x41: {  	_ =	shalt  }
0x42: {  	_ =	shalt  }
0x43: {  	_ =	shalt  }
0x44: {  	_ =	shalt  }
0x45: {  	_ =	shalt  }
0x46: {  	_ =	shalt  }
0x47: {  	_ =	shalt  }
0x48: {  	_ =	shalt  }
0x49: {  	_ =	shalt  }
0x4a: {  	_ =	shalt  }
0x4b: {  	_ =	shalt  }
0x4c: {  	_ =	shalt  }
0x4d: {  	_ =	shalt  }
0x4e: {  	_ =	shalt  }
0x4f: {  	_ =	shalt  }
0x50: {  	_ =	shalt  }
0x51: {  	_ =	shalt  }
0x52: {  	_ =	shalt  }
0x53: {  	_ =	shalt  }
0x54: {  	_ =	shalt  }
0x55: {  	_ =	shalt  }
0x56: {  	_ =	shalt  }
0x57: {  	_ =	shalt  }
0x58: {  	_ =	shalt  }
0x59: {  	_ =	shalt  }
0x5a: {  	_ =	shalt  }
0x5b: {  	_ =	shalt  }
0x5c: {  	_ =	shalt  }
0x5d: {  	_ =	shalt  }
0x5e: {  	_ =	shalt  }
0x5f: {  	_ =	shalt  }
0x60: {  	_ =	shalt  }
0x61: {  	_ =	shalt  }
0x62: {  	_ =	shalt  }
0x63: {  	_ =	shalt  }
0x64: {  	_ =	shalt  }
0x65: {  	_ =	shalt  }
0x66: {  	_ =	shalt  }
0x67: {  	_ =	shalt  }
0x68: {  	_ =	shalt  }
0x69: {  	_ =	shalt  }
0x6a: {  	_ =	shalt  }
0x6b: {  	_ =	shalt  }
0x6c: {  	_ =	shalt  }
0x6d: {  	_ =	shalt  }
0x6e: {  	_ =	shalt  }
0x6f: {  	_ =	shalt  }
0x70: {  	_ =	shalt  }
0x71: {  	_ =	shalt  }
0x72: {  	_ =	shalt  }
0x73: {  	_ =	shalt  }
0x74: {  	_ =	shalt  }
0x75: {  	_ =	shalt  }
0x76: {  	_ =	shalt  }
0x77: {  	_ =	shalt  }
0x78: {  	_ =	shalt  }
0x79: {  	_ =	shalt  }
0x7a: {  	_ =	shalt  }
0x7b: {  	_ =	shalt  }
0x7c: {  	_ =	shalt  }
0x7d: {  	_ =	shalt  }
0x7e: {  	_ =	shalt  }
0x7f: {  	_ =	shalt  }
0x80: {  	_ =	shalt  }
0x81: {  	_ =	shalt  }
0x82: {  	_ =	shalt  }
0x83: {  	_ =	shalt  }
0x84: {  	_ =	shalt  }
0x85: {  	_ =	shalt  }
0x86: {  	_ =	shalt  }
0x87: {  	_ =	shalt  }
.Lfunc_end0:
.L_simem_size_0:
called_computation_lowered:
.L_overlay_start_0:
0x88: {  	s2 =	sld [smem:$0x3FD9]  }
0x89: {  	s3 =	sld [smem:$0x3FFE];
	_ =	sdelay $0x1  }
0x8a: {  	s1 =	srdreg.scid  }
0x8b: {  	s0 =	sand.u32 $0x1, s1  }
0x8c: {  	s17 =	sshll.u32 s0, $0xA;
	s2 =	sadd.s32 s3, s2  }
0x8d: {  	s2 =	sadd.s32 s2, s17  }
0x8e: {  	[smem:$0x3FC6] =	sst s2  }
0x8f: {  	_ = 	snop  }
0x90: {  	s2 =	sld [smem:$0x3FD0];
	(tm) =	ssettm $0x1  }
0x91: {  	s18 =	sld [smem:$0x3FFB];
	_ =	sdelay $0x3  }
0x92: {  	_ =	strace s18  }
0x93: {  	s3 =	sld [smem:$0x3FFC];
	_ =	sdelay $0x3  }
0x94: {  	_ =	strace s3  }
0x95: {  	s3 =	sld [smem:$0x3FFD];
	_ =	sdelay $0x3  }
0x96: {  	_ =	strace s3  }
0x97: {  	_ =	strace $0x8FFFFFFF  }
0x98: {  	s19 =	sld [smem:$0x3FDB];
	_ =	sdelay $0x1  }
0x99: {  	s4 =	simm.s32 $_scs_section_size  }
0x9a: {  	s5 =	simm.s32 $_size__tile_overlayer_lowered;
	s6 =	simm.s32 $_tile_overlayer_lowered  }
0x9b: {  	s22 =	simm.s32 $0x1BFF;
	s21 =	sshll.u32 s6, $0x1;
	s3 =	sadd.s32 s4, s19  }
0x9c: {  	s7 =	simm.s32 $0x0;
	s20 =	sshll.u32 s5, $0x1;
	s5 =	sadd.s32 s21, s3  }
0x9d: {  	[timem:s7], [sflag:s22] =	dma.local [hbm:s5], s20  }
0x9e: {  	_ =	swait.ge [sflag:s22], s20  }
0x9f: {  	s4 =	ssub.s32 $0x0, s20;
	[sflag:s22] =	ssyncset.done $0x0  }
0xa0: {  	[sflag:s22] =	ssyncadd.s32 s4;
	_ =	sdelay $0x1  }
0xa1: {  	s23 =	simm.s32 $0x1B8B  }
0xa2: {  	_ =	swait.ge [sflag:s23], $0x1  }
0xa3: {  	[sflag:s23] =	ssyncset.done $0x0  }
0xa4: {  	s25 =	simm.s32 $0x1B8E;
	s24 =	sld [smem:$0x3FFE];
	[sflag:s23] =	ssyncadd.s32 $0xFFFFFFFF  }
0xa5: {  	s26 =	simm.s32 $execute0_lowered;
	[smem:$0x3FD2] =	sst s25  }
0xa6: {  	s5 =	sshll.u32 s26, $0x1;
	_ =	strace $0x80000046;
	[dreg:$0x1] =	wrdreg $0xFFFFFFFF  }
0xa7: {  	s28 =	simm.s32 $_size_execute0_lowered;
	s3 =	sadd.s32 s3, s5;
	[dreg:$0x0] =	wrdreg $0x0  }
0xa8: {  	s5 =	sshll.u32 s28, $0x1;
	[dreg:$0x2] =	wrdreg s3  }
0xa9: {  	[dreg:$0x3] =	wrdreg s5  }
0xaa: {  	[dreg:$0x4] =	wrdreg $0xC0  }
0xab: {  	_ =	task [dreg:s7], $0x5FFFF  }
0xac: {  	[dreg:$0x1] =	wrdreg $0xFFFFFFFF  }
0xad: {  	[dreg:$0x0] =	wrdreg $0x60  }
0xae: {  	[dreg:$0x2] =	wrdreg s24  }
0xaf: {  	[dreg:$0x3] =	wrdreg s2  }
0xb0: {  	[dreg:$0x4] =	wrdreg $0x0  }
0xb1: {  	[dreg:$0x5] =	wrdreg $0x9  }
0xb2: {  	_ =	task.clear_ibuf [dreg:s7], $0x6FFFF;
	_ =	strace $0x90000046  }
0xb3: {  	s29 =	simm.s32 $0x9;
	_ =	strace $0x80000048  }
0xb4: {  	_ =	swait.ge [sflag:s29], $0x1  }
0xb5: {  	[sflag:s29] =	ssyncadd.s32 $0xFFFFFFFF  }
0xb6: {  	_ =	strace $0x90000048  }
0xb7: {  	_ =	sfence  }
0xb8: {  	s30 =	sld [smem:$0x0];
	_ =	sdelay $0x2  }
0xb9: {  	s31 =	sshll.u32 s1, $0xD;
	s1 =	sshrl.u32 s1, $0x2  }
0xba: {  	s3 =	sand.u32 $0x4000, s31;
	s1 =	sadd.s32 s1, s30  }
0xbb: {  	s0 =	sor.u32 s3, s0;
	s1 =	sshll.u32 s1, $0x11  }
0xbc: {  	s0 =	sor.u32 s1, s0  }
0xbd: {  	s0 =	sadd.s32 $0x8F2B, s0  }
0xbe: {  	[sflag:s0] =	ssyncadd.remote.s32 $0x1  }
0xbf: {  	_ =	sfence.sel $0xFFFF  }
0xc0: {  	[dreg:$0x0] =	wrdreg $0xFFFFFFFF;
	(pc) =	sbr.abs _section_cstart, $3  }
0xc1: {  	[dreg:$0x1] =	wrdreg $0xFFFFFFFF  }
0xc2: {  	_ =	task.clear_ibuf [dreg:s7], $0x2FFFF;
	_ =	strace $0x9FFFFFFF  }
0xc3: {  	(tm) =	ssettm $0x7FFFFFFF  }
tec
execute0_lowered:
.L_overlay_start_1:
0x0: {  	(tag) =	ssettag $0x1  }
0x1: {  	s5 =	rddreg [dreg:$0x0]  }
0x2: {  	s10 =	stileid.u32;
	s1 =	srdreg.scid  }
0x3: {  	s0 =	rddreg [dreg:$0x1];
	s18 =	sand.u32 $0x1, s1;
	s9 =	sshll.u32 s10, $0x1  }
0x4: {  	s2 =	rddreg [dreg:$0x2];
	s3 =	simm.s32 $0x0;
	s1 =	sor.u32 s18, s9  }
0x5: {  	[smem:$0x7FF] =	sst s3;
	s1 =	smul.u32 $0x19000, s1  }
0x6: {  	s11 =	sshll.u32 s10, $0xD;
	s13 =	sadd.s32 $0x1E800, s5;
	s14 =	sadd.s32 $0xF4000, s2  }
0x7: {  	_ =	strace $0x80000047;
	[dreg:$0x7] =	wrdreg s13;
	s4 =	sshrl.u32 s1, $0x3  }
0x8: {  	[dreg:$0x9] =	wrdreg s14;
	s1 =	sadd.s32 s11, s5;
	s6 =	sadd.s32 s0, s4  }
0x9: {  	s7 =	sadd.s32 $0x640, s4;
	s1 =	sadd.s32 $0x800, s1;
	[dreg:$0x4] =	wrdreg s6  }
0xa: {  	s19 =	sadd.s32 $0xC80, s4;
	s12 =	sadd.s32 s0, s7;
	[dreg:$0x6] =	wrdreg s1  }
0xb: {  	s1 =	sadd.s32 $0x1F200, s5;
	s5 =	sadd.s32 $0x1F000, s5;
	[dreg:$0x5] =	wrdreg s12  }
0xc: {  	s25 =	sadd.s32 $0x12C0, s4;
	s20 =	sadd.s32 s0, s19;
	[dreg:$0x8] =	wrdreg s5  }
0xd: {  	s13 =	sadd.s32 $0x1900, s4;
	s26 =	sadd.s32 s0, s25;
	[dreg:$0xd] =	wrdreg s20  }
0xe: {  	s14 =	sadd.s32 s0, s13;
	[dreg:$0x12] =	wrdreg s26  }
0xf: {  	[dreg:$0x17] =	wrdreg s14  }
0x10: {  	s21 =	sadd.s32 s1, s7;
	s7 =	rddreg [dreg:$0x7]  }
0x11: {  	s11 =	sadd.s32 s1, s4;
	s6 =	sadd.s32 s1, s19;
	[dreg:$0xe] =	wrdreg s21  }
0x12: {  	s15 =	sadd.s32 $0x190, s11;
	[dreg:$0x13] =	wrdreg s6  }
0x13: {  	s16 =	sadd.s32 $0x320, s11;
	[dreg:$0xa] =	wrdreg s15  }
0x14: {  	s17 =	sadd.s32 $0x4B0, s11;
	[dreg:$0xb] =	wrdreg s16  }
0x15: {  	s22 =	sadd.s32 $0x7D0, s11;
	[dreg:$0xc] =	wrdreg s17  }
0x16: {  	s23 =	sadd.s32 $0x960, s11;
	[dreg:$0xf] =	wrdreg s22  }
0x17: {  	s24 =	sadd.s32 $0xAF0, s11;
	[dreg:$0x10] =	wrdreg s23  }
0x18: {  	s8 =	sadd.s32 $0xE10, s11;
	[dreg:$0x11] =	wrdreg s24  }
0x19: {  	s9 =	sadd.s32 $0xFA0, s11;
	[dreg:$0x14] =	wrdreg s8  }
0x1a: {  	s12 =	sadd.s32 $0x1130, s11;
	[dreg:$0x15] =	wrdreg s9  }
0x1b: {  	s20 =	sadd.s32 $0x1F40, s4;
	s19 =	sadd.s32 $0x1770, s11;
	[dreg:$0x16] =	wrdreg s12  }
0x1c: {  	s21 =	sadd.s32 s0, s20;
	[dreg:$0x1b] =	wrdreg s19  }
0x1d: {  	s14 =	sadd.s32 $0x23F0, s11;
	[dreg:$0x1c] =	wrdreg s21  }
0x1e: {  	s15 =	sadd.s32 s1, s25;
	[smem:$0x7F4] =	sst s14  }
0x1f: {  	s16 =	sadd.s32 $0x1450, s11;
	[dreg:$0x18] =	wrdreg s15  }
0x20: {  	s17 =	sadd.s32 $0x15E0, s11;
	[dreg:$0x19] =	wrdreg s16  }
0x21: {  	s22 =	sadd.s32 s1, s13;
	[dreg:$0x1a] =	wrdreg s17  }
0x22: {  	s23 =	sadd.s32 $0x1A90, s11;
	[dreg:$0x1d] =	wrdreg s22  }
0x23: {  	s24 =	sadd.s32 $0x1C20, s11;
	[dreg:$0x1e] =	wrdreg s23  }
0x24: {  	s26 =	sadd.s32 $0x2580, s4;
	s25 =	sadd.s32 $0x1DB0, s11;
	[dreg:$0x1f] =	wrdreg s24  }
0x25: {  	s8 =	sadd.s32 s0, s26;
	[smem:$0x7EF] =	sst s25  }
0x26: {  	s9 =	sadd.s32 s1, s20;
	[smem:$0x7F0] =	sst s8  }
0x27: {  	s12 =	sadd.s32 $0x20D0, s11;
	[smem:$0x7F1] =	sst s9  }
0x28: {  	s4 =	sadd.s32 $0x2BC0, s4;
	s13 =	sadd.s32 $0x2260, s11;
	[smem:$0x7F2] =	sst s12  }
0x29: {  	s0 =	sadd.s32 s0, s4;
	[smem:$0x7F3] =	sst s13  }
0x2a: {  	s19 =	sadd.s32 $0x2A30, s11;
	[smem:$0x7F5] =	sst s0  }
0x2b: {  	s20 =	sadd.s32 s1, s4;
	[smem:$0x7F9] =	sst s19  }
0x2c: {  	s21 =	sadd.s32 $0x2D50, s11;
	[smem:$0x7FA] =	sst s20  }
0x2d: {  	[smem:$0x7FB] =	sst s21  }
0x2e: {  	s25 =	rddreg [dreg:$0x4]  }
0x2f: {  	s15 =	sadd.s32 s1, s26;
	s9 =	rddreg [dreg:$0x5]  }
0x30: {  	s16 =	sadd.s32 $0x2710, s11;
	[smem:$0x7F6] =	sst s15  }
0x31: {  	p0 =	seq.s32 s10, $0xF;
	s17 =	sadd.s32 $0x28A0, s11;
	[smem:$0x7F7] =	sst s16  }
0x32: {  	s5 =	simm.s32 $0xF828;
	s22 =	sadd.s32 $0x2EE0, s11;
	[smem:$0x7F8] =	sst s17  }
0x33: {  	s1 =	sadd.s32 $0xF0000, s2;
	s23 =	sadd.s32 $0x3070, s11;
	[smem:$0x7FC] =	sst s22  }
0x34: {  	s24 =	sshll.u32 s10, $0x10;
	[smem:$0x7FD] =	sst s23;
	s0 =	sshrl.u32 @p0 s1, $0x3  }
0x35: {  	[tilespmem:s5], [sflag:$0x1] =	stream.linear.gather [hbm4b:s25+s3], $0x3200, $0x38;
	[tilespmem:$0x1C028] =	vst v63  }
0x36: {  	s1 =	sadd.s32 s24, s2;
	[smem:$0x7EB] =	sst s0  }
0x37: {  	s6 =	simm.s32 $0x12A28;
	s1 =	sshrl.u32 @!p0 s1, $0x3;
	s0 =	sld [smem:$0x7EB]  }
0x38: {  	s8 =	simm.s32 @p0 $0x9;
	[smem:$0x7EC] =	sst s1;
	s1 =	simm.s32 @p0 $0x1FC9  }
0x39: {  	[tilespmem:s6], [sflag:$0x2] =	stream.linear.gather [hbm4b:s9+s3], $0x3200, $0x38;
	[tilespmem:$0x1C028] =	vst v63  }
0x3a: {  	[spmem:s0], [sflag:s1] =	dma.local @p0 [hbm:s7], $0x800  }
0x3b: {  	_ =	swait.ge @p0 [sflag:s8], $0x800  }
0x3c: {  	s4 =	simm.s32 @p0 $0xF428;
	[sflag:s8] =	ssyncset.done @p0 $0x0  }
0x3d: {  	s1 =	simm.s32 @p0 $0x0;
	s0 =	rddreg [dreg:$0x8];
	[sflag:s8] =	ssyncadd.s32 @p0 $0xFFFFF800  }
0x3e: {  	[tilespmem:s4], [sflag:$0x9] =	stream.linear.gather @p0 [hbm4b:s0+s1], $0x240, $0x38;
	[tilespmem:$0x1C028] =	vst v63  }
0x3f: {  	_ =	swait.ge @p0 [sflag:s8], $0x240  }
0x40: {  	[sflag:s8] =	ssyncset.done @p0 $0x0  }
0x41: {  	s0 =	rddreg [dreg:$0x9];
	[sflag:s8] =	ssyncadd.s32 @p0 $0xFFFFFDC0  }
0x42: {  	[spmem:s0] =	stream.linear.scatter @p0 [tilespmem:s4], [sflag:$0x9], $0x240, $0x38;
	[tilespmem:$0x1C028] =	vst v63  }
0x43: {  	_ =	swait.ge @p0 [sflag:s8], $0x240  }
0x44: {  	s4 =	sshll.u32 @!p0 s10, $0x6;
	s1 =	sld [smem:$0x7EC]  }
0x45: {  	s4 =	sor.u32 @!p0 $0x1C09, s4;
	s0 =	rddreg [dreg:$0x6];
	[sflag:s8] =	ssyncset.done @p0 $0x0  }
0x46: {  	s7 =	simm.s32 @!p0 $0x9;
	[smem:$0x7ED] =	sst s4;
	[sflag:s8] =	ssyncadd.s32 @p0 $0xFFFFFDC0  }
0x47: {  	[spmem:s1], [sflag:s4] =	dma.local @!p0 [hbm:s0], $0x2000  }
0x48: {  	_ =	swait.ge @!p0 [sflag:s7], $0x2000  }
0x49: {  	[sflag:s7] =	ssyncset.done @!p0 $0x0  }
0x4a: {  	[sflag:s7] =	ssyncadd.s32 @!p0 $0xFFFFE000  }
0x4b: {  	s13 =	simm.s32 $0x1;
	[bflag:$0x0] =	sbarrier.arrive $0xFFFF  }
0x4c: {  	_ =	swait.ge [sflag:s13], $0x3200  }
0x4d: {  	[sflag:s13] =	ssyncset.done $0x0  }
0x4e: {  	s14 =	simm.s32 $0xC80;
	s15 =	simm.s32 $0x15C28;
	[sflag:s13] =	ssyncadd.s32 $0xFFFFCE00  }
0x4f: {  	[tilespmem:s15], [sflag:$0x3] =	stream.indirect.gather [spmem:s2], $0x1, s5, s14, $0xb8;
	[tilespmem:$0x1C028] =	vst v63  }
0x50: {  	s12 =	simm.s32 $0x104A8;
	s17 =	simm.s32 $0x168A8  }
0x51: {  	[tilespmem:s17], [sflag:$0x4] =	stream.indirect.gather [spmem:s2], $0x1, s12, s14, $0xb8;
	[tilespmem:$0x1C028] =	vst v63  }
0x52: {  	s19 =	simm.s32 $0x17528;
	s16 =	simm.s32 $0x11128  }
0x53: {  	[tilespmem:s19], [sflag:$0x5] =	stream.indirect.gather [spmem:s2], $0x1, s16, s14, $0xb8;
	[tilespmem:$0x1C028] =	vst v63  }
0x54: {  	s20 =	simm.s32 $0x11DA8;
	s21 =	simm.s32 $0x181A8;
	s22 =	simm.s32 $0x3  }
0x55: {  	[tilespmem:s21], [sflag:$0x6] =	stream.indirect.gather [spmem:s2], $0x1, s20, s14, $0xb8;
	[tilespmem:$0x1C028] =	vst v63  }
0x56: {  	_ =	swait.ge [sflag:s22], $0xC80  }
0x57: {  	[sflag:s22] =	ssyncset.done $0x0  }
0x58: {  	s23 =	simm.s32 $0x4;
	[smem:$0x7EE] =	sst s11;
	[sflag:s22] =	ssyncadd.s32 $0xFFFFF380  }
0x59: {  	[hbm4b:s11+s3] =	stream.linear.scatter [tilespmem:s15], [sflag:$0x7], $0xC80, $0x38;
	[tilespmem:$0x1C028] =	vst v63  }
0x5a: {  	_ =	swait.ge [sflag:s23], $0xC80  }
0x5b: {  	[sflag:s23] =	ssyncset.done $0x0  }
0x5c: {  	s24 =	simm.s32 $0x5;
	s26 =	rddreg [dreg:$0xa];
	[sflag:s23] =	ssyncadd.s32 $0xFFFFF380  }
0x5d: {  	[hbm4b:s26+s3] =	stream.linear.scatter [tilespmem:s17], [sflag:$0x7], $0xC80, $0x38;
	[tilespmem:$0x1C028] =	vst v63  }
0x5e: {  	_ =	swait.ge [sflag:s24], $0xC80  }
0x5f: {  	[sflag:s24] =	ssyncset.done $0x0  }
0x60: {  	s25 =	simm.s32 $0x6;
	s1 =	rddreg [dreg:$0xb];
	[sflag:s24] =	ssyncadd.s32 $0xFFFFF380  }
0x61: {  	[hbm4b:s1+s3] =	stream.linear.scatter [tilespmem:s19], [sflag:$0x7], $0xC80, $0x38;
	[tilespmem:$0x1C028] =	vst v63  }
0x62: {  	_ =	swait.ge [sflag:s25], $0xC80  }
0x63: {  	[sflag:s25] =	ssyncset.done $0x0  }
0x64: {  	s4 =	rddreg [dreg:$0xc];
	[sflag:s25] =	ssyncadd.s32 $0xFFFFF380  }
0x65: {  	[hbm4b:s4+s3] =	stream.linear.scatter [tilespmem:s21], [sflag:$0x7], $0xC80, $0x38;
	[tilespmem:$0x1C028] =	vst v63  }
0x66: {  	s26 =	simm.s32 $0x2;
	s7 =	rddreg [dreg:$0xd]  }
0x67: {  	[tilespmem:s5], [sflag:$0x1] =	stream.linear.gather [hbm4b:s7+s3], $0x3200, $0x38;
	[tilespmem:$0x1C028] =	vst v63  }
0x68: {  	_ =	swait.ge [sflag:s26], $0x3200  }
0x69: {  	[sflag:s26] =	ssyncset.done $0x0  }
0x6a: {  	s28 =	simm.s32 $0x18E28;
	[sflag:s26] =	ssyncadd.s32 $0xFFFFCE00  }
0x6b: {  	[tilespmem:s28], [sflag:$0x3] =	stream.indirect.gather [spmem:s2], $0x1, s6, s14, $0xb8;
	[tilespmem:$0x1C028] =	vst v63  }
0x6c: {  	s29 =	simm.s32 $0x136A8;
	s30 =	simm.s32 $0x19AA8  }
0x6d: {  	[tilespmem:s30], [sflag:$0x4] =	stream.indirect.gather [spmem:s2], $0x1, s29, s14, $0xb8;
	[tilespmem:$0x1C028] =	vst v63  }
0x6e: {  	s31 =	simm.s32 $0x14328;
	s1 =	simm.s32 $0x1A728  }
0x6f: {  	[tilespmem:s1], [sflag:$0x5] =	stream.indirect.gather [spmem:s2], $0x1, s31, s14, $0xb8;
	[tilespmem:$0x1C028] =	vst v63  }
0x70: {  	s0 =	simm.s32 $0x14FA8;
	s7 =	simm.s32 $0x1B3A8  }
0x71: {  	[tilespmem:s7], [sflag:$0x6] =	stream.indirect.gather [spmem:s2], $0x1, s0, s14, $0xb8;
	[tilespmem:$0x1C028] =	vst v63  }
0x72: {  	_ =	swait.ge [sflag:s22], $0xC80  }
0x73: {  	[sflag:s22] =	ssyncset.done $0x0  }
0x74: {  	s9 =	rddreg [dreg:$0xe];
	[sflag:s22] =	ssyncadd.s32 $0xFFFFF380  }
0x75: {  	[hbm4b:s9+s3] =	stream.linear.scatter [tilespmem:s28], [sflag:$0x8], $0xC80, $0x38;
	[tilespmem:$0x1C028] =	vst v63  }
0x76: {  	_ =	swait.ge [sflag:s23], $0xC80  }
0x77: {  	[sflag:s23] =	ssyncset.done $0x0  }
0x78: {  	s10 =	rddreg [dreg:$0xf];
	[sflag:s23] =	ssyncadd.s32 $0xFFFFF380  }
0x79: {  	[hbm4b:s10+s3] =	stream.linear.scatter [tilespmem:s30], [sflag:$0x8], $0xC80, $0x38;
	[tilespmem:$0x1C028] =	vst v63  }
0x7a: {  	_ =	swait.ge [sflag:s24], $0xC80  }
0x7b: {  	[sflag:s24] =	ssyncset.done $0x0  }
0x7c: {  	s11 =	rddreg [dreg:$0x10];
	[sflag:s24] =	ssyncadd.s32 $0xFFFFF380  }
0x7d: {  	[hbm4b:s11+s3] =	stream.linear.scatter [tilespmem:s1], [sflag:$0x8], $0xC80, $0x38;
	[tilespmem:$0x1C028] =	vst v63  }
0x7e: {  	_ =	swait.ge [sflag:s25], $0xC80  }
0x7f: {  	[sflag:s25] =	ssyncset.done $0x0  }
0x80: {  	s9 =	rddreg [dreg:$0x11];
	[sflag:s25] =	ssyncadd.s32 $0xFFFFF380  }
0x81: {  	[hbm4b:s9+s3] =	stream.linear.scatter [tilespmem:s7], [sflag:$0x8], $0xC80, $0x38;
	[tilespmem:$0x1C028] =	vst v63  }
0x82: {  	s10 =	rddreg [dreg:$0x12];
	s9 =	simm.s32 $0x7  }
0x83: {  	[tilespmem:s6], [sflag:$0x2] =	stream.linear.gather [hbm4b:s10+s3], $0x3200, $0x38;
	[tilespmem:$0x1C028] =	vst v63  }
0x84: {  	_ =	swait.ge [sflag:s9], $0xC80  }
0x85: {  	[sflag:s9] =	ssyncset.done $0x0  }
0x86: {  	[sflag:s9] =	ssyncadd.s32 $0xFFFFF380  }
0x87: {  	_ =	swait.ge [sflag:s9], $0xC80  }
0x88: {  	[sflag:s9] =	ssyncset.done $0x0  }
0x89: {  	[sflag:s9] =	ssyncadd.s32 $0xFFFFF380  }
0x8a: {  	_ =	swait.ge [sflag:s9], $0xC80  }
0x8b: {  	[sflag:s9] =	ssyncset.done $0x0  }
0x8c: {  	[sflag:s9] =	ssyncadd.s32 $0xFFFFF380  }
0x8d: {  	_ =	swait.ge [sflag:s9], $0xC80  }
0x8e: {  	[sflag:s9] =	ssyncset.done $0x0  }
0x8f: {  	[sflag:s9] =	ssyncadd.s32 $0xFFFFF380  }
0x90: {  	_ =	swait.ge [sflag:s13], $0x3200  }
0x91: {  	[sflag:s13] =	ssyncset.done $0x0  }
0x92: {  	[sflag:s13] =	ssyncadd.s32 $0xFFFFCE00  }
0x93: {  	[tilespmem:s15], [sflag:$0x3] =	stream.indirect.gather [spmem:s2], $0x1, s5, s14, $0xb8;
	[tilespmem:$0x1C028] =	vst v63  }
0x94: {  	_ = 	snop  }
0x95: {  	[tilespmem:s17], [sflag:$0x4] =	stream.indirect.gather [spmem:s2], $0x1, s12, s14, $0xb8;
	[tilespmem:$0x1C028] =	vst v63  }
0x96: {  	_ = 	snop  }
0x97: {  	[tilespmem:s19], [sflag:$0x5] =	stream.indirect.gather [spmem:s2], $0x1, s16, s14, $0xb8;
	[tilespmem:$0x1C028] =	vst v63  }
0x98: {  	_ = 	snop  }
0x99: {  	[tilespmem:s21], [sflag:$0x6] =	stream.indirect.gather [spmem:s2], $0x1, s20, s14, $0xb8;
	[tilespmem:$0x1C028] =	vst v63  }
0x9a: {  	_ =	swait.ge [sflag:s22], $0xC80  }
0x9b: {  	[sflag:s22] =	ssyncset.done $0x0  }
0x9c: {  	s11 =	rddreg [dreg:$0x13];
	[sflag:s22] =	ssyncadd.s32 $0xFFFFF380  }
0x9d: {  	[hbm4b:s11+s3] =	stream.linear.scatter [tilespmem:s15], [sflag:$0x7], $0xC80, $0x38;
	[tilespmem:$0x1C028] =	vst v63  }
0x9e: {  	_ =	swait.ge [sflag:s23], $0xC80  }
0x9f: {  	[sflag:s23] =	ssyncset.done $0x0  }
0xa0: {  	s10 =	rddreg [dreg:$0x14];
	[sflag:s23] =	ssyncadd.s32 $0xFFFFF380  }
0xa1: {  	[hbm4b:s10+s3] =	stream.linear.scatter [tilespmem:s17], [sflag:$0x7], $0xC80, $0x38;
	[tilespmem:$0x1C028] =	vst v63  }
0xa2: {  	_ =	swait.ge [sflag:s24], $0xC80  }
0xa3: {  	[sflag:s24] =	ssyncset.done $0x0  }
0xa4: {  	s11 =	rddreg [dreg:$0x15];
	[sflag:s24] =	ssyncadd.s32 $0xFFFFF380  }
0xa5: {  	[hbm4b:s11+s3] =	stream.linear.scatter [tilespmem:s19], [sflag:$0x7], $0xC80, $0x38;
	[tilespmem:$0x1C028] =	vst v63  }
0xa6: {  	_ =	swait.ge [sflag:s25], $0xC80  }
0xa7: {  	[sflag:s25] =	ssyncset.done $0x0  }
0xa8: {  	s4 =	rddreg [dreg:$0x16];
	[sflag:s25] =	ssyncadd.s32 $0xFFFFF380  }
0xa9: {  	[hbm4b:s4+s3] =	stream.linear.scatter [tilespmem:s21], [sflag:$0x7], $0xC80, $0x38;
	[tilespmem:$0x1C028] =	vst v63  }
0xaa: {  	s11 =	rddreg [dreg:$0x17];
	s4 =	simm.s32 $0x8  }
0xab: {  	[tilespmem:s5], [sflag:$0x1] =	stream.linear.gather [hbm4b:s11+s3], $0x3200, $0x38;
	[tilespmem:$0x1C028] =	vst v63  }
0xac: {  	_ =	swait.ge [sflag:s4], $0xC80  }
0xad: {  	[sflag:s4] =	ssyncset.done $0x0  }
0xae: {  	[sflag:s4] =	ssyncadd.s32 $0xFFFFF380  }
0xaf: {  	_ =	swait.ge [sflag:s4], $0xC80  }
0xb0: {  	[sflag:s4] =	ssyncset.done $0x0  }
0xb1: {  	[sflag:s4] =	ssyncadd.s32 $0xFFFFF380  }
0xb2: {  	_ =	swait.ge [sflag:s4], $0xC80  }
0xb3: {  	[sflag:s4] =	ssyncset.done $0x0  }
0xb4: {  	[sflag:s4] =	ssyncadd.s32 $0xFFFFF380  }
0xb5: {  	_ =	swait.ge [sflag:s4], $0xC80  }
0xb6: {  	[sflag:s4] =	ssyncset.done $0x0  }
0xb7: {  	[sflag:s4] =	ssyncadd.s32 $0xFFFFF380  }
0xb8: {  	_ =	swait.ge [sflag:s26], $0x3200  }
0xb9: {  	[sflag:s26] =	ssyncset.done $0x0  }
0xba: {  	[sflag:s26] =	ssyncadd.s32 $0xFFFFCE00  }
0xbb: {  	[tilespmem:s28], [sflag:$0x3] =	stream.indirect.gather [spmem:s2], $0x1, s6, s14, $0xb8;
	[tilespmem:$0x1C028] =	vst v63  }
0xbc: {  	_ = 	snop  }
0xbd: {  	[tilespmem:s30], [sflag:$0x4] =	stream.indirect.gather [spmem:s2], $0x1, s29, s14, $0xb8;
	[tilespmem:$0x1C028] =	vst v63  }
0xbe: {  	_ = 	snop  }
0xbf: {  	[tilespmem:s1], [sflag:$0x5] =	stream.indirect.gather [spmem:s2], $0x1, s31, s14, $0xb8;
	[tilespmem:$0x1C028] =	vst v63  }
0xc0: {  	_ = 	snop  }
0xc1: {  	[tilespmem:s7], [sflag:$0x6] =	stream.indirect.gather [spmem:s2], $0x1, s0, s14, $0xb8;
	[tilespmem:$0x1C028] =	vst v63  }
0xc2: {  	_ =	swait.ge [sflag:s22], $0xC80  }
0xc3: {  	[sflag:s22] =	ssyncset.done $0x0  }
0xc4: {  	s11 =	rddreg [dreg:$0x18];
	[sflag:s22] =	ssyncadd.s32 $0xFFFFF380  }
0xc5: {  	[hbm4b:s11+s3] =	stream.linear.scatter [tilespmem:s28], [sflag:$0x8], $0xC80, $0x38;
	[tilespmem:$0x1C028] =	vst v63  }
0xc6: {  	_ =	swait.ge [sflag:s23], $0xC80  }
0xc7: {  	[sflag:s23] =	ssyncset.done $0x0  }
0xc8: {  	s11 =	rddreg [dreg:$0x19];
	[sflag:s23] =	ssyncadd.s32 $0xFFFFF380  }
0xc9: {  	[hbm4b:s11+s3] =	stream.linear.scatter [tilespmem:s30], [sflag:$0x8], $0xC80, $0x38;
	[tilespmem:$0x1C028] =	vst v63  }
0xca: {  	_ =	swait.ge [sflag:s24], $0xC80  }
0xcb: {  	[sflag:s24] =	ssyncset.done $0x0  }
0xcc: {  	s11 =	rddreg [dreg:$0x1a];
	[sflag:s24] =	ssyncadd.s32 $0xFFFFF380  }
0xcd: {  	[hbm4b:s11+s3] =	stream.linear.scatter [tilespmem:s1], [sflag:$0x8], $0xC80, $0x38;
	[tilespmem:$0x1C028] =	vst v63  }
0xce: {  	_ =	swait.ge [sflag:s25], $0xC80  }
0xcf: {  	[sflag:s25] =	ssyncset.done $0x0  }
0xd0: {  	s11 =	rddreg [dreg:$0x1b];
	[sflag:s25] =	ssyncadd.s32 $0xFFFFF380  }
0xd1: {  	[hbm4b:s11+s3] =	stream.linear.scatter [tilespmem:s7], [sflag:$0x8], $0xC80, $0x38;
	[tilespmem:$0x1C028] =	vst v63  }
0xd2: {  	s10 =	rddreg [dreg:$0x1c]  }
0xd3: {  	[tilespmem:s6], [sflag:$0x2] =	stream.linear.gather [hbm4b:s10+s3], $0x3200, $0x38;
	[tilespmem:$0x1C028] =	vst v63  }
0xd4: {  	_ =	swait.ge [sflag:s9], $0xC80  }
0xd5: {  	[sflag:s9] =	ssyncset.done $0x0  }
0xd6: {  	[sflag:s9] =	ssyncadd.s32 $0xFFFFF380  }
0xd7: {  	_ =	swait.ge [sflag:s9], $0xC80  }
0xd8: {  	[sflag:s9] =	ssyncset.done $0x0  }
0xd9: {  	[sflag:s9] =	ssyncadd.s32 $0xFFFFF380  }
0xda: {  	_ =	swait.ge [sflag:s9], $0xC80  }
0xdb: {  	[sflag:s9] =	ssyncset.done $0x0  }
0xdc: {  	[sflag:s9] =	ssyncadd.s32 $0xFFFFF380  }
0xdd: {  	_ =	swait.ge [sflag:s9], $0xC80  }
0xde: {  	[sflag:s9] =	ssyncset.done $0x0  }
0xdf: {  	[sflag:s9] =	ssyncadd.s32 $0xFFFFF380  }
0xe0: {  	_ =	swait.ge [sflag:s13], $0x3200  }
0xe1: {  	[sflag:s13] =	ssyncset.done $0x0  }
0xe2: {  	[sflag:s13] =	ssyncadd.s32 $0xFFFFCE00  }
0xe3: {  	[tilespmem:s15], [sflag:$0x3] =	stream.indirect.gather [spmem:s2], $0x1, s5, s14, $0xb8;
	[tilespmem:$0x1C028] =	vst v63  }
0xe4: {  	_ = 	snop  }
0xe5: {  	[tilespmem:s17], [sflag:$0x4] =	stream.indirect.gather [spmem:s2], $0x1, s12, s14, $0xb8;
	[tilespmem:$0x1C028] =	vst v63  }
0xe6: {  	_ = 	snop  }
0xe7: {  	[tilespmem:s19], [sflag:$0x5] =	stream.indirect.gather [spmem:s2], $0x1, s16, s14, $0xb8;
	[tilespmem:$0x1C028] =	vst v63  }
0xe8: {  	_ = 	snop  }
0xe9: {  	[tilespmem:s21], [sflag:$0x6] =	stream.indirect.gather [spmem:s2], $0x1, s20, s14, $0xb8;
	[tilespmem:$0x1C028] =	vst v63  }
0xea: {  	_ =	swait.ge [sflag:s22], $0xC80  }
0xeb: {  	[sflag:s22] =	ssyncset.done $0x0  }
0xec: {  	s11 =	rddreg [dreg:$0x1d];
	[sflag:s22] =	ssyncadd.s32 $0xFFFFF380  }
0xed: {  	[hbm4b:s11+s3] =	stream.linear.scatter [tilespmem:s15], [sflag:$0x7], $0xC80, $0x38;
	[tilespmem:$0x1C028] =	vst v63  }
0xee: {  	_ =	swait.ge [sflag:s23], $0xC80  }
0xef: {  	[sflag:s23] =	ssyncset.done $0x0  }
0xf0: {  	s11 =	rddreg [dreg:$0x1e];
	[sflag:s23] =	ssyncadd.s32 $0xFFFFF380  }
0xf1: {  	[hbm4b:s11+s3] =	stream.linear.scatter [tilespmem:s17], [sflag:$0x7], $0xC80, $0x38;
	[tilespmem:$0x1C028] =	vst v63  }
0xf2: {  	_ =	swait.ge [sflag:s24], $0xC80  }
0xf3: {  	[sflag:s24] =	ssyncset.done $0x0  }
0xf4: {  	s11 =	rddreg [dreg:$0x1f];
	[sflag:s24] =	ssyncadd.s32 $0xFFFFF380  }
0xf5: {  	[hbm4b:s11+s3] =	stream.linear.scatter [tilespmem:s19], [sflag:$0x7], $0xC80, $0x38;
	[tilespmem:$0x1C028] =	vst v63  }
0xf6: {  	_ =	swait.ge [sflag:s25], $0xC80  }
0xf7: {  	s11 =	sld [smem:$0x7EF]  }
0xf8: {  	[sflag:s25] =	ssyncset.done $0x0  }
0xf9: {  	s10 =	sld [smem:$0x7F0];
	[sflag:s25] =	ssyncadd.s32 $0xFFFFF380  }
0xfa: {  	[hbm4b:s11+s3] =	stream.linear.scatter [tilespmem:s21], [sflag:$0x7], $0xC80, $0x38;
	[tilespmem:$0x1C028] =	vst v63  }
0xfb: {  	_ = 	snop  }
0xfc: {  	[tilespmem:s5], [sflag:$0x1] =	stream.linear.gather [hbm4b:s10+s3], $0x3200, $0x38;
	[tilespmem:$0x1C028] =	vst v63  }
0xfd: {  	_ =	swait.ge [sflag:s4], $0xC80  }
0xfe: {  	[sflag:s4] =	ssyncset.done $0x0  }
0xff: {  	[sflag:s4] =	ssyncadd.s32 $0xFFFFF380  }
0x100: {  	_ =	swait.ge [sflag:s4], $0xC80  }
0x101: {  	[sflag:s4] =	ssyncset.done $0x0  }
0x102: {  	[sflag:s4] =	ssyncadd.s32 $0xFFFFF380  }
0x103: {  	_ =	swait.ge [sflag:s4], $0xC80  }
0x104: {  	[sflag:s4] =	ssyncset.done $0x0  }
0x105: {  	[sflag:s4] =	ssyncadd.s32 $0xFFFFF380  }
0x106: {  	_ =	swait.ge [sflag:s4], $0xC80  }
0x107: {  	[sflag:s4] =	ssyncset.done $0x0  }
0x108: {  	[sflag:s4] =	ssyncadd.s32 $0xFFFFF380  }
0x109: {  	_ =	swait.ge [sflag:s26], $0x3200  }
0x10a: {  	[sflag:s26] =	ssyncset.done $0x0  }
0x10b: {  	[sflag:s26] =	ssyncadd.s32 $0xFFFFCE00  }
0x10c: {  	[tilespmem:s28], [sflag:$0x3] =	stream.indirect.gather [spmem:s2], $0x1, s6, s14, $0xb8;
	[tilespmem:$0x1C028] =	vst v63  }
0x10d: {  	_ = 	snop  }
0x10e: {  	[tilespmem:s30], [sflag:$0x4] =	stream.indirect.gather [spmem:s2], $0x1, s29, s14, $0xb8;
	[tilespmem:$0x1C028] =	vst v63  }
0x10f: {  	_ = 	snop  }
0x110: {  	[tilespmem:s1], [sflag:$0x5] =	stream.indirect.gather [spmem:s2], $0x1, s31, s14, $0xb8;
	[tilespmem:$0x1C028] =	vst v63  }
0x111: {  	_ = 	snop  }
0x112: {  	[tilespmem:s7], [sflag:$0x6] =	stream.indirect.gather [spmem:s2], $0x1, s0, s14, $0xb8;
	[tilespmem:$0x1C028] =	vst v63  }
0x113: {  	_ =	swait.ge [sflag:s22], $0xC80  }
0x114: {  	s11 =	sld [smem:$0x7F1]  }
0x115: {  	[sflag:s22] =	ssyncset.done $0x0  }
0x116: {  	[sflag:s22] =	ssyncadd.s32 $0xFFFFF380  }
0x117: {  	[hbm4b:s11+s3] =	stream.linear.scatter [tilespmem:s28], [sflag:$0x8], $0xC80, $0x38;
	[tilespmem:$0x1C028] =	vst v63  }
0x118: {  	_ =	swait.ge [sflag:s23], $0xC80  }
0x119: {  	s11 =	sld [smem:$0x7F2]  }
0x11a: {  	[sflag:s23] =	ssyncset.done $0x0  }
0x11b: {  	[sflag:s23] =	ssyncadd.s32 $0xFFFFF380  }
0x11c: {  	[hbm4b:s11+s3] =	stream.linear.scatter [tilespmem:s30], [sflag:$0x8], $0xC80, $0x38;
	[tilespmem:$0x1C028] =	vst v63  }
0x11d: {  	_ =	swait.ge [sflag:s24], $0xC80  }
0x11e: {  	s11 =	sld [smem:$0x7F3]  }
0x11f: {  	[sflag:s24] =	ssyncset.done $0x0  }
0x120: {  	[sflag:s24] =	ssyncadd.s32 $0xFFFFF380  }
0x121: {  	[hbm4b:s11+s3] =	stream.linear.scatter [tilespmem:s1], [sflag:$0x8], $0xC80, $0x38;
	[tilespmem:$0x1C028] =	vst v63  }
0x122: {  	_ =	swait.ge [sflag:s25], $0xC80  }
0x123: {  	s11 =	sld [smem:$0x7F4]  }
0x124: {  	[sflag:s25] =	ssyncset.done $0x0  }
0x125: {  	s10 =	sld [smem:$0x7F5];
	[sflag:s25] =	ssyncadd.s32 $0xFFFFF380  }
0x126: {  	[hbm4b:s11+s3] =	stream.linear.scatter [tilespmem:s7], [sflag:$0x8], $0xC80, $0x38;
	[tilespmem:$0x1C028] =	vst v63  }
0x127: {  	_ = 	snop  }
0x128: {  	[tilespmem:s6], [sflag:$0x2] =	stream.linear.gather [hbm4b:s10+s3], $0x3200, $0x38;
	[tilespmem:$0x1C028] =	vst v63  }
0x129: {  	_ =	swait.ge [sflag:s9], $0xC80  }
0x12a: {  	[sflag:s9] =	ssyncset.done $0x0  }
0x12b: {  	[sflag:s9] =	ssyncadd.s32 $0xFFFFF380  }
0x12c: {  	_ =	swait.ge [sflag:s9], $0xC80  }
0x12d: {  	[sflag:s9] =	ssyncset.done $0x0  }
0x12e: {  	[sflag:s9] =	ssyncadd.s32 $0xFFFFF380  }
0x12f: {  	_ =	swait.ge [sflag:s9], $0xC80  }
0x130: {  	[sflag:s9] =	ssyncset.done $0x0  }
0x131: {  	[sflag:s9] =	ssyncadd.s32 $0xFFFFF380  }
0x132: {  	_ =	swait.ge [sflag:s9], $0xC80  }
0x133: {  	[sflag:s9] =	ssyncset.done $0x0  }
0x134: {  	[sflag:s9] =	ssyncadd.s32 $0xFFFFF380  }
0x135: {  	_ =	swait.ge [sflag:s13], $0x3200  }
0x136: {  	[sflag:s13] =	ssyncset.done $0x0  }
0x137: {  	[sflag:s13] =	ssyncadd.s32 $0xFFFFCE00  }
0x138: {  	[tilespmem:s15], [sflag:$0x3] =	stream.indirect.gather [spmem:s2], $0x1, s5, s14, $0xb8;
	[tilespmem:$0x1C028] =	vst v63  }
0x139: {  	_ = 	snop  }
0x13a: {  	[tilespmem:s17], [sflag:$0x4] =	stream.indirect.gather [spmem:s2], $0x1, s12, s14, $0xb8;
	[tilespmem:$0x1C028] =	vst v63  }
0x13b: {  	_ = 	snop  }
0x13c: {  	[tilespmem:s19], [sflag:$0x5] =	stream.indirect.gather [spmem:s2], $0x1, s16, s14, $0xb8;
	[tilespmem:$0x1C028] =	vst v63  }
0x13d: {  	_ = 	snop  }
0x13e: {  	[tilespmem:s21], [sflag:$0x6] =	stream.indirect.gather [spmem:s2], $0x1, s20, s14, $0xb8;
	[tilespmem:$0x1C028] =	vst v63  }
0x13f: {  	_ =	swait.ge [sflag:s22], $0xC80  }
0x140: {  	s11 =	sld [smem:$0x7F6]  }
0x141: {  	[sflag:s22] =	ssyncset.done $0x0  }
0x142: {  	[sflag:s22] =	ssyncadd.s32 $0xFFFFF380  }
0x143: {  	[hbm4b:s11+s3] =	stream.linear.scatter [tilespmem:s15], [sflag:$0x7], $0xC80, $0x38;
	[tilespmem:$0x1C028] =	vst v63  }
0x144: {  	_ =	swait.ge [sflag:s23], $0xC80  }
0x145: {  	s12 =	sld [smem:$0x7F7]  }
0x146: {  	[sflag:s23] =	ssyncset.done $0x0  }
0x147: {  	[sflag:s23] =	ssyncadd.s32 $0xFFFFF380  }
0x148: {  	[hbm4b:s12+s3] =	stream.linear.scatter [tilespmem:s17], [sflag:$0x7], $0xC80, $0x38;
	[tilespmem:$0x1C028] =	vst v63  }
0x149: {  	_ =	swait.ge [sflag:s24], $0xC80  }
0x14a: {  	s16 =	sld [smem:$0x7F8]  }
0x14b: {  	[sflag:s24] =	ssyncset.done $0x0  }
0x14c: {  	[sflag:s24] =	ssyncadd.s32 $0xFFFFF380  }
0x14d: {  	[hbm4b:s16+s3] =	stream.linear.scatter [tilespmem:s19], [sflag:$0x7], $0xC80, $0x38;
	[tilespmem:$0x1C028] =	vst v63  }
0x14e: {  	_ =	swait.ge [sflag:s25], $0xC80  }
0x14f: {  	s11 =	sld [smem:$0x7F9]  }
0x150: {  	[sflag:s25] =	ssyncset.done $0x0  }
0x151: {  	[sflag:s25] =	ssyncadd.s32 $0xFFFFF380  }
0x152: {  	[hbm4b:s11+s3] =	stream.linear.scatter [tilespmem:s21], [sflag:$0x7], $0xC80, $0x38;
	[tilespmem:$0x1C028] =	vst v63  }
0x153: {  	_ =	swait.ge [sflag:s4], $0xC80  }
0x154: {  	[sflag:s4] =	ssyncset.done $0x0  }
0x155: {  	[sflag:s4] =	ssyncadd.s32 $0xFFFFF380  }
0x156: {  	_ =	swait.ge [sflag:s4], $0xC80  }
0x157: {  	[sflag:s4] =	ssyncset.done $0x0  }
0x158: {  	[sflag:s4] =	ssyncadd.s32 $0xFFFFF380  }
0x159: {  	_ =	swait.ge [sflag:s4], $0xC80  }
0x15a: {  	[sflag:s4] =	ssyncset.done $0x0  }
0x15b: {  	[sflag:s4] =	ssyncadd.s32 $0xFFFFF380  }
0x15c: {  	_ =	swait.ge [sflag:s4], $0xC80  }
0x15d: {  	[sflag:s4] =	ssyncset.done $0x0  }
0x15e: {  	[sflag:s4] =	ssyncadd.s32 $0xFFFFF380  }
0x15f: {  	_ =	swait.ge [sflag:s26], $0x3200  }
0x160: {  	[sflag:s26] =	ssyncset.done $0x0  }
0x161: {  	[sflag:s26] =	ssyncadd.s32 $0xFFFFCE00  }
0x162: {  	[tilespmem:s28], [sflag:$0x3] =	stream.indirect.gather [spmem:s2], $0x1, s6, s14, $0xb8;
	[tilespmem:$0x1C028] =	vst v63  }
0x163: {  	_ = 	snop  }
0x164: {  	[tilespmem:s30], [sflag:$0x4] =	stream.indirect.gather [spmem:s2], $0x1, s29, s14, $0xb8;
	[tilespmem:$0x1C028] =	vst v63  }
0x165: {  	_ = 	snop  }
0x166: {  	[tilespmem:s1], [sflag:$0x5] =	stream.indirect.gather [spmem:s2], $0x1, s31, s14, $0xb8;
	[tilespmem:$0x1C028] =	vst v63  }
0x167: {  	_ = 	snop  }
0x168: {  	[tilespmem:s7], [sflag:$0x6] =	stream.indirect.gather [spmem:s2], $0x1, s0, s14, $0xb8;
	[tilespmem:$0x1C028] =	vst v63  }
0x169: {  	_ =	swait.ge [sflag:s22], $0xC80  }
0x16a: {  	s12 =	sld [smem:$0x7FA]  }
0x16b: {  	[sflag:s22] =	ssyncset.done $0x0  }
0x16c: {  	[sflag:s22] =	ssyncadd.s32 $0xFFFFF380  }
0x16d: {  	[hbm4b:s12+s3] =	stream.linear.scatter [tilespmem:s28], [sflag:$0x8], $0xC80, $0x38;
	[tilespmem:$0x1C028] =	vst v63  }
0x16e: {  	_ =	swait.ge [sflag:s23], $0xC80  }
0x16f: {  	s16 =	sld [smem:$0x7FB]  }
0x170: {  	[sflag:s23] =	ssyncset.done $0x0  }
0x171: {  	[sflag:s23] =	ssyncadd.s32 $0xFFFFF380  }
0x172: {  	[hbm4b:s16+s3] =	stream.linear.scatter [tilespmem:s30], [sflag:$0x8], $0xC80, $0x38;
	[tilespmem:$0x1C028] =	vst v63  }
0x173: {  	_ =	swait.ge [sflag:s24], $0xC80  }
0x174: {  	s11 =	sld [smem:$0x7FC]  }
0x175: {  	[sflag:s24] =	ssyncset.done $0x0  }
0x176: {  	[sflag:s24] =	ssyncadd.s32 $0xFFFFF380  }
0x177: {  	[hbm4b:s11+s3] =	stream.linear.scatter [tilespmem:s1], [sflag:$0x8], $0xC80, $0x38;
	[tilespmem:$0x1C028] =	vst v63  }
0x178: {  	_ =	swait.ge [sflag:s25], $0xC80  }
0x179: {  	s12 =	sld [smem:$0x7FD]  }
0x17a: {  	[sflag:s25] =	ssyncset.done $0x0  }
0x17b: {  	[sflag:s25] =	ssyncadd.s32 $0xFFFFF380  }
0x17c: {  	[hbm4b:s12+s3] =	stream.linear.scatter [tilespmem:s7], [sflag:$0x8], $0xC80, $0x38;
	[tilespmem:$0x1C028] =	vst v63  }
0x17d: {  	_ =	swait.ge [sflag:s9], $0xC80  }
0x17e: {  	[sflag:s9] =	ssyncset.done $0x0  }
0x17f: {  	[sflag:s9] =	ssyncadd.s32 $0xFFFFF380  }
0x180: {  	_ =	swait.ge [sflag:s9], $0xC80  }
0x181: {  	[sflag:s9] =	ssyncset.done $0x0  }
0x182: {  	[sflag:s9] =	ssyncadd.s32 $0xFFFFF380  }
0x183: {  	_ =	swait.ge [sflag:s9], $0xC80  }
0x184: {  	[sflag:s9] =	ssyncset.done $0x0  }
0x185: {  	[sflag:s9] =	ssyncadd.s32 $0xFFFFF380  }
0x186: {  	_ =	swait.ge [sflag:s9], $0xC80  }
0x187: {  	[sflag:s9] =	ssyncset.done $0x0  }
0x188: {  	s16 =	ssub.s32 $0x2, s18;
	[sflag:s9] =	ssyncadd.s32 $0xFFFFF380  }
0x189: {  	s18 =	sshrl.u32 s16, $0x1;
	_ =	swait.ge [sflag:s4], $0xC80  }
0x18a: {  	s10 =	ssub.s32 s16, s18;
	[sflag:s4] =	ssyncset.done $0x0  }
0x18b: {  	s10 =	smax.u32 s10, $0x1;
	[sflag:s4] =	ssyncadd.s32 $0xFFFFF380  }
0x18c: {  	s10 =	sadd.s32 $0xFFFFFFFF, s10;
	_ =	swait.ge [sflag:s4], $0xC80  }
0x18d: {  	p1 =	sne.s32 s10, $0x0;
	[sflag:s4] =	ssyncset.done $0x0  }
.Ltmp0:
0x18e: {  	[sflag:s4] =	ssyncadd.s32 $0xFFFFF380;
	(pc) =	sbr.rel @!p1 .LBB2_2-.Ltmp0, $4  }
0x18f: {  	_ =	swait.ge [sflag:s4], $0xC80  }
0x190: {  	[sflag:s4] =	ssyncset.done $0x0  }
0x191: {  	[sflag:s4] =	ssyncadd.s32 $0xFFFFF380  }
0x192: {  	_ =	swait.ge [sflag:s4], $0xC80  }
.LBB2_1:
0x193: {  	s11 =	sld [smem:$0x7EB]  }
0x194: {  	[sflag:s4] =	ssyncset.done $0x0;
	s12 =	rddreg [dreg:$0x4]  }
0x195: {  	s16 =	rddreg [dreg:$0x7];
	[sflag:s4] =	ssyncadd.s32 $0xFFFFF380  }
0x196: {  	[tilespmem:s5], [sflag:$0x1] =	stream.linear.gather [hbm4b:s12+s3], $0x3200, $0x38;
	[tilespmem:$0x1C028] =	vst v63  }
0x197: {  	s18 =	rddreg [dreg:$0x5];
	s12 =	simm.s32 @p0 $0x1FC9  }
0x198: {  	[tilespmem:s6], [sflag:$0x2] =	stream.linear.gather [hbm4b:s18+s3], $0x3200, $0x38;
	[tilespmem:$0x1C028] =	vst v63  }
0x199: {  	[spmem:s11], [sflag:s12] =	dma.local @p0 [hbm:s16], $0x800  }
0x19a: {  	_ =	swait.ge @p0 [sflag:s8], $0x800  }
0x19b: {  	s12 =	simm.s32 @p0 $0x0;
	[sflag:s8] =	ssyncset.done @p0 $0x0  }
0x19c: {  	s16 =	simm.s32 @p0 $0xF428;
	s11 =	rddreg [dreg:$0x8];
	[sflag:s8] =	ssyncadd.s32 @p0 $0xFFFFF800  }
0x19d: {  	[tilespmem:s16], [sflag:$0x9] =	stream.linear.gather @p0 [hbm4b:s11+s12], $0x240, $0x38;
	[tilespmem:$0x1C028] =	vst v63  }
0x19e: {  	_ =	swait.ge @p0 [sflag:s8], $0x240  }
0x19f: {  	[sflag:s8] =	ssyncset.done @p0 $0x0  }
0x1a0: {  	s11 =	rddreg [dreg:$0x9];
	[sflag:s8] =	ssyncadd.s32 @p0 $0xFFFFFDC0  }
0x1a1: {  	[spmem:s11] =	stream.linear.scatter @p0 [tilespmem:s16], [sflag:$0x9], $0x240, $0x38;
	[tilespmem:$0x1C028] =	vst v63  }
0x1a2: {  	_ =	swait.ge @p0 [sflag:s8], $0x240  }
0x1a3: {  	s12 =	sld [smem:$0x7EC]  }
0x1a4: {  	s16 =	sld [smem:$0x7ED]  }
0x1a5: {  	[sflag:s8] =	ssyncset.done @p0 $0x0  }
0x1a6: {  	s11 =	rddreg [dreg:$0x6];
	[sflag:s8] =	ssyncadd.s32 @p0 $0xFFFFFDC0  }
0x1a7: {  	[spmem:s12], [sflag:s16] =	dma.local @!p0 [hbm:s11], $0x2000  }
0x1a8: {  	s11 =	simm.s32 @!p0 $0x9  }
0x1a9: {  	_ =	swait.ge @!p0 [sflag:s11], $0x2000  }
0x1aa: {  	[sflag:s11] =	ssyncset.done @!p0 $0x0  }
0x1ab: {  	[sflag:s11] =	ssyncadd.s32 @!p0 $0xFFFFE000  }
0x1ac: {  	[bflag:$0x0] =	sbarrier.arrive $0xFFFF  }
0x1ad: {  	_ =	swait.ge [sflag:s13], $0x3200  }
0x1ae: {  	[sflag:s13] =	ssyncset.done $0x0  }
0x1af: {  	[sflag:s13] =	ssyncadd.s32 $0xFFFFCE00  }
0x1b0: {  	[tilespmem:s15], [sflag:$0x3] =	stream.indirect.gather [spmem:s2], $0x1, s5, s14, $0xb8;
	[tilespmem:$0x1C028] =	vst v63  }
0x1b1: {  	s16 =	simm.s32 $0x104A8  }
0x1b2: {  	[tilespmem:s17], [sflag:$0x4] =	stream.indirect.gather [spmem:s2], $0x1, s16, s14, $0xb8;
	[tilespmem:$0x1C028] =	vst v63  }
0x1b3: {  	s18 =	simm.s32 $0x11128  }
0x1b4: {  	[tilespmem:s19], [sflag:$0x5] =	stream.indirect.gather [spmem:s2], $0x1, s18, s14, $0xb8;
	[tilespmem:$0x1C028] =	vst v63  }
0x1b5: {  	_ = 	snop  }
0x1b6: {  	[tilespmem:s21], [sflag:$0x6] =	stream.indirect.gather [spmem:s2], $0x1, s20, s14, $0xb8;
	[tilespmem:$0x1C028] =	vst v63  }
0x1b7: {  	_ =	swait.ge [sflag:s22], $0xC80  }
0x1b8: {  	s12 =	sld [smem:$0x7EE]  }
0x1b9: {  	[sflag:s22] =	ssyncset.done $0x0  }
0x1ba: {  	[sflag:s22] =	ssyncadd.s32 $0xFFFFF380  }
0x1bb: {  	[hbm4b:s12+s3] =	stream.linear.scatter [tilespmem:s15], [sflag:$0x7], $0xC80, $0x38;
	[tilespmem:$0x1C028] =	vst v63  }
0x1bc: {  	_ =	swait.ge [sflag:s23], $0xC80  }
0x1bd: {  	[sflag:s23] =	ssyncset.done $0x0  }
0x1be: {  	s12 =	rddreg [dreg:$0xa];
	[sflag:s23] =	ssyncadd.s32 $0xFFFFF380  }
0x1bf: {  	[hbm4b:s12+s3] =	stream.linear.scatter [tilespmem:s17], [sflag:$0x7], $0xC80, $0x38;
	[tilespmem:$0x1C028] =	vst v63  }
0x1c0: {  	_ =	swait.ge [sflag:s24], $0xC80  }
0x1c1: {  	[sflag:s24] =	ssyncset.done $0x0  }
0x1c2: {  	s12 =	rddreg [dreg:$0xb];
	[sflag:s24] =	ssyncadd.s32 $0xFFFFF380  }
0x1c3: {  	[hbm4b:s12+s3] =	stream.linear.scatter [tilespmem:s19], [sflag:$0x7], $0xC80, $0x38;
	[tilespmem:$0x1C028] =	vst v63  }
0x1c4: {  	_ =	swait.ge [sflag:s25], $0xC80  }
0x1c5: {  	[sflag:s25] =	ssyncset.done $0x0  }
0x1c6: {  	s11 =	rddreg [dreg:$0xc];
	[sflag:s25] =	ssyncadd.s32 $0xFFFFF380  }
0x1c7: {  	[hbm4b:s11+s3] =	stream.linear.scatter [tilespmem:s21], [sflag:$0x7], $0xC80, $0x38;
	[tilespmem:$0x1C028] =	vst v63  }
0x1c8: {  	s12 =	rddreg [dreg:$0xd]  }
0x1c9: {  	[tilespmem:s5], [sflag:$0x1] =	stream.linear.gather [hbm4b:s12+s3], $0x3200, $0x38;
	[tilespmem:$0x1C028] =	vst v63  }
0x1ca: {  	_ =	swait.ge [sflag:s26], $0x3200  }
0x1cb: {  	[sflag:s26] =	ssyncset.done $0x0  }
0x1cc: {  	[sflag:s26] =	ssyncadd.s32 $0xFFFFCE00  }
0x1cd: {  	[tilespmem:s28], [sflag:$0x3] =	stream.indirect.gather [spmem:s2], $0x1, s6, s14, $0xb8;
	[tilespmem:$0x1C028] =	vst v63  }
0x1ce: {  	_ = 	snop  }
0x1cf: {  	[tilespmem:s30], [sflag:$0x4] =	stream.indirect.gather [spmem:s2], $0x1, s29, s14, $0xb8;
	[tilespmem:$0x1C028] =	vst v63  }
0x1d0: {  	_ = 	snop  }
0x1d1: {  	[tilespmem:s1], [sflag:$0x5] =	stream.indirect.gather [spmem:s2], $0x1, s31, s14, $0xb8;
	[tilespmem:$0x1C028] =	vst v63  }
0x1d2: {  	_ = 	snop  }
0x1d3: {  	[tilespmem:s7], [sflag:$0x6] =	stream.indirect.gather [spmem:s2], $0x1, s0, s14, $0xb8;
	[tilespmem:$0x1C028] =	vst v63  }
0x1d4: {  	_ =	swait.ge [sflag:s22], $0xC80  }
0x1d5: {  	[sflag:s22] =	ssyncset.done $0x0  }
0x1d6: {  	s12 =	rddreg [dreg:$0xe];
	[sflag:s22] =	ssyncadd.s32 $0xFFFFF380  }
0x1d7: {  	[hbm4b:s12+s3] =	stream.linear.scatter [tilespmem:s28], [sflag:$0x8], $0xC80, $0x38;
	[tilespmem:$0x1C028] =	vst v63  }
0x1d8: {  	_ =	swait.ge [sflag:s23], $0xC80  }
0x1d9: {  	[sflag:s23] =	ssyncset.done $0x0  }
0x1da: {  	s12 =	rddreg [dreg:$0xf];
	[sflag:s23] =	ssyncadd.s32 $0xFFFFF380  }
0x1db: {  	[hbm4b:s12+s3] =	stream.linear.scatter [tilespmem:s30], [sflag:$0x8], $0xC80, $0x38;
	[tilespmem:$0x1C028] =	vst v63  }
0x1dc: {  	_ =	swait.ge [sflag:s24], $0xC80  }
0x1dd: {  	[sflag:s24] =	ssyncset.done $0x0  }
0x1de: {  	s12 =	rddreg [dreg:$0x10];
	[sflag:s24] =	ssyncadd.s32 $0xFFFFF380  }
0x1df: {  	[hbm4b:s12+s3] =	stream.linear.scatter [tilespmem:s1], [sflag:$0x8], $0xC80, $0x38;
	[tilespmem:$0x1C028] =	vst v63  }
0x1e0: {  	_ =	swait.ge [sflag:s25], $0xC80  }
0x1e1: {  	[sflag:s25] =	ssyncset.done $0x0  }
0x1e2: {  	s11 =	rddreg [dreg:$0x11];
	[sflag:s25] =	ssyncadd.s32 $0xFFFFF380  }
0x1e3: {  	[hbm4b:s11+s3] =	stream.linear.scatter [tilespmem:s7], [sflag:$0x8], $0xC80, $0x38;
	[tilespmem:$0x1C028] =	vst v63  }
0x1e4: {  	s12 =	rddreg [dreg:$0x12]  }
0x1e5: {  	[tilespmem:s6], [sflag:$0x2] =	stream.linear.gather [hbm4b:s12+s3], $0x3200, $0x38;
	[tilespmem:$0x1C028] =	vst v63  }
0x1e6: {  	_ =	swait.ge [sflag:s9], $0xC80  }
0x1e7: {  	[sflag:s9] =	ssyncset.done $0x0  }
0x1e8: {  	[sflag:s9] =	ssyncadd.s32 $0xFFFFF380  }
0x1e9: {  	_ =	swait.ge [sflag:s9], $0xC80  }
0x1ea: {  	[sflag:s9] =	ssyncset.done $0x0  }
0x1eb: {  	[sflag:s9] =	ssyncadd.s32 $0xFFFFF380  }
0x1ec: {  	_ =	swait.ge [sflag:s9], $0xC80  }
0x1ed: {  	[sflag:s9] =	ssyncset.done $0x0  }
0x1ee: {  	[sflag:s9] =	ssyncadd.s32 $0xFFFFF380  }
0x1ef: {  	_ =	swait.ge [sflag:s9], $0xC80  }
0x1f0: {  	[sflag:s9] =	ssyncset.done $0x0  }
0x1f1: {  	[sflag:s9] =	ssyncadd.s32 $0xFFFFF380  }
0x1f2: {  	_ =	swait.ge [sflag:s13], $0x3200  }
0x1f3: {  	[sflag:s13] =	ssyncset.done $0x0  }
0x1f4: {  	[sflag:s13] =	ssyncadd.s32 $0xFFFFCE00  }
0x1f5: {  	[tilespmem:s15], [sflag:$0x3] =	stream.indirect.gather [spmem:s2], $0x1, s5, s14, $0xb8;
	[tilespmem:$0x1C028] =	vst v63  }
0x1f6: {  	_ = 	snop  }
0x1f7: {  	[tilespmem:s17], [sflag:$0x4] =	stream.indirect.gather [spmem:s2], $0x1, s16, s14, $0xb8;
	[tilespmem:$0x1C028] =	vst v63  }
0x1f8: {  	_ = 	snop  }
0x1f9: {  	[tilespmem:s19], [sflag:$0x5] =	stream.indirect.gather [spmem:s2], $0x1, s18, s14, $0xb8;
	[tilespmem:$0x1C028] =	vst v63  }
0x1fa: {  	_ = 	snop  }
0x1fb: {  	[tilespmem:s21], [sflag:$0x6] =	stream.indirect.gather [spmem:s2], $0x1, s20, s14, $0xb8;
	[tilespmem:$0x1C028] =	vst v63  }
0x1fc: {  	_ =	swait.ge [sflag:s22], $0xC80  }
0x1fd: {  	[sflag:s22] =	ssyncset.done $0x0  }
0x1fe: {  	s12 =	rddreg [dreg:$0x13];
	[sflag:s22] =	ssyncadd.s32 $0xFFFFF380  }
0x1ff: {  	[hbm4b:s12+s3] =	stream.linear.scatter [tilespmem:s15], [sflag:$0x7], $0xC80, $0x38;
	[tilespmem:$0x1C028] =	vst v63  }
0x200: {  	_ =	swait.ge [sflag:s23], $0xC80  }
0x201: {  	[sflag:s23] =	ssyncset.done $0x0  }
0x202: {  	s12 =	rddreg [dreg:$0x14];
	[sflag:s23] =	ssyncadd.s32 $0xFFFFF380  }
0x203: {  	[hbm4b:s12+s3] =	stream.linear.scatter [tilespmem:s17], [sflag:$0x7], $0xC80, $0x38;
	[tilespmem:$0x1C028] =	vst v63  }
0x204: {  	_ =	swait.ge [sflag:s24], $0xC80  }
0x205: {  	[sflag:s24] =	ssyncset.done $0x0  }
0x206: {  	s12 =	rddreg [dreg:$0x15];
	[sflag:s24] =	ssyncadd.s32 $0xFFFFF380  }
0x207: {  	[hbm4b:s12+s3] =	stream.linear.scatter [tilespmem:s19], [sflag:$0x7], $0xC80, $0x38;
	[tilespmem:$0x1C028] =	vst v63  }
0x208: {  	_ =	swait.ge [sflag:s25], $0xC80  }
0x209: {  	[sflag:s25] =	ssyncset.done $0x0  }
0x20a: {  	s11 =	rddreg [dreg:$0x16];
	[sflag:s25] =	ssyncadd.s32 $0xFFFFF380  }
0x20b: {  	[hbm4b:s11+s3] =	stream.linear.scatter [tilespmem:s21], [sflag:$0x7], $0xC80, $0x38;
	[tilespmem:$0x1C028] =	vst v63  }
0x20c: {  	s12 =	rddreg [dreg:$0x17]  }
0x20d: {  	[tilespmem:s5], [sflag:$0x1] =	stream.linear.gather [hbm4b:s12+s3], $0x3200, $0x38;
	[tilespmem:$0x1C028] =	vst v63  }
0x20e: {  	_ =	swait.ge [sflag:s4], $0xC80  }
0x20f: {  	[sflag:s4] =	ssyncset.done $0x0  }
0x210: {  	[sflag:s4] =	ssyncadd.s32 $0xFFFFF380  }
0x211: {  	_ =	swait.ge [sflag:s4], $0xC80  }
0x212: {  	[sflag:s4] =	ssyncset.done $0x0  }
0x213: {  	[sflag:s4] =	ssyncadd.s32 $0xFFFFF380  }
0x214: {  	_ =	swait.ge [sflag:s4], $0xC80  }
0x215: {  	[sflag:s4] =	ssyncset.done $0x0  }
0x216: {  	[sflag:s4] =	ssyncadd.s32 $0xFFFFF380  }
0x217: {  	_ =	swait.ge [sflag:s4], $0xC80  }
0x218: {  	[sflag:s4] =	ssyncset.done $0x0  }
0x219: {  	[sflag:s4] =	ssyncadd.s32 $0xFFFFF380  }
0x21a: {  	_ =	swait.ge [sflag:s26], $0x3200  }
0x21b: {  	[sflag:s26] =	ssyncset.done $0x0  }
0x21c: {  	[sflag:s26] =	ssyncadd.s32 $0xFFFFCE00  }
0x21d: {  	[tilespmem:s28], [sflag:$0x3] =	stream.indirect.gather [spmem:s2], $0x1, s6, s14, $0xb8;
	[tilespmem:$0x1C028] =	vst v63  }
0x21e: {  	_ = 	snop  }
0x21f: {  	[tilespmem:s30], [sflag:$0x4] =	stream.indirect.gather [spmem:s2], $0x1, s29, s14, $0xb8;
	[tilespmem:$0x1C028] =	vst v63  }
0x220: {  	_ = 	snop  }
0x221: {  	[tilespmem:s1], [sflag:$0x5] =	stream.indirect.gather [spmem:s2], $0x1, s31, s14, $0xb8;
	[tilespmem:$0x1C028] =	vst v63  }
0x222: {  	_ = 	snop  }
0x223: {  	[tilespmem:s7], [sflag:$0x6] =	stream.indirect.gather [spmem:s2], $0x1, s0, s14, $0xb8;
	[tilespmem:$0x1C028] =	vst v63  }
0x224: {  	_ =	swait.ge [sflag:s22], $0xC80  }
0x225: {  	[sflag:s22] =	ssyncset.done $0x0  }
0x226: {  	s12 =	rddreg [dreg:$0x18];
	[sflag:s22] =	ssyncadd.s32 $0xFFFFF380  }
0x227: {  	[hbm4b:s12+s3] =	stream.linear.scatter [tilespmem:s28], [sflag:$0x8], $0xC80, $0x38;
	[tilespmem:$0x1C028] =	vst v63  }
0x228: {  	_ =	swait.ge [sflag:s23], $0xC80  }
0x229: {  	[sflag:s23] =	ssyncset.done $0x0  }
0x22a: {  	s12 =	rddreg [dreg:$0x19];
	[sflag:s23] =	ssyncadd.s32 $0xFFFFF380  }
0x22b: {  	[hbm4b:s12+s3] =	stream.linear.scatter [tilespmem:s30], [sflag:$0x8], $0xC80, $0x38;
	[tilespmem:$0x1C028] =	vst v63  }
0x22c: {  	_ =	swait.ge [sflag:s24], $0xC80  }
0x22d: {  	[sflag:s24] =	ssyncset.done $0x0  }
0x22e: {  	s12 =	rddreg [dreg:$0x1a];
	[sflag:s24] =	ssyncadd.s32 $0xFFFFF380  }
0x22f: {  	[hbm4b:s12+s3] =	stream.linear.scatter [tilespmem:s1], [sflag:$0x8], $0xC80, $0x38;
	[tilespmem:$0x1C028] =	vst v63  }
0x230: {  	_ =	swait.ge [sflag:s25], $0xC80  }
0x231: {  	[sflag:s25] =	ssyncset.done $0x0  }
0x232: {  	s11 =	rddreg [dreg:$0x1b];
	[sflag:s25] =	ssyncadd.s32 $0xFFFFF380  }
0x233: {  	[hbm4b:s11+s3] =	stream.linear.scatter [tilespmem:s7], [sflag:$0x8], $0xC80, $0x38;
	[tilespmem:$0x1C028] =	vst v63  }
0x234: {  	s12 =	rddreg [dreg:$0x1c]  }
0x235: {  	[tilespmem:s6], [sflag:$0x2] =	stream.linear.gather [hbm4b:s12+s3], $0x3200, $0x38;
	[tilespmem:$0x1C028] =	vst v63  }
0x236: {  	_ =	swait.ge [sflag:s9], $0xC80  }
0x237: {  	[sflag:s9] =	ssyncset.done $0x0  }
0x238: {  	[sflag:s9] =	ssyncadd.s32 $0xFFFFF380  }
0x239: {  	_ =	swait.ge [sflag:s9], $0xC80  }
0x23a: {  	[sflag:s9] =	ssyncset.done $0x0  }
0x23b: {  	[sflag:s9] =	ssyncadd.s32 $0xFFFFF380  }
0x23c: {  	_ =	swait.ge [sflag:s9], $0xC80  }
0x23d: {  	[sflag:s9] =	ssyncset.done $0x0  }
0x23e: {  	[sflag:s9] =	ssyncadd.s32 $0xFFFFF380  }
0x23f: {  	_ =	swait.ge [sflag:s9], $0xC80  }
0x240: {  	[sflag:s9] =	ssyncset.done $0x0  }
0x241: {  	[sflag:s9] =	ssyncadd.s32 $0xFFFFF380  }
0x242: {  	_ =	swait.ge [sflag:s13], $0x3200  }
0x243: {  	[sflag:s13] =	ssyncset.done $0x0  }
0x244: {  	[sflag:s13] =	ssyncadd.s32 $0xFFFFCE00  }
0x245: {  	[tilespmem:s15], [sflag:$0x3] =	stream.indirect.gather [spmem:s2], $0x1, s5, s14, $0xb8;
	[tilespmem:$0x1C028] =	vst v63  }
0x246: {  	_ = 	snop  }
0x247: {  	[tilespmem:s17], [sflag:$0x4] =	stream.indirect.gather [spmem:s2], $0x1, s16, s14, $0xb8;
	[tilespmem:$0x1C028] =	vst v63  }
0x248: {  	_ = 	snop  }
0x249: {  	[tilespmem:s19], [sflag:$0x5] =	stream.indirect.gather [spmem:s2], $0x1, s18, s14, $0xb8;
	[tilespmem:$0x1C028] =	vst v63  }
0x24a: {  	_ = 	snop  }
0x24b: {  	[tilespmem:s21], [sflag:$0x6] =	stream.indirect.gather [spmem:s2], $0x1, s20, s14, $0xb8;
	[tilespmem:$0x1C028] =	vst v63  }
0x24c: {  	_ =	swait.ge [sflag:s22], $0xC80  }
0x24d: {  	[sflag:s22] =	ssyncset.done $0x0  }
0x24e: {  	s12 =	rddreg [dreg:$0x1d];
	[sflag:s22] =	ssyncadd.s32 $0xFFFFF380  }
0x24f: {  	[hbm4b:s12+s3] =	stream.linear.scatter [tilespmem:s15], [sflag:$0x7], $0xC80, $0x38;
	[tilespmem:$0x1C028] =	vst v63  }
0x250: {  	_ =	swait.ge [sflag:s23], $0xC80  }
0x251: {  	[sflag:s23] =	ssyncset.done $0x0  }
0x252: {  	s12 =	rddreg [dreg:$0x1e];
	[sflag:s23] =	ssyncadd.s32 $0xFFFFF380  }
0x253: {  	[hbm4b:s12+s3] =	stream.linear.scatter [tilespmem:s17], [sflag:$0x7], $0xC80, $0x38;
	[tilespmem:$0x1C028] =	vst v63  }
0x254: {  	_ =	swait.ge [sflag:s24], $0xC80  }
0x255: {  	[sflag:s24] =	ssyncset.done $0x0  }
0x256: {  	s12 =	rddreg [dreg:$0x1f];
	[sflag:s24] =	ssyncadd.s32 $0xFFFFF380  }
0x257: {  	[hbm4b:s12+s3] =	stream.linear.scatter [tilespmem:s19], [sflag:$0x7], $0xC80, $0x38;
	[tilespmem:$0x1C028] =	vst v63  }
0x258: {  	_ =	swait.ge [sflag:s25], $0xC80  }
0x259: {  	s11 =	sld [smem:$0x7EF]  }
0x25a: {  	[sflag:s25] =	ssyncset.done $0x0  }
0x25b: {  	s12 =	sld [smem:$0x7F0];
	[sflag:s25] =	ssyncadd.s32 $0xFFFFF380  }
0x25c: {  	[hbm4b:s11+s3] =	stream.linear.scatter [tilespmem:s21], [sflag:$0x7], $0xC80, $0x38;
	[tilespmem:$0x1C028] =	vst v63  }
0x25d: {  	_ = 	snop  }
0x25e: {  	[tilespmem:s5], [sflag:$0x1] =	stream.linear.gather [hbm4b:s12+s3], $0x3200, $0x38;
	[tilespmem:$0x1C028] =	vst v63  }
0x25f: {  	_ =	swait.ge [sflag:s4], $0xC80  }
0x260: {  	[sflag:s4] =	ssyncset.done $0x0  }
0x261: {  	[sflag:s4] =	ssyncadd.s32 $0xFFFFF380  }
0x262: {  	_ =	swait.ge [sflag:s4], $0xC80  }
0x263: {  	[sflag:s4] =	ssyncset.done $0x0  }
0x264: {  	[sflag:s4] =	ssyncadd.s32 $0xFFFFF380  }
0x265: {  	_ =	swait.ge [sflag:s4], $0xC80  }
0x266: {  	[sflag:s4] =	ssyncset.done $0x0  }
0x267: {  	[sflag:s4] =	ssyncadd.s32 $0xFFFFF380  }
0x268: {  	_ =	swait.ge [sflag:s4], $0xC80  }
0x269: {  	[sflag:s4] =	ssyncset.done $0x0  }
0x26a: {  	[sflag:s4] =	ssyncadd.s32 $0xFFFFF380  }
0x26b: {  	_ =	swait.ge [sflag:s26], $0x3200  }
0x26c: {  	[sflag:s26] =	ssyncset.done $0x0  }
0x26d: {  	[sflag:s26] =	ssyncadd.s32 $0xFFFFCE00  }
0x26e: {  	[tilespmem:s28], [sflag:$0x3] =	stream.indirect.gather [spmem:s2], $0x1, s6, s14, $0xb8;
	[tilespmem:$0x1C028] =	vst v63  }
0x26f: {  	_ = 	snop  }
0x270: {  	[tilespmem:s30], [sflag:$0x4] =	stream.indirect.gather [spmem:s2], $0x1, s29, s14, $0xb8;
	[tilespmem:$0x1C028] =	vst v63  }
0x271: {  	_ = 	snop  }
0x272: {  	[tilespmem:s1], [sflag:$0x5] =	stream.indirect.gather [spmem:s2], $0x1, s31, s14, $0xb8;
	[tilespmem:$0x1C028] =	vst v63  }
0x273: {  	_ = 	snop  }
0x274: {  	[tilespmem:s7], [sflag:$0x6] =	stream.indirect.gather [spmem:s2], $0x1, s0, s14, $0xb8;
	[tilespmem:$0x1C028] =	vst v63  }
0x275: {  	_ =	swait.ge [sflag:s22], $0xC80  }
0x276: {  	s12 =	sld [smem:$0x7F1]  }
0x277: {  	[sflag:s22] =	ssyncset.done $0x0  }
0x278: {  	[sflag:s22] =	ssyncadd.s32 $0xFFFFF380  }
0x279: {  	[hbm4b:s12+s3] =	stream.linear.scatter [tilespmem:s28], [sflag:$0x8], $0xC80, $0x38;
	[tilespmem:$0x1C028] =	vst v63  }
0x27a: {  	_ =	swait.ge [sflag:s23], $0xC80  }
0x27b: {  	s12 =	sld [smem:$0x7F2]  }
0x27c: {  	[sflag:s23] =	ssyncset.done $0x0  }
0x27d: {  	[sflag:s23] =	ssyncadd.s32 $0xFFFFF380  }
0x27e: {  	[hbm4b:s12+s3] =	stream.linear.scatter [tilespmem:s30], [sflag:$0x8], $0xC80, $0x38;
	[tilespmem:$0x1C028] =	vst v63  }
0x27f: {  	_ =	swait.ge [sflag:s24], $0xC80  }
0x280: {  	s12 =	sld [smem:$0x7F3]  }
0x281: {  	[sflag:s24] =	ssyncset.done $0x0  }
0x282: {  	[sflag:s24] =	ssyncadd.s32 $0xFFFFF380  }
0x283: {  	[hbm4b:s12+s3] =	stream.linear.scatter [tilespmem:s1], [sflag:$0x8], $0xC80, $0x38;
	[tilespmem:$0x1C028] =	vst v63  }
0x284: {  	_ =	swait.ge [sflag:s25], $0xC80  }
0x285: {  	s11 =	sld [smem:$0x7F4]  }
0x286: {  	[sflag:s25] =	ssyncset.done $0x0  }
0x287: {  	s12 =	sld [smem:$0x7F5];
	[sflag:s25] =	ssyncadd.s32 $0xFFFFF380  }
0x288: {  	[hbm4b:s11+s3] =	stream.linear.scatter [tilespmem:s7], [sflag:$0x8], $0xC80, $0x38;
	[tilespmem:$0x1C028] =	vst v63  }
0x289: {  	_ = 	snop  }
0x28a: {  	[tilespmem:s6], [sflag:$0x2] =	stream.linear.gather [hbm4b:s12+s3], $0x3200, $0x38;
	[tilespmem:$0x1C028] =	vst v63  }
0x28b: {  	_ =	swait.ge [sflag:s9], $0xC80  }
0x28c: {  	[sflag:s9] =	ssyncset.done $0x0  }
0x28d: {  	[sflag:s9] =	ssyncadd.s32 $0xFFFFF380  }
0x28e: {  	_ =	swait.ge [sflag:s9], $0xC80  }
0x28f: {  	[sflag:s9] =	ssyncset.done $0x0  }
0x290: {  	[sflag:s9] =	ssyncadd.s32 $0xFFFFF380  }
0x291: {  	_ =	swait.ge [sflag:s9], $0xC80  }
0x292: {  	[sflag:s9] =	ssyncset.done $0x0  }
0x293: {  	[sflag:s9] =	ssyncadd.s32 $0xFFFFF380  }
0x294: {  	_ =	swait.ge [sflag:s9], $0xC80  }
0x295: {  	[sflag:s9] =	ssyncset.done $0x0  }
0x296: {  	[sflag:s9] =	ssyncadd.s32 $0xFFFFF380  }
0x297: {  	_ =	swait.ge [sflag:s13], $0x3200  }
0x298: {  	[sflag:s13] =	ssyncset.done $0x0  }
0x299: {  	[sflag:s13] =	ssyncadd.s32 $0xFFFFCE00  }
0x29a: {  	[tilespmem:s15], [sflag:$0x3] =	stream.indirect.gather [spmem:s2], $0x1, s5, s14, $0xb8;
	[tilespmem:$0x1C028] =	vst v63  }
0x29b: {  	_ = 	snop  }
0x29c: {  	[tilespmem:s17], [sflag:$0x4] =	stream.indirect.gather [spmem:s2], $0x1, s16, s14, $0xb8;
	[tilespmem:$0x1C028] =	vst v63  }
0x29d: {  	_ = 	snop  }
0x29e: {  	[tilespmem:s19], [sflag:$0x5] =	stream.indirect.gather [spmem:s2], $0x1, s18, s14, $0xb8;
	[tilespmem:$0x1C028] =	vst v63  }
0x29f: {  	_ = 	snop  }
0x2a0: {  	[tilespmem:s21], [sflag:$0x6] =	stream.indirect.gather [spmem:s2], $0x1, s20, s14, $0xb8;
	[tilespmem:$0x1C028] =	vst v63  }
0x2a1: {  	_ =	swait.ge [sflag:s22], $0xC80  }
0x2a2: {  	s16 =	sld [smem:$0x7F6]  }
0x2a3: {  	[sflag:s22] =	ssyncset.done $0x0  }
0x2a4: {  	[sflag:s22] =	ssyncadd.s32 $0xFFFFF380  }
0x2a5: {  	[hbm4b:s16+s3] =	stream.linear.scatter [tilespmem:s15], [sflag:$0x7], $0xC80, $0x38;
	[tilespmem:$0x1C028] =	vst v63  }
0x2a6: {  	_ =	swait.ge [sflag:s23], $0xC80  }
0x2a7: {  	s18 =	sld [smem:$0x7F7]  }
0x2a8: {  	[sflag:s23] =	ssyncset.done $0x0  }
0x2a9: {  	[sflag:s23] =	ssyncadd.s32 $0xFFFFF380  }
0x2aa: {  	[hbm4b:s18+s3] =	stream.linear.scatter [tilespmem:s17], [sflag:$0x7], $0xC80, $0x38;
	[tilespmem:$0x1C028] =	vst v63  }
0x2ab: {  	_ =	swait.ge [sflag:s24], $0xC80  }
0x2ac: {  	s12 =	sld [smem:$0x7F8]  }
0x2ad: {  	[sflag:s24] =	ssyncset.done $0x0  }
0x2ae: {  	[sflag:s24] =	ssyncadd.s32 $0xFFFFF380  }
0x2af: {  	[hbm4b:s12+s3] =	stream.linear.scatter [tilespmem:s19], [sflag:$0x7], $0xC80, $0x38;
	[tilespmem:$0x1C028] =	vst v63  }
0x2b0: {  	_ =	swait.ge [sflag:s25], $0xC80  }
0x2b1: {  	s16 =	sld [smem:$0x7F9]  }
0x2b2: {  	[sflag:s25] =	ssyncset.done $0x0  }
0x2b3: {  	[sflag:s25] =	ssyncadd.s32 $0xFFFFF380  }
0x2b4: {  	[hbm4b:s16+s3] =	stream.linear.scatter [tilespmem:s21], [sflag:$0x7], $0xC80, $0x38;
	[tilespmem:$0x1C028] =	vst v63  }
0x2b5: {  	_ =	swait.ge [sflag:s4], $0xC80  }
0x2b6: {  	[sflag:s4] =	ssyncset.done $0x0  }
0x2b7: {  	[sflag:s4] =	ssyncadd.s32 $0xFFFFF380  }
0x2b8: {  	_ =	swait.ge [sflag:s4], $0xC80  }
0x2b9: {  	[sflag:s4] =	ssyncset.done $0x0  }
0x2ba: {  	[sflag:s4] =	ssyncadd.s32 $0xFFFFF380  }
0x2bb: {  	_ =	swait.ge [sflag:s4], $0xC80  }
0x2bc: {  	[sflag:s4] =	ssyncset.done $0x0  }
0x2bd: {  	[sflag:s4] =	ssyncadd.s32 $0xFFFFF380  }
0x2be: {  	_ =	swait.ge [sflag:s4], $0xC80  }
0x2bf: {  	[sflag:s4] =	ssyncset.done $0x0  }
0x2c0: {  	[sflag:s4] =	ssyncadd.s32 $0xFFFFF380  }
0x2c1: {  	_ =	swait.ge [sflag:s26], $0x3200  }
0x2c2: {  	[sflag:s26] =	ssyncset.done $0x0  }
0x2c3: {  	[sflag:s26] =	ssyncadd.s32 $0xFFFFCE00  }
0x2c4: {  	[tilespmem:s28], [sflag:$0x3] =	stream.indirect.gather [spmem:s2], $0x1, s6, s14, $0xb8;
	[tilespmem:$0x1C028] =	vst v63  }
0x2c5: {  	_ = 	snop  }
0x2c6: {  	[tilespmem:s30], [sflag:$0x4] =	stream.indirect.gather [spmem:s2], $0x1, s29, s14, $0xb8;
	[tilespmem:$0x1C028] =	vst v63  }
0x2c7: {  	_ = 	snop  }
0x2c8: {  	[tilespmem:s1], [sflag:$0x5] =	stream.indirect.gather [spmem:s2], $0x1, s31, s14, $0xb8;
	[tilespmem:$0x1C028] =	vst v63  }
0x2c9: {  	_ = 	snop  }
0x2ca: {  	[tilespmem:s7], [sflag:$0x6] =	stream.indirect.gather [spmem:s2], $0x1, s0, s14, $0xb8;
	[tilespmem:$0x1C028] =	vst v63  }
0x2cb: {  	_ =	swait.ge [sflag:s22], $0xC80  }
0x2cc: {  	s18 =	sld [smem:$0x7FA]  }
0x2cd: {  	[sflag:s22] =	ssyncset.done $0x0  }
0x2ce: {  	[sflag:s22] =	ssyncadd.s32 $0xFFFFF380  }
0x2cf: {  	[hbm4b:s18+s3] =	stream.linear.scatter [tilespmem:s28], [sflag:$0x8], $0xC80, $0x38;
	[tilespmem:$0x1C028] =	vst v63  }
0x2d0: {  	_ =	swait.ge [sflag:s23], $0xC80  }
0x2d1: {  	s12 =	sld [smem:$0x7FB]  }
0x2d2: {  	[sflag:s23] =	ssyncset.done $0x0  }
0x2d3: {  	[sflag:s23] =	ssyncadd.s32 $0xFFFFF380  }
0x2d4: {  	[hbm4b:s12+s3] =	stream.linear.scatter [tilespmem:s30], [sflag:$0x8], $0xC80, $0x38;
	[tilespmem:$0x1C028] =	vst v63  }
0x2d5: {  	_ =	swait.ge [sflag:s24], $0xC80  }
0x2d6: {  	s16 =	sld [smem:$0x7FC]  }
0x2d7: {  	[sflag:s24] =	ssyncset.done $0x0  }
0x2d8: {  	[sflag:s24] =	ssyncadd.s32 $0xFFFFF380  }
0x2d9: {  	[hbm4b:s16+s3] =	stream.linear.scatter [tilespmem:s1], [sflag:$0x8], $0xC80, $0x38;
	[tilespmem:$0x1C028] =	vst v63  }
0x2da: {  	_ =	swait.ge [sflag:s25], $0xC80  }
0x2db: {  	s18 =	sld [smem:$0x7FD]  }
0x2dc: {  	[sflag:s25] =	ssyncset.done $0x0  }
0x2dd: {  	[sflag:s25] =	ssyncadd.s32 $0xFFFFF380  }
0x2de: {  	[hbm4b:s18+s3] =	stream.linear.scatter [tilespmem:s7], [sflag:$0x8], $0xC80, $0x38;
	[tilespmem:$0x1C028] =	vst v63  }
0x2df: {  	_ =	swait.ge [sflag:s9], $0xC80  }
0x2e0: {  	[sflag:s9] =	ssyncset.done $0x0  }
0x2e1: {  	[sflag:s9] =	ssyncadd.s32 $0xFFFFF380  }
0x2e2: {  	_ =	swait.ge [sflag:s9], $0xC80  }
0x2e3: {  	[sflag:s9] =	ssyncset.done $0x0  }
0x2e4: {  	[sflag:s9] =	ssyncadd.s32 $0xFFFFF380  }
0x2e5: {  	_ =	swait.ge [sflag:s9], $0xC80  }
0x2e6: {  	[sflag:s9] =	ssyncset.done $0x0  }
0x2e7: {  	[sflag:s9] =	ssyncadd.s32 $0xFFFFF380  }
0x2e8: {  	_ =	swait.ge [sflag:s9], $0xC80  }
0x2e9: {  	[sflag:s9] =	ssyncset.done $0x0  }
0x2ea: {  	[sflag:s9] =	ssyncadd.s32 $0xFFFFF380  }
0x2eb: {  	_ =	swait.ge [sflag:s4], $0xC80  }
0x2ec: {  	[sflag:s4] =	ssyncset.done $0x0  }
0x2ed: {  	[sflag:s4] =	ssyncadd.s32 $0xFFFFF380  }
0x2ee: {  	s10 =	sadd.s32 $0xFFFFFFFF, s10;
	_ =	swait.ge [sflag:s4], $0xC80  }
0x2ef: {  	p1 =	sne.s32 s10, $0x0;
	[sflag:s4] =	ssyncset.done $0x0  }
.Ltmp1:
0x2f0: {  	[sflag:s4] =	ssyncadd.s32 $0xFFFFF380;
	(pc) =	sbr.rel @p1 .LBB2_1-.Ltmp1, $4  }
0x2f1: {  	_ =	swait.ge [sflag:s4], $0xC80  }
0x2f2: {  	[sflag:s4] =	ssyncset.done $0x0  }
0x2f3: {  	[sflag:s4] =	ssyncadd.s32 $0xFFFFF380  }
0x2f4: {  	_ =	swait.ge [sflag:s4], $0xC80  }
.LBB2_2:
0x2f5: {  	[sflag:s4] =	ssyncset.done $0x0  }
0x2f6: {  	[sflag:s4] =	ssyncadd.s32 $0xFFFFF380  }
0x2f7: {  	_ =	sfence.sel $0x180000  }
0x2f8: {  	[bflag:$0x0] =	sbarrier.arrive $0xFFFF  }
0x2f9: {  	_ =	strace $0x90000047  }
0x2fa: {  	s0 =	stileid.u32;
	[bflag:$0x2] =	sbarrier.arrive $0xFFFF  }
0x2fb: {  	p0 =	sne.s32 s0, $0x0;
	s0 =	rddreg [dreg:$0x3]  }
0x2fc: {  	s0 =	sadd.s32 @!p0 $0x100000, s0  }
0x2fd: {  	[sflag:s0] =	ssyncadd.tile.s32 @!p0 $0x1;
	_ =	shalt  }
.Lfunc_end2:
_tile_overlayer_lowered:
.L_overlay_start_2:
0x2fe: {  	(tag) =	ssettag $0x2  }
0x2ff: {  	s0 =	rddreg [dreg:$0x0];
	s2 =	stileid.u32  }
0x300: {  	s1 =	rddreg [dreg:$0x1];
	p0 =	sne.s32 s2, $0x0  }
0x301: {  	s3 =	rddreg [dreg:$0x2];
	[bflag:$0x3] =	sbarrier.arrive $0xFFFF;
	s2 =	simm.s32 @!p0 $0x1C09  }
0x302: {  	[timem:s3], [sflag:s2] =	dma.local @!p0 [hbm:s0], s1  }
0x303: {  	s0 =	simm.s32 @!p0 $0x9  }
0x304: {  	_ =	swait.ge @!p0 [sflag:s0], s1  }
0x305: {  	s1 =	ssub.s32 @!p0 $0x0, s1;
	[sflag:s0] =	ssyncset.done @!p0 $0x0  }
0x306: {  	[sflag:s0] =	ssyncadd.s32 @!p0 s1  }
0x307: {  	[bflag:$0x3] =	sbarrier.arrive $0xFFFF  }
0x308: {  	_ =	shalt  }

</sc_bundles>
